<compile_context>
chip_gen: v7x
topology: tpu7x:2x2x1
jax: 0.10.2.dev20260603
libtpu: 0.0.44.dev20260713+nightly
codegen_flags: <defaults>
</compile_context>

<pallas_src>
import functools

import jax
import jax.numpy as jnp
from jax import lax
from jax.experimental import pallas as pl
from jax.experimental.pallas import tpu as pltpu
from jax.experimental.pallas import tpu_sc as plsc


def _build_gather(VT, D, B):
    info = plsc.get_sparse_core_info()
    NC, NS = info.num_cores, info.num_subcores
    NW = NC * NS
    assert B % (8 * NW) == 0
    b_per_w = B // NW
    mesh = plsc.VectorSubcoreMesh(core_axis_name="c", subcore_axis_name="s")

    @functools.partial(
        pl.kernel,
        mesh=mesh,
        out_type=jax.ShapeDtypeStruct((B, D), jnp.float32),
        scratch_types=[
            pltpu.VMEM((b_per_w,), jnp.int32),
            pltpu.VMEM((b_per_w, D), jnp.float32),
            pltpu.SemaphoreType.DMA,
        ],
    )
    def gather_k(table_hbm, idx_hbm, out_hbm, idx_v, rows_v, sem):
        wid = lax.axis_index("s") * NC + lax.axis_index("c")
        base = wid * b_per_w
        pltpu.sync_copy(idx_hbm.at[pl.ds(base, b_per_w)], idx_v)

        U = 32

        def issue(k0):
            for j0 in range(0, U, 16):
                v = idx_v[pl.ds(k0 + j0, 16)]
                for j in range(16):
                    i = v[j]
                    pltpu.async_copy(table_hbm.at[i >> 3, i & 7, :],
                                     rows_v.at[k0 + j0 + j, :], sem)

        def drain(k0):
            pltpu.make_async_copy(
                out_hbm.at[pl.ds(0, U)], rows_v.at[pl.ds(k0, U)], sem).wait()

        issue(0)

        def burst(g, carry):
            k0 = g * U
            issue(k0)
            drain(k0 - U)
            return carry

        lax.fori_loop(1, b_per_w // U, burst, 0)
        drain(b_per_w - U)
        pltpu.sync_copy(rows_v, out_hbm.at[pl.ds(base, b_per_w)])

    return gather_k


def _mlp_body(h_ref, w1_ref, b1_ref, w2_ref, b2_ref, o_ref):
    h = h_ref[...]
    y = lax.dot_general(h, w1_ref[...], (((1,), (1,)), ((), ())),
                        preferred_element_type=jnp.float32)
    y = jnp.maximum(y + b1_ref[...], 0.0)
    z = lax.dot_general(w2_ref[...], y, (((1,), (1,)), ((), ())),
                        preferred_element_type=jnp.float32)
    o_ref[...] = z + b2_ref[0, 0]


def kernel(x, emb, W1, b1, W2, b2):
    V, D = emb.shape
    (B,) = x.shape
    idx = x.astype(jnp.int32)
    table3 = emb.reshape(V // 8, 8, D)

    gathered = _build_gather(V // 8, D, B)(table3, idx)

    BLK = 4096
    out = pl.pallas_call(
        _mlp_body,
        grid=(B // BLK,),
        in_specs=[
            pl.BlockSpec((BLK, D), lambda i: (i, 0)),
            pl.BlockSpec((D, D), lambda i: (0, 0)),
            pl.BlockSpec((1, D), lambda i: (0, 0)),
            pl.BlockSpec((1, D), lambda i: (0, 0)),
            pl.BlockSpec((1, 1), lambda i: (0, 0)),
        ],
        out_specs=pl.BlockSpec((1, BLK), lambda i: (0, i)),
        out_shape=jax.ShapeDtypeStruct((1, B), jnp.float32),
    )(gathered, W1, b1.reshape(1, D), W2, b2.reshape(1, 1))
    return out.reshape(B, 1)

# --- scband reference (transcript-rebuilt; emitter-appended) ---
"""Pipeline reference for scband-vnet-41412074668733 (READ-ONLY COPY).

The authoritative reference and input builder live on the scoring server;
editing this copy changes nothing except your own understanding.
"""

import jax, jax.numpy as jnp
import numpy as np

VOCAB = 1000000
HID = 64
BATCH = 16384


def setup_inputs(seed: int = 0) -> dict:
    key = jax.random.key(seed)
    k1, k2, k3, k4 = jax.random.split(key, 4)
    x = jax.random.randint(k1, (BATCH,), 0, VOCAB)
    emb = jax.random.normal(k2, (VOCAB, HID), dtype=jnp.float32)
    # nn.Linear weights initialized with kaiming_normal_, biases with 0
    W1 = jax.random.normal(k3, (HID, HID), dtype=jnp.float32) * np.sqrt(2.0 / HID)
    b1 = jnp.zeros((HID,), dtype=jnp.float32)
    W2 = jax.random.normal(k4, (1, HID), dtype=jnp.float32) * np.sqrt(2.0 / HID)
    b2 = jnp.zeros((1,), dtype=jnp.float32)
    return {"x": x, "emb": emb, "W1": W1, "b1": b1, "W2": W2, "b2": b2}


def reference(x, emb, W1, b1, W2, b2):
    # nn.Embedding lookup (x.long() already int)
    h = jnp.take(emb, x, axis=0)
    # nn.Linear(hid, hid): y = h @ W.T + b
    h = h @ W1.T + b1
    # ReLU
    h = jax.nn.relu(h)
    # Dropout is identity in eval/inference mode
    # nn.Linear(hid, 1)
    out = h @ W2.T + b2
    return out

if __name__ == "__main__":
    import jax
    _d = setup_inputs()
    print(jax.jit(kernel)(*tuple(_d.values())))

</pallas_src>

<mosaic_0001>
#map = affine_map<(d0, d1) -> (0, 0, 0)>
#map1 = affine_map<(d0, d1) -> (0)>
#map2 = affine_map<(d0, d1) -> (0, 0)>
module attributes {stable_mosaic.version = 14 : i64} {
  func.func @gather_k(%arg0: i32, %arg1: i32, %arg2: memref<125000x8x64xf32, #tpu.memory_space<hbm>>, %arg3: memref<16384xi32, #tpu.memory_space<hbm>>, %arg4: memref<16384x64xf32, #tpu.memory_space<hbm>>, %arg5: memref<512xi32, #tpu.memory_space<vmem>>, %arg6: memref<512x64xf32, #tpu.memory_space<vmem>>, %arg7: memref<!tpu.dma_semaphore, #tpu.memory_space<semaphore_mem>>) attributes {dimension_semantics = [#tpu.dimension_semantics<core_parallel>, #tpu.dimension_semantics<subcore_parallel>], iteration_bounds = array<i64: 2, 16>, scalar_prefetch = 0 : i64, scratch_operands = 3 : i64, tpu.core_type = #tpu.core_type<sc_vector_subcore>, window_params = [{transform_indices = #map}, {transform_indices = #map1}, {transform_indices = #map2}]} {
    %mul3A = arith.constant 2 : i32
    %mul3A_0 = arith.muli %arg1, %mul3A : i32
    %add3A = arith.addi %mul3A_0, %arg0 : i32
    %mul3A_1 = arith.constant 512 : i32
    %mul3A_2 = arith.muli %add3A, %mul3A_1 : i32
    "tpu.region"() ({
      %run_scoped3A = tpu.sem_alloc : memref<!tpu.dma_semaphore, #tpu.memory_space<semaphore_mem>>
      %dma_start3A_627 = tpu.memref_slice %arg3[%mul3A_2] : memref<16384xi32, #tpu.memory_space<hbm>> -> memref<512xi32, #tpu.memory_space<hbm>>
      %dma_start3A_628 = tpu.memref_slice %arg3[%mul3A_2] : memref<16384xi32, #tpu.memory_space<hbm>> -> memref<512xi32, #tpu.memory_space<hbm>>
      tpu.enqueue_dma source(%dma_start3A_628 : memref<512xi32, #tpu.memory_space<hbm>>) target(%arg5 : memref<512xi32, #tpu.memory_space<vmem>>) target_semaphore(%run_scoped3A : memref<!tpu.dma_semaphore, #tpu.memory_space<semaphore_mem>>)
      %dma_wait3A_629 = tpu.memref_slice %arg3[%mul3A_2] : memref<16384xi32, #tpu.memory_space<hbm>> -> memref<512xi32, #tpu.memory_space<hbm>>
      %dma_wait3A_630 = tpu.memref_slice %arg3[%mul3A_2] : memref<16384xi32, #tpu.memory_space<hbm>> -> memref<512xi32, #tpu.memory_space<hbm>>
      tpu.wait_dma2 semaphore(%run_scoped3A : memref<!tpu.dma_semaphore, #tpu.memory_space<semaphore_mem>>) src(%dma_wait3A_630 : memref<512xi32, #tpu.memory_space<hbm>>) dst(%arg5 : memref<512xi32, #tpu.memory_space<vmem>>)
      tpu.yield
    }) : () -> ()
    %get3A = arith.constant 0 : index
    %get3A_3 = tpu.vector_load %arg5[%get3A] {strides = array<i32>} : memref<512xi32, #tpu.memory_space<vmem>>, vector<16xi32>,
    %get3A_4 = vector.shape_cast %get3A_3 : vector<16xi32> to vector<16xi32>
    %slice3A = vector.extract_strided_slice %get3A_4 {offsets = [0], sizes = [1], strides = [1]} : vector<16xi32> to vector<1xi32>
    %squeeze3A = vector.extract %slice3A[0] : i32 from vector<1xi32>
    %shift_right_arithmetic3A = arith.constant 3 : i32
    %shift_right_arithmetic3A_5 = arith.shrsi %squeeze3A, %shift_right_arithmetic3A : i32
    %and3A = arith.constant 7 : i32
    %and3A_6 = arith.andi %squeeze3A, %and3A : i32
    %dma_start3A = arith.constant 0 : i32
    %dma_start3A_7 = arith.constant 0 : i32
    %dma_start3A_8 = tpu.memref_slice %arg6[%dma_start3A, %dma_start3A_7] : memref<512x64xf32, #tpu.memory_space<vmem>> -> memref<1x64xf32, #tpu.memory_space<vmem>>
    %dma_start3A_9 = tpu.memref_squeeze %dma_start3A_8 : memref<1x64xf32, #tpu.memory_space<vmem>> -> memref<64xf32, #tpu.memory_space<vmem>>
    %dma_start3A_10 = arith.constant 0 : i32
    %dma_start3A_11 = tpu.memref_slice %arg2[%shift_right_arithmetic3A_5, %and3A_6, %dma_start3A_10] : memref<125000x8x64xf32, #tpu.memory_space<hbm>> -> memref<1x1x64xf32, #tpu.memory_space<hbm>>
    %dma_start3A_12 = tpu.memref_squeeze %dma_start3A_11 : memref<1x1x64xf32, #tpu.memory_space<hbm>> -> memref<64xf32, #tpu.memory_space<hbm>>
    %dma_start3A_13 = arith.constant 0 : i32
    %dma_start3A_14 = tpu.memref_slice %arg6[%dma_start3A, %dma_start3A_13] : memref<512x64xf32, #tpu.memory_space<vmem>> -> memref<1x64xf32, #tpu.memory_space<vmem>>
    %dma_start3A_15 = tpu.memref_squeeze %dma_start3A_14 : memref<1x64xf32, #tpu.memory_space<vmem>> -> memref<64xf32, #tpu.memory_space<vmem>>
    %dma_start3A_16 = arith.constant 0 : i32
    %dma_start3A_17 = tpu.memref_slice %arg2[%shift_right_arithmetic3A_5, %and3A_6, %dma_start3A_16] : memref<125000x8x64xf32, #tpu.memory_space<hbm>> -> memref<1x1x64xf32, #tpu.memory_space<hbm>>
    %dma_start3A_18 = tpu.memref_squeeze %dma_start3A_17 : memref<1x1x64xf32, #tpu.memory_space<hbm>> -> memref<64xf32, #tpu.memory_space<hbm>>
    tpu.enqueue_dma source(%dma_start3A_18 : memref<64xf32, #tpu.memory_space<hbm>>) target(%dma_start3A_15 : memref<64xf32, #tpu.memory_space<vmem>>) target_semaphore(%arg7 : memref<!tpu.dma_semaphore, #tpu.memory_space<semaphore_mem>>)
    %slice3A_19 = vector.extract_strided_slice %get3A_4 {offsets = [1], sizes = [1], strides = [1]} : vector<16xi32> to vector<1xi32>
    %squeeze3A_20 = vector.extract %slice3A_19[0] : i32 from vector<1xi32>
    %shift_right_arithmetic3A_21 = arith.constant 3 : i32
    %shift_right_arithmetic3A_22 = arith.shrsi %squeeze3A_20, %shift_right_arithmetic3A_21 : i32
    %and3A_23 = arith.constant 7 : i32
    %and3A_24 = arith.andi %squeeze3A_20, %and3A_23 : i32
    %dma_start3A_25 = arith.constant 1 : i32
    %dma_start3A_26 = arith.constant 0 : i32
    %dma_start3A_27 = tpu.memref_slice %arg6[%dma_start3A_25, %dma_start3A_26] : memref<512x64xf32, #tpu.memory_space<vmem>> -> memref<1x64xf32, #tpu.memory_space<vmem>>
    %dma_start3A_28 = tpu.memref_squeeze %dma_start3A_27 : memref<1x64xf32, #tpu.memory_space<vmem>> -> memref<64xf32, #tpu.memory_space<vmem>>
    %dma_start3A_29 = arith.constant 0 : i32
    %dma_start3A_30 = tpu.memref_slice %arg2[%shift_right_arithmetic3A_22, %and3A_24, %dma_start3A_29] : memref<125000x8x64xf32, #tpu.memory_space<hbm>> -> memref<1x1x64xf32, #tpu.memory_space<hbm>>
    %dma_start3A_31 = tpu.memref_squeeze %dma_start3A_30 : memref<1x1x64xf32, #tpu.memory_space<hbm>> -> memref<64xf32, #tpu.memory_space<hbm>>
    %dma_start3A_32 = arith.constant 0 : i32
    %dma_start3A_33 = tpu.memref_slice %arg6[%dma_start3A_25, %dma_start3A_32] : memref<512x64xf32, #tpu.memory_space<vmem>> -> memref<1x64xf32, #tpu.memory_space<vmem>>
    %dma_start3A_34 = tpu.memref_squeeze %dma_start3A_33 : memref<1x64xf32, #tpu.memory_space<vmem>> -> memref<64xf32, #tpu.memory_space<vmem>>
    %dma_start3A_35 = arith.constant 0 : i32
    %dma_start3A_36 = tpu.memref_slice %arg2[%shift_right_arithmetic3A_22, %and3A_24, %dma_start3A_35] : memref<125000x8x64xf32, #tpu.memory_space<hbm>> -> memref<1x1x64xf32, #tpu.memory_space<hbm>>
    %dma_start3A_37 = tpu.memref_squeeze %dma_start3A_36 : memref<1x1x64xf32, #tpu.memory_space<hbm>> -> memref<64xf32, #tpu.memory_space<hbm>>
    tpu.enqueue_dma source(%dma_start3A_37 : memref<64xf32, #tpu.memory_space<hbm>>) target(%dma_start3A_34 : memref<64xf32, #tpu.memory_space<vmem>>) target_semaphore(%arg7 : memref<!tpu.dma_semaphore, #tpu.memory_space<semaphore_mem>>)
    %slice3A_38 = vector.extract_strided_slice %get3A_4 {offsets = [2], sizes = [1], strides = [1]} : vector<16xi32> to vector<1xi32>
    %squeeze3A_39 = vector.extract %slice3A_38[0] : i32 from vector<1xi32>
    %shift_right_arithmetic3A_40 = arith.constant 3 : i32
    %shift_right_arithmetic3A_41 = arith.shrsi %squeeze3A_39, %shift_right_arithmetic3A_40 : i32
    %and3A_42 = arith.constant 7 : i32
    %and3A_43 = arith.andi %squeeze3A_39, %and3A_42 : i32
    %dma_start3A_44 = arith.constant 2 : i32
    %dma_start3A_45 = arith.constant 0 : i32
    %dma_start3A_46 = tpu.memref_slice %arg6[%dma_start3A_44, %dma_start3A_45] : memref<512x64xf32, #tpu.memory_space<vmem>> -> memref<1x64xf32, #tpu.memory_space<vmem>>
    %dma_start3A_47 = tpu.memref_squeeze %dma_start3A_46 : memref<1x64xf32, #tpu.memory_space<vmem>> -> memref<64xf32, #tpu.memory_space<vmem>>
    %dma_start3A_48 = arith.constant 0 : i32
    %dma_start3A_49 = tpu.memref_slice %arg2[%shift_right_arithmetic3A_41, %and3A_43, %dma_start3A_48] : memref<125000x8x64xf32, #tpu.memory_space<hbm>> -> memref<1x1x64xf32, #tpu.memory_space<hbm>>
    %dma_start3A_50 = tpu.memref_squeeze %dma_start3A_49 : memref<1x1x64xf32, #tpu.memory_space<hbm>> -> memref<64xf32, #tpu.memory_space<hbm>>
    %dma_start3A_51 = arith.constant 0 : i32
    %dma_start3A_52 = tpu.memref_slice %arg6[%dma_start3A_44, %dma_start3A_51] : memref<512x64xf32, #tpu.memory_space<vmem>> -> memref<1x64xf32, #tpu.memory_space<vmem>>
    %dma_start3A_53 = tpu.memref_squeeze %dma_start3A_52 : memref<1x64xf32, #tpu.memory_space<vmem>> -> memref<64xf32, #tpu.memory_space<vmem>>
    %dma_start3A_54 = arith.constant 0 : i32
    %dma_start3A_55 = tpu.memref_slice %arg2[%shift_right_arithmetic3A_41, %and3A_43, %dma_start3A_54] : memref<125000x8x64xf32, #tpu.memory_space<hbm>> -> memref<1x1x64xf32, #tpu.memory_space<hbm>>
    %dma_start3A_56 = tpu.memref_squeeze %dma_start3A_55 : memref<1x1x64xf32, #tpu.memory_space<hbm>> -> memref<64xf32, #tpu.memory_space<hbm>>
    tpu.enqueue_dma source(%dma_start3A_56 : memref<64xf32, #tpu.memory_space<hbm>>) target(%dma_start3A_53 : memref<64xf32, #tpu.memory_space<vmem>>) target_semaphore(%arg7 : memref<!tpu.dma_semaphore, #tpu.memory_space<semaphore_mem>>)
    %slice3A_57 = vector.extract_strided_slice %get3A_4 {offsets = [3], sizes = [1], strides = [1]} : vector<16xi32> to vector<1xi32>
    %squeeze3A_58 = vector.extract %slice3A_57[0] : i32 from vector<1xi32>
    %shift_right_arithmetic3A_59 = arith.constant 3 : i32
    %shift_right_arithmetic3A_60 = arith.shrsi %squeeze3A_58, %shift_right_arithmetic3A_59 : i32
    %and3A_61 = arith.constant 7 : i32
    %and3A_62 = arith.andi %squeeze3A_58, %and3A_61 : i32
    %dma_start3A_63 = arith.constant 3 : i32
    %dma_start3A_64 = arith.constant 0 : i32
    %dma_start3A_65 = tpu.memref_slice %arg6[%dma_start3A_63, %dma_start3A_64] : memref<512x64xf32, #tpu.memory_space<vmem>> -> memref<1x64xf32, #tpu.memory_space<vmem>>
    %dma_start3A_66 = tpu.memref_squeeze %dma_start3A_65 : memref<1x64xf32, #tpu.memory_space<vmem>> -> memref<64xf32, #tpu.memory_space<vmem>>
    %dma_start3A_67 = arith.constant 0 : i32
    %dma_start3A_68 = tpu.memref_slice %arg2[%shift_right_arithmetic3A_60, %and3A_62, %dma_start3A_67] : memref<125000x8x64xf32, #tpu.memory_space<hbm>> -> memref<1x1x64xf32, #tpu.memory_space<hbm>>
    %dma_start3A_69 = tpu.memref_squeeze %dma_start3A_68 : memref<1x1x64xf32, #tpu.memory_space<hbm>> -> memref<64xf32, #tpu.memory_space<hbm>>
    %dma_start3A_70 = arith.constant 0 : i32
    %dma_start3A_71 = tpu.memref_slice %arg6[%dma_start3A_63, %dma_start3A_70] : memref<512x64xf32, #tpu.memory_space<vmem>> -> memref<1x64xf32, #tpu.memory_space<vmem>>
    %dma_start3A_72 = tpu.memref_squeeze %dma_start3A_71 : memref<1x64xf32, #tpu.memory_space<vmem>> -> memref<64xf32, #tpu.memory_space<vmem>>
    %dma_start3A_73 = arith.constant 0 : i32
    %dma_start3A_74 = tpu.memref_slice %arg2[%shift_right_arithmetic3A_60, %and3A_62, %dma_start3A_73] : memref<125000x8x64xf32, #tpu.memory_space<hbm>> -> memref<1x1x64xf32, #tpu.memory_space<hbm>>
    %dma_start3A_75 = tpu.memref_squeeze %dma_start3A_74 : memref<1x1x64xf32, #tpu.memory_space<hbm>> -> memref<64xf32, #tpu.memory_space<hbm>>
    tpu.enqueue_dma source(%dma_start3A_75 : memref<64xf32, #tpu.memory_space<hbm>>) target(%dma_start3A_72 : memref<64xf32, #tpu.memory_space<vmem>>) target_semaphore(%arg7 : memref<!tpu.dma_semaphore, #tpu.memory_space<semaphore_mem>>)
    %slice3A_76 = vector.extract_strided_slice %get3A_4 {offsets = [4], sizes = [1], strides = [1]} : vector<16xi32> to vector<1xi32>
    %squeeze3A_77 = vector.extract %slice3A_76[0] : i32 from vector<1xi32>
    %shift_right_arithmetic3A_78 = arith.constant 3 : i32
    %shift_right_arithmetic3A_79 = arith.shrsi %squeeze3A_77, %shift_right_arithmetic3A_78 : i32
    %and3A_80 = arith.constant 7 : i32
    %and3A_81 = arith.andi %squeeze3A_77, %and3A_80 : i32
    %dma_start3A_82 = arith.constant 4 : i32
    %dma_start3A_83 = arith.constant 0 : i32
    %dma_start3A_84 = tpu.memref_slice %arg6[%dma_start3A_82, %dma_start3A_83] : memref<512x64xf32, #tpu.memory_space<vmem>> -> memref<1x64xf32, #tpu.memory_space<vmem>>
    %dma_start3A_85 = tpu.memref_squeeze %dma_start3A_84 : memref<1x64xf32, #tpu.memory_space<vmem>> -> memref<64xf32, #tpu.memory_space<vmem>>
    %dma_start3A_86 = arith.constant 0 : i32
    %dma_start3A_87 = tpu.memref_slice %arg2[%shift_right_arithmetic3A_79, %and3A_81, %dma_start3A_86] : memref<125000x8x64xf32, #tpu.memory_space<hbm>> -> memref<1x1x64xf32, #tpu.memory_space<hbm>>
    %dma_start3A_88 = tpu.memref_squeeze %dma_start3A_87 : memref<1x1x64xf32, #tpu.memory_space<hbm>> -> memref<64xf32, #tpu.memory_space<hbm>>
    %dma_start3A_89 = arith.constant 0 : i32
    %dma_start3A_90 = tpu.memref_slice %arg6[%dma_start3A_82, %dma_start3A_89] : memref<512x64xf32, #tpu.memory_space<vmem>> -> memref<1x64xf32, #tpu.memory_space<vmem>>
    %dma_start3A_91 = tpu.memref_squeeze %dma_start3A_90 : memref<1x64xf32, #tpu.memory_space<vmem>> -> memref<64xf32, #tpu.memory_space<vmem>>
    %dma_start3A_92 = arith.constant 0 : i32
    %dma_start3A_93 = tpu.memref_slice %arg2[%shift_right_arithmetic3A_79, %and3A_81, %dma_start3A_92] : memref<125000x8x64xf32, #tpu.memory_space<hbm>> -> memref<1x1x64xf32, #tpu.memory_space<hbm>>
    %dma_start3A_94 = tpu.memref_squeeze %dma_start3A_93 : memref<1x1x64xf32, #tpu.memory_space<hbm>> -> memref<64xf32, #tpu.memory_space<hbm>>
    tpu.enqueue_dma source(%dma_start3A_94 : memref<64xf32, #tpu.memory_space<hbm>>) target(%dma_start3A_91 : memref<64xf32, #tpu.memory_space<vmem>>) target_semaphore(%arg7 : memref<!tpu.dma_semaphore, #tpu.memory_space<semaphore_mem>>)
    %slice3A_95 = vector.extract_strided_slice %get3A_4 {offsets = [5], sizes = [1], strides = [1]} : vector<16xi32> to vector<1xi32>
    %squeeze3A_96 = vector.extract %slice3A_95[0] : i32 from vector<1xi32>
    %shift_right_arithmetic3A_97 = arith.constant 3 : i32
    %shift_right_arithmetic3A_98 = arith.shrsi %squeeze3A_96, %shift_right_arithmetic3A_97 : i32
    %and3A_99 = arith.constant 7 : i32
    %and3A_100 = arith.andi %squeeze3A_96, %and3A_99 : i32
    %dma_start3A_101 = arith.constant 5 : i32
    %dma_start3A_102 = arith.constant 0 : i32
    %dma_start3A_103 = tpu.memref_slice %arg6[%dma_start3A_101, %dma_start3A_102] : memref<512x64xf32, #tpu.memory_space<vmem>> -> memref<1x64xf32, #tpu.memory_space<vmem>>
    %dma_start3A_104 = tpu.memref_squeeze %dma_start3A_103 : memref<1x64xf32, #tpu.memory_space<vmem>> -> memref<64xf32, #tpu.memory_space<vmem>>
    %dma_start3A_105 = arith.constant 0 : i32
    %dma_start3A_106 = tpu.memref_slice %arg2[%shift_right_arithmetic3A_98, %and3A_100, %dma_start3A_105] : memref<125000x8x64xf32, #tpu.memory_space<hbm>> -> memref<1x1x64xf32, #tpu.memory_space<hbm>>
    %dma_start3A_107 = tpu.memref_squeeze %dma_start3A_106 : memref<1x1x64xf32, #tpu.memory_space<hbm>> -> memref<64xf32, #tpu.memory_space<hbm>>
    %dma_start3A_108 = arith.constant 0 : i32
    %dma_start3A_109 = tpu.memref_slice %arg6[%dma_start3A_101, %dma_start3A_108] : memref<512x64xf32, #tpu.memory_space<vmem>> -> memref<1x64xf32, #tpu.memory_space<vmem>>
    %dma_start3A_110 = tpu.memref_squeeze %dma_start3A_109 : memref<1x64xf32, #tpu.memory_space<vmem>> -> memref<64xf32, #tpu.memory_space<vmem>>
    %dma_start3A_111 = arith.constant 0 : i32
    %dma_start3A_112 = tpu.memref_slice %arg2[%shift_right_arithmetic3A_98, %and3A_100, %dma_start3A_111] : memref<125000x8x64xf32, #tpu.memory_space<hbm>> -> memref<1x1x64xf32, #tpu.memory_space<hbm>>
    %dma_start3A_113 = tpu.memref_squeeze %dma_start3A_112 : memref<1x1x64xf32, #tpu.memory_space<hbm>> -> memref<64xf32, #tpu.memory_space<hbm>>
    tpu.enqueue_dma source(%dma_start3A_113 : memref<64xf32, #tpu.memory_space<hbm>>) target(%dma_start3A_110 : memref<64xf32, #tpu.memory_space<vmem>>) target_semaphore(%arg7 : memref<!tpu.dma_semaphore, #tpu.memory_space<semaphore_mem>>)
    %slice3A_114 = vector.extract_strided_slice %get3A_4 {offsets = [6], sizes = [1], strides = [1]} : vector<16xi32> to vector<1xi32>
    %squeeze3A_115 = vector.extract %slice3A_114[0] : i32 from vector<1xi32>
    %shift_right_arithmetic3A_116 = arith.constant 3 : i32
    %shift_right_arithmetic3A_117 = arith.shrsi %squeeze3A_115, %shift_right_arithmetic3A_116 : i32
    %and3A_118 = arith.constant 7 : i32
    %and3A_119 = arith.andi %squeeze3A_115, %and3A_118 : i32
    %dma_start3A_120 = arith.constant 6 : i32
    %dma_start3A_121 = arith.constant 0 : i32
    %dma_start3A_122 = tpu.memref_slice %arg6[%dma_start3A_120, %dma_start3A_121] : memref<512x64xf32, #tpu.memory_space<vmem>> -> memref<1x64xf32, #tpu.memory_space<vmem>>
    %dma_start3A_123 = tpu.memref_squeeze %dma_start3A_122 : memref<1x64xf32, #tpu.memory_space<vmem>> -> memref<64xf32, #tpu.memory_space<vmem>>
    %dma_start3A_124 = arith.constant 0 : i32
    %dma_start3A_125 = tpu.memref_slice %arg2[%shift_right_arithmetic3A_117, %and3A_119, %dma_start3A_124] : memref<125000x8x64xf32, #tpu.memory_space<hbm>> -> memref<1x1x64xf32, #tpu.memory_space<hbm>>
    %dma_start3A_126 = tpu.memref_squeeze %dma_start3A_125 : memref<1x1x64xf32, #tpu.memory_space<hbm>> -> memref<64xf32, #tpu.memory_space<hbm>>
    %dma_start3A_127 = arith.constant 0 : i32
    %dma_start3A_128 = tpu.memref_slice %arg6[%dma_start3A_120, %dma_start3A_127] : memref<512x64xf32, #tpu.memory_space<vmem>> -> memref<1x64xf32, #tpu.memory_space<vmem>>
    %dma_start3A_129 = tpu.memref_squeeze %dma_start3A_128 : memref<1x64xf32, #tpu.memory_space<vmem>> -> memref<64xf32, #tpu.memory_space<vmem>>
    %dma_start3A_130 = arith.constant 0 : i32
    %dma_start3A_131 = tpu.memref_slice %arg2[%shift_right_arithmetic3A_117, %and3A_119, %dma_start3A_130] : memref<125000x8x64xf32, #tpu.memory_space<hbm>> -> memref<1x1x64xf32, #tpu.memory_space<hbm>>
    %dma_start3A_132 = tpu.memref_squeeze %dma_start3A_131 : memref<1x1x64xf32, #tpu.memory_space<hbm>> -> memref<64xf32, #tpu.memory_space<hbm>>
    tpu.enqueue_dma source(%dma_start3A_132 : memref<64xf32, #tpu.memory_space<hbm>>) target(%dma_start3A_129 : memref<64xf32, #tpu.memory_space<vmem>>) target_semaphore(%arg7 : memref<!tpu.dma_semaphore, #tpu.memory_space<semaphore_mem>>)
    %slice3A_133 = vector.extract_strided_slice %get3A_4 {offsets = [7], sizes = [1], strides = [1]} : vector<16xi32> to vector<1xi32>
    %squeeze3A_134 = vector.extract %slice3A_133[0] : i32 from vector<1xi32>
    %shift_right_arithmetic3A_135 = arith.constant 3 : i32
    %shift_right_arithmetic3A_136 = arith.shrsi %squeeze3A_134, %shift_right_arithmetic3A_135 : i32
    %and3A_137 = arith.constant 7 : i32
    %and3A_138 = arith.andi %squeeze3A_134, %and3A_137 : i32
    %dma_start3A_139 = arith.constant 7 : i32
    %dma_start3A_140 = arith.constant 0 : i32
    %dma_start3A_141 = tpu.memref_slice %arg6[%dma_start3A_139, %dma_start3A_140] : memref<512x64xf32, #tpu.memory_space<vmem>> -> memref<1x64xf32, #tpu.memory_space<vmem>>
    %dma_start3A_142 = tpu.memref_squeeze %dma_start3A_141 : memref<1x64xf32, #tpu.memory_space<vmem>> -> memref<64xf32, #tpu.memory_space<vmem>>
    %dma_start3A_143 = arith.constant 0 : i32
    %dma_start3A_144 = tpu.memref_slice %arg2[%shift_right_arithmetic3A_136, %and3A_138, %dma_start3A_143] : memref<125000x8x64xf32, #tpu.memory_space<hbm>> -> memref<1x1x64xf32, #tpu.memory_space<hbm>>
    %dma_start3A_145 = tpu.memref_squeeze %dma_start3A_144 : memref<1x1x64xf32, #tpu.memory_space<hbm>> -> memref<64xf32, #tpu.memory_space<hbm>>
    %dma_start3A_146 = arith.constant 0 : i32
    %dma_start3A_147 = tpu.memref_slice %arg6[%dma_start3A_139, %dma_start3A_146] : memref<512x64xf32, #tpu.memory_space<vmem>> -> memref<1x64xf32, #tpu.memory_space<vmem>>
    %dma_start3A_148 = tpu.memref_squeeze %dma_start3A_147 : memref<1x64xf32, #tpu.memory_space<vmem>> -> memref<64xf32, #tpu.memory_space<vmem>>
    %dma_start3A_149 = arith.constant 0 : i32
    %dma_start3A_150 = tpu.memref_slice %arg2[%shift_right_arithmetic3A_136, %and3A_138, %dma_start3A_149] : memref<125000x8x64xf32, #tpu.memory_space<hbm>> -> memref<1x1x64xf32, #tpu.memory_space<hbm>>
    %dma_start3A_151 = tpu.memref_squeeze %dma_start3A_150 : memref<1x1x64xf32, #tpu.memory_space<hbm>> -> memref<64xf32, #tpu.memory_space<hbm>>
    tpu.enqueue_dma source(%dma_start3A_151 : memref<64xf32, #tpu.memory_space<hbm>>) target(%dma_start3A_148 : memref<64xf32, #tpu.memory_space<vmem>>) target_semaphore(%arg7 : memref<!tpu.dma_semaphore, #tpu.memory_space<semaphore_mem>>)
    %slice3A_152 = vector.extract_strided_slice %get3A_4 {offsets = [8], sizes = [1], strides = [1]} : vector<16xi32> to vector<1xi32>
    %squeeze3A_153 = vector.extract %slice3A_152[0] : i32 from vector<1xi32>
    %shift_right_arithmetic3A_154 = arith.constant 3 : i32
    %shift_right_arithmetic3A_155 = arith.shrsi %squeeze3A_153, %shift_right_arithmetic3A_154 : i32
    %and3A_156 = arith.constant 7 : i32
    %and3A_157 = arith.andi %squeeze3A_153, %and3A_156 : i32
    %dma_start3A_158 = arith.constant 8 : i32
    %dma_start3A_159 = arith.constant 0 : i32
    %dma_start3A_160 = tpu.memref_slice %arg6[%dma_start3A_158, %dma_start3A_159] : memref<512x64xf32, #tpu.memory_space<vmem>> -> memref<1x64xf32, #tpu.memory_space<vmem>>
    %dma_start3A_161 = tpu.memref_squeeze %dma_start3A_160 : memref<1x64xf32, #tpu.memory_space<vmem>> -> memref<64xf32, #tpu.memory_space<vmem>>
    %dma_start3A_162 = arith.constant 0 : i32
    %dma_start3A_163 = tpu.memref_slice %arg2[%shift_right_arithmetic3A_155, %and3A_157, %dma_start3A_162] : memref<125000x8x64xf32, #tpu.memory_space<hbm>> -> memref<1x1x64xf32, #tpu.memory_space<hbm>>
    %dma_start3A_164 = tpu.memref_squeeze %dma_start3A_163 : memref<1x1x64xf32, #tpu.memory_space<hbm>> -> memref<64xf32, #tpu.memory_space<hbm>>
    %dma_start3A_165 = arith.constant 0 : i32
    %dma_start3A_166 = tpu.memref_slice %arg6[%dma_start3A_158, %dma_start3A_165] : memref<512x64xf32, #tpu.memory_space<vmem>> -> memref<1x64xf32, #tpu.memory_space<vmem>>
    %dma_start3A_167 = tpu.memref_squeeze %dma_start3A_166 : memref<1x64xf32, #tpu.memory_space<vmem>> -> memref<64xf32, #tpu.memory_space<vmem>>
    %dma_start3A_168 = arith.constant 0 : i32
    %dma_start3A_169 = tpu.memref_slice %arg2[%shift_right_arithmetic3A_155, %and3A_157, %dma_start3A_168] : memref<125000x8x64xf32, #tpu.memory_space<hbm>> -> memref<1x1x64xf32, #tpu.memory_space<hbm>>
    %dma_start3A_170 = tpu.memref_squeeze %dma_start3A_169 : memref<1x1x64xf32, #tpu.memory_space<hbm>> -> memref<64xf32, #tpu.memory_space<hbm>>
    tpu.enqueue_dma source(%dma_start3A_170 : memref<64xf32, #tpu.memory_space<hbm>>) target(%dma_start3A_167 : memref<64xf32, #tpu.memory_space<vmem>>) target_semaphore(%arg7 : memref<!tpu.dma_semaphore, #tpu.memory_space<semaphore_mem>>)
    %slice3A_171 = vector.extract_strided_slice %get3A_4 {offsets = [9], sizes = [1], strides = [1]} : vector<16xi32> to vector<1xi32>
    %squeeze3A_172 = vector.extract %slice3A_171[0] : i32 from vector<1xi32>
    %shift_right_arithmetic3A_173 = arith.constant 3 : i32
    %shift_right_arithmetic3A_174 = arith.shrsi %squeeze3A_172, %shift_right_arithmetic3A_173 : i32
    %and3A_175 = arith.constant 7 : i32
    %and3A_176 = arith.andi %squeeze3A_172, %and3A_175 : i32
    %dma_start3A_177 = arith.constant 9 : i32
    %dma_start3A_178 = arith.constant 0 : i32
    %dma_start3A_179 = tpu.memref_slice %arg6[%dma_start3A_177, %dma_start3A_178] : memref<512x64xf32, #tpu.memory_space<vmem>> -> memref<1x64xf32, #tpu.memory_space<vmem>>
    %dma_start3A_180 = tpu.memref_squeeze %dma_start3A_179 : memref<1x64xf32, #tpu.memory_space<vmem>> -> memref<64xf32, #tpu.memory_space<vmem>>
    %dma_start3A_181 = arith.constant 0 : i32
    %dma_start3A_182 = tpu.memref_slice %arg2[%shift_right_arithmetic3A_174, %and3A_176, %dma_start3A_181] : memref<125000x8x64xf32, #tpu.memory_space<hbm>> -> memref<1x1x64xf32, #tpu.memory_space<hbm>>
    %dma_start3A_183 = tpu.memref_squeeze %dma_start3A_182 : memref<1x1x64xf32, #tpu.memory_space<hbm>> -> memref<64xf32, #tpu.memory_space<hbm>>
    %dma_start3A_184 = arith.constant 0 : i32
    %dma_start3A_185 = tpu.memref_slice %arg6[%dma_start3A_177, %dma_start3A_184] : memref<512x64xf32, #tpu.memory_space<vmem>> -> memref<1x64xf32, #tpu.memory_space<vmem>>
    %dma_start3A_186 = tpu.memref_squeeze %dma_start3A_185 : memref<1x64xf32, #tpu.memory_space<vmem>> -> memref<64xf32, #tpu.memory_space<vmem>>
    %dma_start3A_187 = arith.constant 0 : i32
    %dma_start3A_188 = tpu.memref_slice %arg2[%shift_right_arithmetic3A_174, %and3A_176, %dma_start3A_187] : memref<125000x8x64xf32, #tpu.memory_space<hbm>> -> memref<1x1x64xf32, #tpu.memory_space<hbm>>
    %dma_start3A_189 = tpu.memref_squeeze %dma_start3A_188 : memref<1x1x64xf32, #tpu.memory_space<hbm>> -> memref<64xf32, #tpu.memory_space<hbm>>
    tpu.enqueue_dma source(%dma_start3A_189 : memref<64xf32, #tpu.memory_space<hbm>>) target(%dma_start3A_186 : memref<64xf32, #tpu.memory_space<vmem>>) target_semaphore(%arg7 : memref<!tpu.dma_semaphore, #tpu.memory_space<semaphore_mem>>)
    %slice3A_190 = vector.extract_strided_slice %get3A_4 {offsets = [10], sizes = [1], strides = [1]} : vector<16xi32> to vector<1xi32>
    %squeeze3A_191 = vector.extract %slice3A_190[0] : i32 from vector<1xi32>
    %shift_right_arithmetic3A_192 = arith.constant 3 : i32
    %shift_right_arithmetic3A_193 = arith.shrsi %squeeze3A_191, %shift_right_arithmetic3A_192 : i32
    %and3A_194 = arith.constant 7 : i32
    %and3A_195 = arith.andi %squeeze3A_191, %and3A_194 : i32
    %dma_start3A_196 = arith.constant 10 : i32
    %dma_start3A_197 = arith.constant 0 : i32
    %dma_start3A_198 = tpu.memref_slice %arg6[%dma_start3A_196, %dma_start3A_197] : memref<512x64xf32, #tpu.memory_space<vmem>> -> memref<1x64xf32, #tpu.memory_space<vmem>>
    %dma_start3A_199 = tpu.memref_squeeze %dma_start3A_198 : memref<1x64xf32, #tpu.memory_space<vmem>> -> memref<64xf32, #tpu.memory_space<vmem>>
    %dma_start3A_200 = arith.constant 0 : i32
    %dma_start3A_201 = tpu.memref_slice %arg2[%shift_right_arithmetic3A_193, %and3A_195, %dma_start3A_200] : memref<125000x8x64xf32, #tpu.memory_space<hbm>> -> memref<1x1x64xf32, #tpu.memory_space<hbm>>
    %dma_start3A_202 = tpu.memref_squeeze %dma_start3A_201 : memref<1x1x64xf32, #tpu.memory_space<hbm>> -> memref<64xf32, #tpu.memory_space<hbm>>
    %dma_start3A_203 = arith.constant 0 : i32
    %dma_start3A_204 = tpu.memref_slice %arg6[%dma_start3A_196, %dma_start3A_203] : memref<512x64xf32, #tpu.memory_space<vmem>> -> memref<1x64xf32, #tpu.memory_space<vmem>>
    %dma_start3A_205 = tpu.memref_squeeze %dma_start3A_204 : memref<1x64xf32, #tpu.memory_space<vmem>> -> memref<64xf32, #tpu.memory_space<vmem>>
    %dma_start3A_206 = arith.constant 0 : i32
    %dma_start3A_207 = tpu.memref_slice %arg2[%shift_right_arithmetic3A_193, %and3A_195, %dma_start3A_206] : memref<125000x8x64xf32, #tpu.memory_space<hbm>> -> memref<1x1x64xf32, #tpu.memory_space<hbm>>
    %dma_start3A_208 = tpu.memref_squeeze %dma_start3A_207 : memref<1x1x64xf32, #tpu.memory_space<hbm>> -> memref<64xf32, #tpu.memory_space<hbm>>
    tpu.enqueue_dma source(%dma_start3A_208 : memref<64xf32, #tpu.memory_space<hbm>>) target(%dma_start3A_205 : memref<64xf32, #tpu.memory_space<vmem>>) target_semaphore(%arg7 : memref<!tpu.dma_semaphore, #tpu.memory_space<semaphore_mem>>)
    %slice3A_209 = vector.extract_strided_slice %get3A_4 {offsets = [11], sizes = [1], strides = [1]} : vector<16xi32> to vector<1xi32>
    %squeeze3A_210 = vector.extract %slice3A_209[0] : i32 from vector<1xi32>
    %shift_right_arithmetic3A_211 = arith.constant 3 : i32
    %shift_right_arithmetic3A_212 = arith.shrsi %squeeze3A_210, %shift_right_arithmetic3A_211 : i32
    %and3A_213 = arith.constant 7 : i32
    %and3A_214 = arith.andi %squeeze3A_210, %and3A_213 : i32
    %dma_start3A_215 = arith.constant 11 : i32
    %dma_start3A_216 = arith.constant 0 : i32
    %dma_start3A_217 = tpu.memref_slice %arg6[%dma_start3A_215, %dma_start3A_216] : memref<512x64xf32, #tpu.memory_space<vmem>> -> memref<1x64xf32, #tpu.memory_space<vmem>>
    %dma_start3A_218 = tpu.memref_squeeze %dma_start3A_217 : memref<1x64xf32, #tpu.memory_space<vmem>> -> memref<64xf32, #tpu.memory_space<vmem>>
    %dma_start3A_219 = arith.constant 0 : i32
    %dma_start3A_220 = tpu.memref_slice %arg2[%shift_right_arithmetic3A_212, %and3A_214, %dma_start3A_219] : memref<125000x8x64xf32, #tpu.memory_space<hbm>> -> memref<1x1x64xf32, #tpu.memory_space<hbm>>
    %dma_start3A_221 = tpu.memref_squeeze %dma_start3A_220 : memref<1x1x64xf32, #tpu.memory_space<hbm>> -> memref<64xf32, #tpu.memory_space<hbm>>
    %dma_start3A_222 = arith.constant 0 : i32
    %dma_start3A_223 = tpu.memref_slice %arg6[%dma_start3A_215, %dma_start3A_222] : memref<512x64xf32, #tpu.memory_space<vmem>> -> memref<1x64xf32, #tpu.memory_space<vmem>>
    %dma_start3A_224 = tpu.memref_squeeze %dma_start3A_223 : memref<1x64xf32, #tpu.memory_space<vmem>> -> memref<64xf32, #tpu.memory_space<vmem>>
    %dma_start3A_225 = arith.constant 0 : i32
    %dma_start3A_226 = tpu.memref_slice %arg2[%shift_right_arithmetic3A_212, %and3A_214, %dma_start3A_225] : memref<125000x8x64xf32, #tpu.memory_space<hbm>> -> memref<1x1x64xf32, #tpu.memory_space<hbm>>
    %dma_start3A_227 = tpu.memref_squeeze %dma_start3A_226 : memref<1x1x64xf32, #tpu.memory_space<hbm>> -> memref<64xf32, #tpu.memory_space<hbm>>
    tpu.enqueue_dma source(%dma_start3A_227 : memref<64xf32, #tpu.memory_space<hbm>>) target(%dma_start3A_224 : memref<64xf32, #tpu.memory_space<vmem>>) target_semaphore(%arg7 : memref<!tpu.dma_semaphore, #tpu.memory_space<semaphore_mem>>)
    %slice3A_228 = vector.extract_strided_slice %get3A_4 {offsets = [12], sizes = [1], strides = [1]} : vector<16xi32> to vector<1xi32>
    %squeeze3A_229 = vector.extract %slice3A_228[0] : i32 from vector<1xi32>
    %shift_right_arithmetic3A_230 = arith.constant 3 : i32
    %shift_right_arithmetic3A_231 = arith.shrsi %squeeze3A_229, %shift_right_arithmetic3A_230 : i32
    %and3A_232 = arith.constant 7 : i32
    %and3A_233 = arith.andi %squeeze3A_229, %and3A_232 : i32
    %dma_start3A_234 = arith.constant 12 : i32
    %dma_start3A_235 = arith.constant 0 : i32
    %dma_start3A_236 = tpu.memref_slice %arg6[%dma_start3A_234, %dma_start3A_235] : memref<512x64xf32, #tpu.memory_space<vmem>> -> memref<1x64xf32, #tpu.memory_space<vmem>>
    %dma_start3A_237 = tpu.memref_squeeze %dma_start3A_236 : memref<1x64xf32, #tpu.memory_space<vmem>> -> memref<64xf32, #tpu.memory_space<vmem>>
    %dma_start3A_238 = arith.constant 0 : i32
    %dma_start3A_239 = tpu.memref_slice %arg2[%shift_right_arithmetic3A_231, %and3A_233, %dma_start3A_238] : memref<125000x8x64xf32, #tpu.memory_space<hbm>> -> memref<1x1x64xf32, #tpu.memory_space<hbm>>
    %dma_start3A_240 = tpu.memref_squeeze %dma_start3A_239 : memref<1x1x64xf32, #tpu.memory_space<hbm>> -> memref<64xf32, #tpu.memory_space<hbm>>
    %dma_start3A_241 = arith.constant 0 : i32
    %dma_start3A_242 = tpu.memref_slice %arg6[%dma_start3A_234, %dma_start3A_241] : memref<512x64xf32, #tpu.memory_space<vmem>> -> memref<1x64xf32, #tpu.memory_space<vmem>>
    %dma_start3A_243 = tpu.memref_squeeze %dma_start3A_242 : memref<1x64xf32, #tpu.memory_space<vmem>> -> memref<64xf32, #tpu.memory_space<vmem>>
    %dma_start3A_244 = arith.constant 0 : i32
    %dma_start3A_245 = tpu.memref_slice %arg2[%shift_right_arithmetic3A_231, %and3A_233, %dma_start3A_244] : memref<125000x8x64xf32, #tpu.memory_space<hbm>> -> memref<1x1x64xf32, #tpu.memory_space<hbm>>
    %dma_start3A_246 = tpu.memref_squeeze %dma_start3A_245 : memref<1x1x64xf32, #tpu.memory_space<hbm>> -> memref<64xf32, #tpu.memory_space<hbm>>
    tpu.enqueue_dma source(%dma_start3A_246 : memref<64xf32, #tpu.memory_space<hbm>>) target(%dma_start3A_243 : memref<64xf32, #tpu.memory_space<vmem>>) target_semaphore(%arg7 : memref<!tpu.dma_semaphore, #tpu.memory_space<semaphore_mem>>)
    %slice3A_247 = vector.extract_strided_slice %get3A_4 {offsets = [13], sizes = [1], strides = [1]} : vector<16xi32> to vector<1xi32>
    %squeeze3A_248 = vector.extract %slice3A_247[0] : i32 from vector<1xi32>
    %shift_right_arithmetic3A_249 = arith.constant 3 : i32
    %shift_right_arithmetic3A_250 = arith.shrsi %squeeze3A_248, %shift_right_arithmetic3A_249 : i32
    %and3A_251 = arith.constant 7 : i32
    %and3A_252 = arith.andi %squeeze3A_248, %and3A_251 : i32
    %dma_start3A_253 = arith.constant 13 : i32
    %dma_start3A_254 = arith.constant 0 : i32
    %dma_start3A_255 = tpu.memref_slice %arg6[%dma_start3A_253, %dma_start3A_254] : memref<512x64xf32, #tpu.memory_space<vmem>> -> memref<1x64xf32, #tpu.memory_space<vmem>>
    %dma_start3A_256 = tpu.memref_squeeze %dma_start3A_255 : memref<1x64xf32, #tpu.memory_space<vmem>> -> memref<64xf32, #tpu.memory_space<vmem>>
    %dma_start3A_257 = arith.constant 0 : i32
    %dma_start3A_258 = tpu.memref_slice %arg2[%shift_right_arithmetic3A_250, %and3A_252, %dma_start3A_257] : memref<125000x8x64xf32, #tpu.memory_space<hbm>> -> memref<1x1x64xf32, #tpu.memory_space<hbm>>
    %dma_start3A_259 = tpu.memref_squeeze %dma_start3A_258 : memref<1x1x64xf32, #tpu.memory_space<hbm>> -> memref<64xf32, #tpu.memory_space<hbm>>
    %dma_start3A_260 = arith.constant 0 : i32
    %dma_start3A_261 = tpu.memref_slice %arg6[%dma_start3A_253, %dma_start3A_260] : memref<512x64xf32, #tpu.memory_space<vmem>> -> memref<1x64xf32, #tpu.memory_space<vmem>>
    %dma_start3A_262 = tpu.memref_squeeze %dma_start3A_261 : memref<1x64xf32, #tpu.memory_space<vmem>> -> memref<64xf32, #tpu.memory_space<vmem>>
    %dma_start3A_263 = arith.constant 0 : i32
    %dma_start3A_264 = tpu.memref_slice %arg2[%shift_right_arithmetic3A_250, %and3A_252, %dma_start3A_263] : memref<125000x8x64xf32, #tpu.memory_space<hbm>> -> memref<1x1x64xf32, #tpu.memory_space<hbm>>
    %dma_start3A_265 = tpu.memref_squeeze %dma_start3A_264 : memref<1x1x64xf32, #tpu.memory_space<hbm>> -> memref<64xf32, #tpu.memory_space<hbm>>
    tpu.enqueue_dma source(%dma_start3A_265 : memref<64xf32, #tpu.memory_space<hbm>>) target(%dma_start3A_262 : memref<64xf32, #tpu.memory_space<vmem>>) target_semaphore(%arg7 : memref<!tpu.dma_semaphore, #tpu.memory_space<semaphore_mem>>)
    %slice3A_266 = vector.extract_strided_slice %get3A_4 {offsets = [14], sizes = [1], strides = [1]} : vector<16xi32> to vector<1xi32>
    %squeeze3A_267 = vector.extract %slice3A_266[0] : i32 from vector<1xi32>
    %shift_right_arithmetic3A_268 = arith.constant 3 : i32
    %shift_right_arithmetic3A_269 = arith.shrsi %squeeze3A_267, %shift_right_arithmetic3A_268 : i32
    %and3A_270 = arith.constant 7 : i32
    %and3A_271 = arith.andi %squeeze3A_267, %and3A_270 : i32
    %dma_start3A_272 = arith.constant 14 : i32
    %dma_start3A_273 = arith.constant 0 : i32
    %dma_start3A_274 = tpu.memref_slice %arg6[%dma_start3A_272, %dma_start3A_273] : memref<512x64xf32, #tpu.memory_space<vmem>> -> memref<1x64xf32, #tpu.memory_space<vmem>>
    %dma_start3A_275 = tpu.memref_squeeze %dma_start3A_274 : memref<1x64xf32, #tpu.memory_space<vmem>> -> memref<64xf32, #tpu.memory_space<vmem>>
    %dma_start3A_276 = arith.constant 0 : i32
    %dma_start3A_277 = tpu.memref_slice %arg2[%shift_right_arithmetic3A_269, %and3A_271, %dma_start3A_276] : memref<125000x8x64xf32, #tpu.memory_space<hbm>> -> memref<1x1x64xf32, #tpu.memory_space<hbm>>
    %dma_start3A_278 = tpu.memref_squeeze %dma_start3A_277 : memref<1x1x64xf32, #tpu.memory_space<hbm>> -> memref<64xf32, #tpu.memory_space<hbm>>
    %dma_start3A_279 = arith.constant 0 : i32
    %dma_start3A_280 = tpu.memref_slice %arg6[%dma_start3A_272, %dma_start3A_279] : memref<512x64xf32, #tpu.memory_space<vmem>> -> memref<1x64xf32, #tpu.memory_space<vmem>>
    %dma_start3A_281 = tpu.memref_squeeze %dma_start3A_280 : memref<1x64xf32, #tpu.memory_space<vmem>> -> memref<64xf32, #tpu.memory_space<vmem>>
    %dma_start3A_282 = arith.constant 0 : i32
    %dma_start3A_283 = tpu.memref_slice %arg2[%shift_right_arithmetic3A_269, %and3A_271, %dma_start3A_282] : memref<125000x8x64xf32, #tpu.memory_space<hbm>> -> memref<1x1x64xf32, #tpu.memory_space<hbm>>
    %dma_start3A_284 = tpu.memref_squeeze %dma_start3A_283 : memref<1x1x64xf32, #tpu.memory_space<hbm>> -> memref<64xf32, #tpu.memory_space<hbm>>
    tpu.enqueue_dma source(%dma_start3A_284 : memref<64xf32, #tpu.memory_space<hbm>>) target(%dma_start3A_281 : memref<64xf32, #tpu.memory_space<vmem>>) target_semaphore(%arg7 : memref<!tpu.dma_semaphore, #tpu.memory_space<semaphore_mem>>)
    %slice3A_285 = vector.extract_strided_slice %get3A_4 {offsets = [15], sizes = [1], strides = [1]} : vector<16xi32> to vector<1xi32>
    %squeeze3A_286 = vector.extract %slice3A_285[0] : i32 from vector<1xi32>
    %shift_right_arithmetic3A_287 = arith.constant 3 : i32
    %shift_right_arithmetic3A_288 = arith.shrsi %squeeze3A_286, %shift_right_arithmetic3A_287 : i32
    %and3A_289 = arith.constant 7 : i32
    %and3A_290 = arith.andi %squeeze3A_286, %and3A_289 : i32
    %dma_start3A_291 = arith.constant 15 : i32
    %dma_start3A_292 = arith.constant 0 : i32
    %dma_start3A_293 = tpu.memref_slice %arg6[%dma_start3A_291, %dma_start3A_292] : memref<512x64xf32, #tpu.memory_space<vmem>> -> memref<1x64xf32, #tpu.memory_space<vmem>>
    %dma_start3A_294 = tpu.memref_squeeze %dma_start3A_293 : memref<1x64xf32, #tpu.memory_space<vmem>> -> memref<64xf32, #tpu.memory_space<vmem>>
    %dma_start3A_295 = arith.constant 0 : i32
    %dma_start3A_296 = tpu.memref_slice %arg2[%shift_right_arithmetic3A_288, %and3A_290, %dma_start3A_295] : memref<125000x8x64xf32, #tpu.memory_space<hbm>> -> memref<1x1x64xf32, #tpu.memory_space<hbm>>
    %dma_start3A_297 = tpu.memref_squeeze %dma_start3A_296 : memref<1x1x64xf32, #tpu.memory_space<hbm>> -> memref<64xf32, #tpu.memory_space<hbm>>
    %dma_start3A_298 = arith.constant 0 : i32
    %dma_start3A_299 = tpu.memref_slice %arg6[%dma_start3A_291, %dma_start3A_298] : memref<512x64xf32, #tpu.memory_space<vmem>> -> memref<1x64xf32, #tpu.memory_space<vmem>>
    %dma_start3A_300 = tpu.memref_squeeze %dma_start3A_299 : memref<1x64xf32, #tpu.memory_space<vmem>> -> memref<64xf32, #tpu.memory_space<vmem>>
    %dma_start3A_301 = arith.constant 0 : i32
    %dma_start3A_302 = tpu.memref_slice %arg2[%shift_right_arithmetic3A_288, %and3A_290, %dma_start3A_301] : memref<125000x8x64xf32, #tpu.memory_space<hbm>> -> memref<1x1x64xf32, #tpu.memory_space<hbm>>
    %dma_start3A_303 = tpu.memref_squeeze %dma_start3A_302 : memref<1x1x64xf32, #tpu.memory_space<hbm>> -> memref<64xf32, #tpu.memory_space<hbm>>
    tpu.enqueue_dma source(%dma_start3A_303 : memref<64xf32, #tpu.memory_space<hbm>>) target(%dma_start3A_300 : memref<64xf32, #tpu.memory_space<vmem>>) target_semaphore(%arg7 : memref<!tpu.dma_semaphore, #tpu.memory_space<semaphore_mem>>)
    %get3A_304 = arith.constant 16 : index
    %get3A_305 = tpu.vector_load %arg5[%get3A_304] {strides = array<i32>} : memref<512xi32, #tpu.memory_space<vmem>>, vector<16xi32>,
    %get3A_306 = vector.shape_cast %get3A_305 : vector<16xi32> to vector<16xi32>
    %slice3A_307 = vector.extract_strided_slice %get3A_306 {offsets = [0], sizes = [1], strides = [1]} : vector<16xi32> to vector<1xi32>
    %squeeze3A_308 = vector.extract %slice3A_307[0] : i32 from vector<1xi32>
    %shift_right_arithmetic3A_309 = arith.constant 3 : i32
    %shift_right_arithmetic3A_310 = arith.shrsi %squeeze3A_308, %shift_right_arithmetic3A_309 : i32
    %and3A_311 = arith.constant 7 : i32
    %and3A_312 = arith.andi %squeeze3A_308, %and3A_311 : i32
    %dma_start3A_313 = arith.constant 16 : i32
    %dma_start3A_314 = arith.constant 0 : i32
    %dma_start3A_315 = tpu.memref_slice %arg6[%dma_start3A_313, %dma_start3A_314] : memref<512x64xf32, #tpu.memory_space<vmem>> -> memref<1x64xf32, #tpu.memory_space<vmem>>
    %dma_start3A_316 = tpu.memref_squeeze %dma_start3A_315 : memref<1x64xf32, #tpu.memory_space<vmem>> -> memref<64xf32, #tpu.memory_space<vmem>>
    %dma_start3A_317 = arith.constant 0 : i32
    %dma_start3A_318 = tpu.memref_slice %arg2[%shift_right_arithmetic3A_310, %and3A_312, %dma_start3A_317] : memref<125000x8x64xf32, #tpu.memory_space<hbm>> -> memref<1x1x64xf32, #tpu.memory_space<hbm>>
    %dma_start3A_319 = tpu.memref_squeeze %dma_start3A_318 : memref<1x1x64xf32, #tpu.memory_space<hbm>> -> memref<64xf32, #tpu.memory_space<hbm>>
    %dma_start3A_320 = arith.constant 0 : i32
    %dma_start3A_321 = tpu.memref_slice %arg6[%dma_start3A_313, %dma_start3A_320] : memref<512x64xf32, #tpu.memory_space<vmem>> -> memref<1x64xf32, #tpu.memory_space<vmem>>
    %dma_start3A_322 = tpu.memref_squeeze %dma_start3A_321 : memref<1x64xf32, #tpu.memory_space<vmem>> -> memref<64xf32, #tpu.memory_space<vmem>>
    %dma_start3A_323 = arith.constant 0 : i32
    %dma_start3A_324 = tpu.memref_slice %arg2[%shift_right_arithmetic3A_310, %and3A_312, %dma_start3A_323] : memref<125000x8x64xf32, #tpu.memory_space<hbm>> -> memref<1x1x64xf32, #tpu.memory_space<hbm>>
    %dma_start3A_325 = tpu.memref_squeeze %dma_start3A_324 : memref<1x1x64xf32, #tpu.memory_space<hbm>> -> memref<64xf32, #tpu.memory_space<hbm>>
    tpu.enqueue_dma source(%dma_start3A_325 : memref<64xf32, #tpu.memory_space<hbm>>) target(%dma_start3A_322 : memref<64xf32, #tpu.memory_space<vmem>>) target_semaphore(%arg7 : memref<!tpu.dma_semaphore, #tpu.memory_space<semaphore_mem>>)
    %slice3A_326 = vector.extract_strided_slice %get3A_306 {offsets = [1], sizes = [1], strides = [1]} : vector<16xi32> to vector<1xi32>
    %squeeze3A_327 = vector.extract %slice3A_326[0] : i32 from vector<1xi32>
    %shift_right_arithmetic3A_328 = arith.constant 3 : i32
    %shift_right_arithmetic3A_329 = arith.shrsi %squeeze3A_327, %shift_right_arithmetic3A_328 : i32
    %and3A_330 = arith.constant 7 : i32
    %and3A_331 = arith.andi %squeeze3A_327, %and3A_330 : i32
    %dma_start3A_332 = arith.constant 17 : i32
    %dma_start3A_333 = arith.constant 0 : i32
    %dma_start3A_334 = tpu.memref_slice %arg6[%dma_start3A_332, %dma_start3A_333] : memref<512x64xf32, #tpu.memory_space<vmem>> -> memref<1x64xf32, #tpu.memory_space<vmem>>
    %dma_start3A_335 = tpu.memref_squeeze %dma_start3A_334 : memref<1x64xf32, #tpu.memory_space<vmem>> -> memref<64xf32, #tpu.memory_space<vmem>>
    %dma_start3A_336 = arith.constant 0 : i32
    %dma_start3A_337 = tpu.memref_slice %arg2[%shift_right_arithmetic3A_329, %and3A_331, %dma_start3A_336] : memref<125000x8x64xf32, #tpu.memory_space<hbm>> -> memref<1x1x64xf32, #tpu.memory_space<hbm>>
    %dma_start3A_338 = tpu.memref_squeeze %dma_start3A_337 : memref<1x1x64xf32, #tpu.memory_space<hbm>> -> memref<64xf32, #tpu.memory_space<hbm>>
    %dma_start3A_339 = arith.constant 0 : i32
    %dma_start3A_340 = tpu.memref_slice %arg6[%dma_start3A_332, %dma_start3A_339] : memref<512x64xf32, #tpu.memory_space<vmem>> -> memref<1x64xf32, #tpu.memory_space<vmem>>
    %dma_start3A_341 = tpu.memref_squeeze %dma_start3A_340 : memref<1x64xf32, #tpu.memory_space<vmem>> -> memref<64xf32, #tpu.memory_space<vmem>>
    %dma_start3A_342 = arith.constant 0 : i32
    %dma_start3A_343 = tpu.memref_slice %arg2[%shift_right_arithmetic3A_329, %and3A_331, %dma_start3A_342] : memref<125000x8x64xf32, #tpu.memory_space<hbm>> -> memref<1x1x64xf32, #tpu.memory_space<hbm>>
    %dma_start3A_344 = tpu.memref_squeeze %dma_start3A_343 : memref<1x1x64xf32, #tpu.memory_space<hbm>> -> memref<64xf32, #tpu.memory_space<hbm>>
    tpu.enqueue_dma source(%dma_start3A_344 : memref<64xf32, #tpu.memory_space<hbm>>) target(%dma_start3A_341 : memref<64xf32, #tpu.memory_space<vmem>>) target_semaphore(%arg7 : memref<!tpu.dma_semaphore, #tpu.memory_space<semaphore_mem>>)
    %slice3A_345 = vector.extract_strided_slice %get3A_306 {offsets = [2], sizes = [1], strides = [1]} : vector<16xi32> to vector<1xi32>
    %squeeze3A_346 = vector.extract %slice3A_345[0] : i32 from vector<1xi32>
    %shift_right_arithmetic3A_347 = arith.constant 3 : i32
    %shift_right_arithmetic3A_348 = arith.shrsi %squeeze3A_346, %shift_right_arithmetic3A_347 : i32
    %and3A_349 = arith.constant 7 : i32
    %and3A_350 = arith.andi %squeeze3A_346, %and3A_349 : i32
    %dma_start3A_351 = arith.constant 18 : i32
    %dma_start3A_352 = arith.constant 0 : i32
    %dma_start3A_353 = tpu.memref_slice %arg6[%dma_start3A_351, %dma_start3A_352] : memref<512x64xf32, #tpu.memory_space<vmem>> -> memref<1x64xf32, #tpu.memory_space<vmem>>
    %dma_start3A_354 = tpu.memref_squeeze %dma_start3A_353 : memref<1x64xf32, #tpu.memory_space<vmem>> -> memref<64xf32, #tpu.memory_space<vmem>>
    %dma_start3A_355 = arith.constant 0 : i32
    %dma_start3A_356 = tpu.memref_slice %arg2[%shift_right_arithmetic3A_348, %and3A_350, %dma_start3A_355] : memref<125000x8x64xf32, #tpu.memory_space<hbm>> -> memref<1x1x64xf32, #tpu.memory_space<hbm>>
    %dma_start3A_357 = tpu.memref_squeeze %dma_start3A_356 : memref<1x1x64xf32, #tpu.memory_space<hbm>> -> memref<64xf32, #tpu.memory_space<hbm>>
    %dma_start3A_358 = arith.constant 0 : i32
    %dma_start3A_359 = tpu.memref_slice %arg6[%dma_start3A_351, %dma_start3A_358] : memref<512x64xf32, #tpu.memory_space<vmem>> -> memref<1x64xf32, #tpu.memory_space<vmem>>
    %dma_start3A_360 = tpu.memref_squeeze %dma_start3A_359 : memref<1x64xf32, #tpu.memory_space<vmem>> -> memref<64xf32, #tpu.memory_space<vmem>>
    %dma_start3A_361 = arith.constant 0 : i32
    %dma_start3A_362 = tpu.memref_slice %arg2[%shift_right_arithmetic3A_348, %and3A_350, %dma_start3A_361] : memref<125000x8x64xf32, #tpu.memory_space<hbm>> -> memref<1x1x64xf32, #tpu.memory_space<hbm>>
    %dma_start3A_363 = tpu.memref_squeeze %dma_start3A_362 : memref<1x1x64xf32, #tpu.memory_space<hbm>> -> memref<64xf32, #tpu.memory_space<hbm>>
    tpu.enqueue_dma source(%dma_start3A_363 : memref<64xf32, #tpu.memory_space<hbm>>) target(%dma_start3A_360 : memref<64xf32, #tpu.memory_space<vmem>>) target_semaphore(%arg7 : memref<!tpu.dma_semaphore, #tpu.memory_space<semaphore_mem>>)
    %slice3A_364 = vector.extract_strided_slice %get3A_306 {offsets = [3], sizes = [1], strides = [1]} : vector<16xi32> to vector<1xi32>
    %squeeze3A_365 = vector.extract %slice3A_364[0] : i32 from vector<1xi32>
    %shift_right_arithmetic3A_366 = arith.constant 3 : i32
    %shift_right_arithmetic3A_367 = arith.shrsi %squeeze3A_365, %shift_right_arithmetic3A_366 : i32
    %and3A_368 = arith.constant 7 : i32
    %and3A_369 = arith.andi %squeeze3A_365, %and3A_368 : i32
    %dma_start3A_370 = arith.constant 19 : i32
    %dma_start3A_371 = arith.constant 0 : i32
    %dma_start3A_372 = tpu.memref_slice %arg6[%dma_start3A_370, %dma_start3A_371] : memref<512x64xf32, #tpu.memory_space<vmem>> -> memref<1x64xf32, #tpu.memory_space<vmem>>
    %dma_start3A_373 = tpu.memref_squeeze %dma_start3A_372 : memref<1x64xf32, #tpu.memory_space<vmem>> -> memref<64xf32, #tpu.memory_space<vmem>>
    %dma_start3A_374 = arith.constant 0 : i32
    %dma_start3A_375 = tpu.memref_slice %arg2[%shift_right_arithmetic3A_367, %and3A_369, %dma_start3A_374] : memref<125000x8x64xf32, #tpu.memory_space<hbm>> -> memref<1x1x64xf32, #tpu.memory_space<hbm>>
    %dma_start3A_376 = tpu.memref_squeeze %dma_start3A_375 : memref<1x1x64xf32, #tpu.memory_space<hbm>> -> memref<64xf32, #tpu.memory_space<hbm>>
    %dma_start3A_377 = arith.constant 0 : i32
    %dma_start3A_378 = tpu.memref_slice %arg6[%dma_start3A_370, %dma_start3A_377] : memref<512x64xf32, #tpu.memory_space<vmem>> -> memref<1x64xf32, #tpu.memory_space<vmem>>
    %dma_start3A_379 = tpu.memref_squeeze %dma_start3A_378 : memref<1x64xf32, #tpu.memory_space<vmem>> -> memref<64xf32, #tpu.memory_space<vmem>>
    %dma_start3A_380 = arith.constant 0 : i32
    %dma_start3A_381 = tpu.memref_slice %arg2[%shift_right_arithmetic3A_367, %and3A_369, %dma_start3A_380] : memref<125000x8x64xf32, #tpu.memory_space<hbm>> -> memref<1x1x64xf32, #tpu.memory_space<hbm>>
    %dma_start3A_382 = tpu.memref_squeeze %dma_start3A_381 : memref<1x1x64xf32, #tpu.memory_space<hbm>> -> memref<64xf32, #tpu.memory_space<hbm>>
    tpu.enqueue_dma source(%dma_start3A_382 : memref<64xf32, #tpu.memory_space<hbm>>) target(%dma_start3A_379 : memref<64xf32, #tpu.memory_space<vmem>>) target_semaphore(%arg7 : memref<!tpu.dma_semaphore, #tpu.memory_space<semaphore_mem>>)
    %slice3A_383 = vector.extract_strided_slice %get3A_306 {offsets = [4], sizes = [1], strides = [1]} : vector<16xi32> to vector<1xi32>
    %squeeze3A_384 = vector.extract %slice3A_383[0] : i32 from vector<1xi32>
    %shift_right_arithmetic3A_385 = arith.constant 3 : i32
    %shift_right_arithmetic3A_386 = arith.shrsi %squeeze3A_384, %shift_right_arithmetic3A_385 : i32
    %and3A_387 = arith.constant 7 : i32
    %and3A_388 = arith.andi %squeeze3A_384, %and3A_387 : i32
    %dma_start3A_389 = arith.constant 20 : i32
    %dma_start3A_390 = arith.constant 0 : i32
    %dma_start3A_391 = tpu.memref_slice %arg6[%dma_start3A_389, %dma_start3A_390] : memref<512x64xf32, #tpu.memory_space<vmem>> -> memref<1x64xf32, #tpu.memory_space<vmem>>
    %dma_start3A_392 = tpu.memref_squeeze %dma_start3A_391 : memref<1x64xf32, #tpu.memory_space<vmem>> -> memref<64xf32, #tpu.memory_space<vmem>>
    %dma_start3A_393 = arith.constant 0 : i32
    %dma_start3A_394 = tpu.memref_slice %arg2[%shift_right_arithmetic3A_386, %and3A_388, %dma_start3A_393] : memref<125000x8x64xf32, #tpu.memory_space<hbm>> -> memref<1x1x64xf32, #tpu.memory_space<hbm>>
    %dma_start3A_395 = tpu.memref_squeeze %dma_start3A_394 : memref<1x1x64xf32, #tpu.memory_space<hbm>> -> memref<64xf32, #tpu.memory_space<hbm>>
    %dma_start3A_396 = arith.constant 0 : i32
    %dma_start3A_397 = tpu.memref_slice %arg6[%dma_start3A_389, %dma_start3A_396] : memref<512x64xf32, #tpu.memory_space<vmem>> -> memref<1x64xf32, #tpu.memory_space<vmem>>
    %dma_start3A_398 = tpu.memref_squeeze %dma_start3A_397 : memref<1x64xf32, #tpu.memory_space<vmem>> -> memref<64xf32, #tpu.memory_space<vmem>>
    %dma_start3A_399 = arith.constant 0 : i32
    %dma_start3A_400 = tpu.memref_slice %arg2[%shift_right_arithmetic3A_386, %and3A_388, %dma_start3A_399] : memref<125000x8x64xf32, #tpu.memory_space<hbm>> -> memref<1x1x64xf32, #tpu.memory_space<hbm>>
    %dma_start3A_401 = tpu.memref_squeeze %dma_start3A_400 : memref<1x1x64xf32, #tpu.memory_space<hbm>> -> memref<64xf32, #tpu.memory_space<hbm>>
    tpu.enqueue_dma source(%dma_start3A_401 : memref<64xf32, #tpu.memory_space<hbm>>) target(%dma_start3A_398 : memref<64xf32, #tpu.memory_space<vmem>>) target_semaphore(%arg7 : memref<!tpu.dma_semaphore, #tpu.memory_space<semaphore_mem>>)
    %slice3A_402 = vector.extract_strided_slice %get3A_306 {offsets = [5], sizes = [1], strides = [1]} : vector<16xi32> to vector<1xi32>
    %squeeze3A_403 = vector.extract %slice3A_402[0] : i32 from vector<1xi32>
    %shift_right_arithmetic3A_404 = arith.constant 3 : i32
    %shift_right_arithmetic3A_405 = arith.shrsi %squeeze3A_403, %shift_right_arithmetic3A_404 : i32
    %and3A_406 = arith.constant 7 : i32
    %and3A_407 = arith.andi %squeeze3A_403, %and3A_406 : i32
    %dma_start3A_408 = arith.constant 21 : i32
    %dma_start3A_409 = arith.constant 0 : i32
    %dma_start3A_410 = tpu.memref_slice %arg6[%dma_start3A_408, %dma_start3A_409] : memref<512x64xf32, #tpu.memory_space<vmem>> -> memref<1x64xf32, #tpu.memory_space<vmem>>
    %dma_start3A_411 = tpu.memref_squeeze %dma_start3A_410 : memref<1x64xf32, #tpu.memory_space<vmem>> -> memref<64xf32, #tpu.memory_space<vmem>>
    %dma_start3A_412 = arith.constant 0 : i32
    %dma_start3A_413 = tpu.memref_slice %arg2[%shift_right_arithmetic3A_405, %and3A_407, %dma_start3A_412] : memref<125000x8x64xf32, #tpu.memory_space<hbm>> -> memref<1x1x64xf32, #tpu.memory_space<hbm>>
    %dma_start3A_414 = tpu.memref_squeeze %dma_start3A_413 : memref<1x1x64xf32, #tpu.memory_space<hbm>> -> memref<64xf32, #tpu.memory_space<hbm>>
    %dma_start3A_415 = arith.constant 0 : i32
    %dma_start3A_416 = tpu.memref_slice %arg6[%dma_start3A_408, %dma_start3A_415] : memref<512x64xf32, #tpu.memory_space<vmem>> -> memref<1x64xf32, #tpu.memory_space<vmem>>
    %dma_start3A_417 = tpu.memref_squeeze %dma_start3A_416 : memref<1x64xf32, #tpu.memory_space<vmem>> -> memref<64xf32, #tpu.memory_space<vmem>>
    %dma_start3A_418 = arith.constant 0 : i32
    %dma_start3A_419 = tpu.memref_slice %arg2[%shift_right_arithmetic3A_405, %and3A_407, %dma_start3A_418] : memref<125000x8x64xf32, #tpu.memory_space<hbm>> -> memref<1x1x64xf32, #tpu.memory_space<hbm>>
    %dma_start3A_420 = tpu.memref_squeeze %dma_start3A_419 : memref<1x1x64xf32, #tpu.memory_space<hbm>> -> memref<64xf32, #tpu.memory_space<hbm>>
    tpu.enqueue_dma source(%dma_start3A_420 : memref<64xf32, #tpu.memory_space<hbm>>) target(%dma_start3A_417 : memref<64xf32, #tpu.memory_space<vmem>>) target_semaphore(%arg7 : memref<!tpu.dma_semaphore, #tpu.memory_space<semaphore_mem>>)
    %slice3A_421 = vector.extract_strided_slice %get3A_306 {offsets = [6], sizes = [1], strides = [1]} : vector<16xi32> to vector<1xi32>
    %squeeze3A_422 = vector.extract %slice3A_421[0] : i32 from vector<1xi32>
    %shift_right_arithmetic3A_423 = arith.constant 3 : i32
    %shift_right_arithmetic3A_424 = arith.shrsi %squeeze3A_422, %shift_right_arithmetic3A_423 : i32
    %and3A_425 = arith.constant 7 : i32
    %and3A_426 = arith.andi %squeeze3A_422, %and3A_425 : i32
    %dma_start3A_427 = arith.constant 22 : i32
    %dma_start3A_428 = arith.constant 0 : i32
    %dma_start3A_429 = tpu.memref_slice %arg6[%dma_start3A_427, %dma_start3A_428] : memref<512x64xf32, #tpu.memory_space<vmem>> -> memref<1x64xf32, #tpu.memory_space<vmem>>
    %dma_start3A_430 = tpu.memref_squeeze %dma_start3A_429 : memref<1x64xf32, #tpu.memory_space<vmem>> -> memref<64xf32, #tpu.memory_space<vmem>>
    %dma_start3A_431 = arith.constant 0 : i32
    %dma_start3A_432 = tpu.memref_slice %arg2[%shift_right_arithmetic3A_424, %and3A_426, %dma_start3A_431] : memref<125000x8x64xf32, #tpu.memory_space<hbm>> -> memref<1x1x64xf32, #tpu.memory_space<hbm>>
    %dma_start3A_433 = tpu.memref_squeeze %dma_start3A_432 : memref<1x1x64xf32, #tpu.memory_space<hbm>> -> memref<64xf32, #tpu.memory_space<hbm>>
    %dma_start3A_434 = arith.constant 0 : i32
    %dma_start3A_435 = tpu.memref_slice %arg6[%dma_start3A_427, %dma_start3A_434] : memref<512x64xf32, #tpu.memory_space<vmem>> -> memref<1x64xf32, #tpu.memory_space<vmem>>
    %dma_start3A_436 = tpu.memref_squeeze %dma_start3A_435 : memref<1x64xf32, #tpu.memory_space<vmem>> -> memref<64xf32, #tpu.memory_space<vmem>>
    %dma_start3A_437 = arith.constant 0 : i32
    %dma_start3A_438 = tpu.memref_slice %arg2[%shift_right_arithmetic3A_424, %and3A_426, %dma_start3A_437] : memref<125000x8x64xf32, #tpu.memory_space<hbm>> -> memref<1x1x64xf32, #tpu.memory_space<hbm>>
    %dma_start3A_439 = tpu.memref_squeeze %dma_start3A_438 : memref<1x1x64xf32, #tpu.memory_space<hbm>> -> memref<64xf32, #tpu.memory_space<hbm>>
    tpu.enqueue_dma source(%dma_start3A_439 : memref<64xf32, #tpu.memory_space<hbm>>) target(%dma_start3A_436 : memref<64xf32, #tpu.memory_space<vmem>>) target_semaphore(%arg7 : memref<!tpu.dma_semaphore, #tpu.memory_space<semaphore_mem>>)
    %slice3A_440 = vector.extract_strided_slice %get3A_306 {offsets = [7], sizes = [1], strides = [1]} : vector<16xi32> to vector<1xi32>
    %squeeze3A_441 = vector.extract %slice3A_440[0] : i32 from vector<1xi32>
    %shift_right_arithmetic3A_442 = arith.constant 3 : i32
    %shift_right_arithmetic3A_443 = arith.shrsi %squeeze3A_441, %shift_right_arithmetic3A_442 : i32
    %and3A_444 = arith.constant 7 : i32
    %and3A_445 = arith.andi %squeeze3A_441, %and3A_444 : i32
    %dma_start3A_446 = arith.constant 23 : i32
    %dma_start3A_447 = arith.constant 0 : i32
    %dma_start3A_448 = tpu.memref_slice %arg6[%dma_start3A_446, %dma_start3A_447] : memref<512x64xf32, #tpu.memory_space<vmem>> -> memref<1x64xf32, #tpu.memory_space<vmem>>
    %dma_start3A_449 = tpu.memref_squeeze %dma_start3A_448 : memref<1x64xf32, #tpu.memory_space<vmem>> -> memref<64xf32, #tpu.memory_space<vmem>>
    %dma_start3A_450 = arith.constant 0 : i32
    %dma_start3A_451 = tpu.memref_slice %arg2[%shift_right_arithmetic3A_443, %and3A_445, %dma_start3A_450] : memref<125000x8x64xf32, #tpu.memory_space<hbm>> -> memref<1x1x64xf32, #tpu.memory_space<hbm>>
    %dma_start3A_452 = tpu.memref_squeeze %dma_start3A_451 : memref<1x1x64xf32, #tpu.memory_space<hbm>> -> memref<64xf32, #tpu.memory_space<hbm>>
    %dma_start3A_453 = arith.constant 0 : i32
    %dma_start3A_454 = tpu.memref_slice %arg6[%dma_start3A_446, %dma_start3A_453] : memref<512x64xf32, #tpu.memory_space<vmem>> -> memref<1x64xf32, #tpu.memory_space<vmem>>
    %dma_start3A_455 = tpu.memref_squeeze %dma_start3A_454 : memref<1x64xf32, #tpu.memory_space<vmem>> -> memref<64xf32, #tpu.memory_space<vmem>>
    %dma_start3A_456 = arith.constant 0 : i32
    %dma_start3A_457 = tpu.memref_slice %arg2[%shift_right_arithmetic3A_443, %and3A_445, %dma_start3A_456] : memref<125000x8x64xf32, #tpu.memory_space<hbm>> -> memref<1x1x64xf32, #tpu.memory_space<hbm>>
    %dma_start3A_458 = tpu.memref_squeeze %dma_start3A_457 : memref<1x1x64xf32, #tpu.memory_space<hbm>> -> memref<64xf32, #tpu.memory_space<hbm>>
    tpu.enqueue_dma source(%dma_start3A_458 : memref<64xf32, #tpu.memory_space<hbm>>) target(%dma_start3A_455 : memref<64xf32, #tpu.memory_space<vmem>>) target_semaphore(%arg7 : memref<!tpu.dma_semaphore, #tpu.memory_space<semaphore_mem>>)
    %slice3A_459 = vector.extract_strided_slice %get3A_306 {offsets = [8], sizes = [1], strides = [1]} : vector<16xi32> to vector<1xi32>
    %squeeze3A_460 = vector.extract %slice3A_459[0] : i32 from vector<1xi32>
    %shift_right_arithmetic3A_461 = arith.constant 3 : i32
    %shift_right_arithmetic3A_462 = arith.shrsi %squeeze3A_460, %shift_right_arithmetic3A_461 : i32
    %and3A_463 = arith.constant 7 : i32
    %and3A_464 = arith.andi %squeeze3A_460, %and3A_463 : i32
    %dma_start3A_465 = arith.constant 24 : i32
    %dma_start3A_466 = arith.constant 0 : i32
    %dma_start3A_467 = tpu.memref_slice %arg6[%dma_start3A_465, %dma_start3A_466] : memref<512x64xf32, #tpu.memory_space<vmem>> -> memref<1x64xf32, #tpu.memory_space<vmem>>
    %dma_start3A_468 = tpu.memref_squeeze %dma_start3A_467 : memref<1x64xf32, #tpu.memory_space<vmem>> -> memref<64xf32, #tpu.memory_space<vmem>>
    %dma_start3A_469 = arith.constant 0 : i32
    %dma_start3A_470 = tpu.memref_slice %arg2[%shift_right_arithmetic3A_462, %and3A_464, %dma_start3A_469] : memref<125000x8x64xf32, #tpu.memory_space<hbm>> -> memref<1x1x64xf32, #tpu.memory_space<hbm>>
    %dma_start3A_471 = tpu.memref_squeeze %dma_start3A_470 : memref<1x1x64xf32, #tpu.memory_space<hbm>> -> memref<64xf32, #tpu.memory_space<hbm>>
    %dma_start3A_472 = arith.constant 0 : i32
    %dma_start3A_473 = tpu.memref_slice %arg6[%dma_start3A_465, %dma_start3A_472] : memref<512x64xf32, #tpu.memory_space<vmem>> -> memref<1x64xf32, #tpu.memory_space<vmem>>
    %dma_start3A_474 = tpu.memref_squeeze %dma_start3A_473 : memref<1x64xf32, #tpu.memory_space<vmem>> -> memref<64xf32, #tpu.memory_space<vmem>>
    %dma_start3A_475 = arith.constant 0 : i32
    %dma_start3A_476 = tpu.memref_slice %arg2[%shift_right_arithmetic3A_462, %and3A_464, %dma_start3A_475] : memref<125000x8x64xf32, #tpu.memory_space<hbm>> -> memref<1x1x64xf32, #tpu.memory_space<hbm>>
    %dma_start3A_477 = tpu.memref_squeeze %dma_start3A_476 : memref<1x1x64xf32, #tpu.memory_space<hbm>> -> memref<64xf32, #tpu.memory_space<hbm>>
    tpu.enqueue_dma source(%dma_start3A_477 : memref<64xf32, #tpu.memory_space<hbm>>) target(%dma_start3A_474 : memref<64xf32, #tpu.memory_space<vmem>>) target_semaphore(%arg7 : memref<!tpu.dma_semaphore, #tpu.memory_space<semaphore_mem>>)
    %slice3A_478 = vector.extract_strided_slice %get3A_306 {offsets = [9], sizes = [1], strides = [1]} : vector<16xi32> to vector<1xi32>
    %squeeze3A_479 = vector.extract %slice3A_478[0] : i32 from vector<1xi32>
    %shift_right_arithmetic3A_480 = arith.constant 3 : i32
    %shift_right_arithmetic3A_481 = arith.shrsi %squeeze3A_479, %shift_right_arithmetic3A_480 : i32
    %and3A_482 = arith.constant 7 : i32
    %and3A_483 = arith.andi %squeeze3A_479, %and3A_482 : i32
    %dma_start3A_484 = arith.constant 25 : i32
    %dma_start3A_485 = arith.constant 0 : i32
    %dma_start3A_486 = tpu.memref_slice %arg6[%dma_start3A_484, %dma_start3A_485] : memref<512x64xf32, #tpu.memory_space<vmem>> -> memref<1x64xf32, #tpu.memory_space<vmem>>
    %dma_start3A_487 = tpu.memref_squeeze %dma_start3A_486 : memref<1x64xf32, #tpu.memory_space<vmem>> -> memref<64xf32, #tpu.memory_space<vmem>>
    %dma_start3A_488 = arith.constant 0 : i32
    %dma_start3A_489 = tpu.memref_slice %arg2[%shift_right_arithmetic3A_481, %and3A_483, %dma_start3A_488] : memref<125000x8x64xf32, #tpu.memory_space<hbm>> -> memref<1x1x64xf32, #tpu.memory_space<hbm>>
    %dma_start3A_490 = tpu.memref_squeeze %dma_start3A_489 : memref<1x1x64xf32, #tpu.memory_space<hbm>> -> memref<64xf32, #tpu.memory_space<hbm>>
    %dma_start3A_491 = arith.constant 0 : i32
    %dma_start3A_492 = tpu.memref_slice %arg6[%dma_start3A_484, %dma_start3A_491] : memref<512x64xf32, #tpu.memory_space<vmem>> -> memref<1x64xf32, #tpu.memory_space<vmem>>
    %dma_start3A_493 = tpu.memref_squeeze %dma_start3A_492 : memref<1x64xf32, #tpu.memory_space<vmem>> -> memref<64xf32, #tpu.memory_space<vmem>>
    %dma_start3A_494 = arith.constant 0 : i32
    %dma_start3A_495 = tpu.memref_slice %arg2[%shift_right_arithmetic3A_481, %and3A_483, %dma_start3A_494] : memref<125000x8x64xf32, #tpu.memory_space<hbm>> -> memref<1x1x64xf32, #tpu.memory_space<hbm>>
    %dma_start3A_496 = tpu.memref_squeeze %dma_start3A_495 : memref<1x1x64xf32, #tpu.memory_space<hbm>> -> memref<64xf32, #tpu.memory_space<hbm>>
    tpu.enqueue_dma source(%dma_start3A_496 : memref<64xf32, #tpu.memory_space<hbm>>) target(%dma_start3A_493 : memref<64xf32, #tpu.memory_space<vmem>>) target_semaphore(%arg7 : memref<!tpu.dma_semaphore, #tpu.memory_space<semaphore_mem>>)
    %slice3A_497 = vector.extract_strided_slice %get3A_306 {offsets = [10], sizes = [1], strides = [1]} : vector<16xi32> to vector<1xi32>
    %squeeze3A_498 = vector.extract %slice3A_497[0] : i32 from vector<1xi32>
    %shift_right_arithmetic3A_499 = arith.constant 3 : i32
    %shift_right_arithmetic3A_500 = arith.shrsi %squeeze3A_498, %shift_right_arithmetic3A_499 : i32
    %and3A_501 = arith.constant 7 : i32
    %and3A_502 = arith.andi %squeeze3A_498, %and3A_501 : i32
    %dma_start3A_503 = arith.constant 26 : i32
    %dma_start3A_504 = arith.constant 0 : i32
    %dma_start3A_505 = tpu.memref_slice %arg6[%dma_start3A_503, %dma_start3A_504] : memref<512x64xf32, #tpu.memory_space<vmem>> -> memref<1x64xf32, #tpu.memory_space<vmem>>
    %dma_start3A_506 = tpu.memref_squeeze %dma_start3A_505 : memref<1x64xf32, #tpu.memory_space<vmem>> -> memref<64xf32, #tpu.memory_space<vmem>>
    %dma_start3A_507 = arith.constant 0 : i32
    %dma_start3A_508 = tpu.memref_slice %arg2[%shift_right_arithmetic3A_500, %and3A_502, %dma_start3A_507] : memref<125000x8x64xf32, #tpu.memory_space<hbm>> -> memref<1x1x64xf32, #tpu.memory_space<hbm>>
    %dma_start3A_509 = tpu.memref_squeeze %dma_start3A_508 : memref<1x1x64xf32, #tpu.memory_space<hbm>> -> memref<64xf32, #tpu.memory_space<hbm>>
    %dma_start3A_510 = arith.constant 0 : i32
    %dma_start3A_511 = tpu.memref_slice %arg6[%dma_start3A_503, %dma_start3A_510] : memref<512x64xf32, #tpu.memory_space<vmem>> -> memref<1x64xf32, #tpu.memory_space<vmem>>
    %dma_start3A_512 = tpu.memref_squeeze %dma_start3A_511 : memref<1x64xf32, #tpu.memory_space<vmem>> -> memref<64xf32, #tpu.memory_space<vmem>>
    %dma_start3A_513 = arith.constant 0 : i32
    %dma_start3A_514 = tpu.memref_slice %arg2[%shift_right_arithmetic3A_500, %and3A_502, %dma_start3A_513] : memref<125000x8x64xf32, #tpu.memory_space<hbm>> -> memref<1x1x64xf32, #tpu.memory_space<hbm>>
    %dma_start3A_515 = tpu.memref_squeeze %dma_start3A_514 : memref<1x1x64xf32, #tpu.memory_space<hbm>> -> memref<64xf32, #tpu.memory_space<hbm>>
    tpu.enqueue_dma source(%dma_start3A_515 : memref<64xf32, #tpu.memory_space<hbm>>) target(%dma_start3A_512 : memref<64xf32, #tpu.memory_space<vmem>>) target_semaphore(%arg7 : memref<!tpu.dma_semaphore, #tpu.memory_space<semaphore_mem>>)
    %slice3A_516 = vector.extract_strided_slice %get3A_306 {offsets = [11], sizes = [1], strides = [1]} : vector<16xi32> to vector<1xi32>
    %squeeze3A_517 = vector.extract %slice3A_516[0] : i32 from vector<1xi32>
    %shift_right_arithmetic3A_518 = arith.constant 3 : i32
    %shift_right_arithmetic3A_519 = arith.shrsi %squeeze3A_517, %shift_right_arithmetic3A_518 : i32
    %and3A_520 = arith.constant 7 : i32
    %and3A_521 = arith.andi %squeeze3A_517, %and3A_520 : i32
    %dma_start3A_522 = arith.constant 27 : i32
    %dma_start3A_523 = arith.constant 0 : i32
    %dma_start3A_524 = tpu.memref_slice %arg6[%dma_start3A_522, %dma_start3A_523] : memref<512x64xf32, #tpu.memory_space<vmem>> -> memref<1x64xf32, #tpu.memory_space<vmem>>
    %dma_start3A_525 = tpu.memref_squeeze %dma_start3A_524 : memref<1x64xf32, #tpu.memory_space<vmem>> -> memref<64xf32, #tpu.memory_space<vmem>>
    %dma_start3A_526 = arith.constant 0 : i32
    %dma_start3A_527 = tpu.memref_slice %arg2[%shift_right_arithmetic3A_519, %and3A_521, %dma_start3A_526] : memref<125000x8x64xf32, #tpu.memory_space<hbm>> -> memref<1x1x64xf32, #tpu.memory_space<hbm>>
    %dma_start3A_528 = tpu.memref_squeeze %dma_start3A_527 : memref<1x1x64xf32, #tpu.memory_space<hbm>> -> memref<64xf32, #tpu.memory_space<hbm>>
    %dma_start3A_529 = arith.constant 0 : i32
    %dma_start3A_530 = tpu.memref_slice %arg6[%dma_start3A_522, %dma_start3A_529] : memref<512x64xf32, #tpu.memory_space<vmem>> -> memref<1x64xf32, #tpu.memory_space<vmem>>
    %dma_start3A_531 = tpu.memref_squeeze %dma_start3A_530 : memref<1x64xf32, #tpu.memory_space<vmem>> -> memref<64xf32, #tpu.memory_space<vmem>>
    %dma_start3A_532 = arith.constant 0 : i32
    %dma_start3A_533 = tpu.memref_slice %arg2[%shift_right_arithmetic3A_519, %and3A_521, %dma_start3A_532] : memref<125000x8x64xf32, #tpu.memory_space<hbm>> -> memref<1x1x64xf32, #tpu.memory_space<hbm>>
    %dma_start3A_534 = tpu.memref_squeeze %dma_start3A_533 : memref<1x1x64xf32, #tpu.memory_space<hbm>> -> memref<64xf32, #tpu.memory_space<hbm>>
    tpu.enqueue_dma source(%dma_start3A_534 : memref<64xf32, #tpu.memory_space<hbm>>) target(%dma_start3A_531 : memref<64xf32, #tpu.memory_space<vmem>>) target_semaphore(%arg7 : memref<!tpu.dma_semaphore, #tpu.memory_space<semaphore_mem>>)
    %slice3A_535 = vector.extract_strided_slice %get3A_306 {offsets = [12], sizes = [1], strides = [1]} : vector<16xi32> to vector<1xi32>
    %squeeze3A_536 = vector.extract %slice3A_535[0] : i32 from vector<1xi32>
    %shift_right_arithmetic3A_537 = arith.constant 3 : i32
    %shift_right_arithmetic3A_538 = arith.shrsi %squeeze3A_536, %shift_right_arithmetic3A_537 : i32
    %and3A_539 = arith.constant 7 : i32
    %and3A_540 = arith.andi %squeeze3A_536, %and3A_539 : i32
    %dma_start3A_541 = arith.constant 28 : i32
    %dma_start3A_542 = arith.constant 0 : i32
    %dma_start3A_543 = tpu.memref_slice %arg6[%dma_start3A_541, %dma_start3A_542] : memref<512x64xf32, #tpu.memory_space<vmem>> -> memref<1x64xf32, #tpu.memory_space<vmem>>
    %dma_start3A_544 = tpu.memref_squeeze %dma_start3A_543 : memref<1x64xf32, #tpu.memory_space<vmem>> -> memref<64xf32, #tpu.memory_space<vmem>>
    %dma_start3A_545 = arith.constant 0 : i32
    %dma_start3A_546 = tpu.memref_slice %arg2[%shift_right_arithmetic3A_538, %and3A_540, %dma_start3A_545] : memref<125000x8x64xf32, #tpu.memory_space<hbm>> -> memref<1x1x64xf32, #tpu.memory_space<hbm>>
    %dma_start3A_547 = tpu.memref_squeeze %dma_start3A_546 : memref<1x1x64xf32, #tpu.memory_space<hbm>> -> memref<64xf32, #tpu.memory_space<hbm>>
    %dma_start3A_548 = arith.constant 0 : i32
    %dma_start3A_549 = tpu.memref_slice %arg6[%dma_start3A_541, %dma_start3A_548] : memref<512x64xf32, #tpu.memory_space<vmem>> -> memref<1x64xf32, #tpu.memory_space<vmem>>
    %dma_start3A_550 = tpu.memref_squeeze %dma_start3A_549 : memref<1x64xf32, #tpu.memory_space<vmem>> -> memref<64xf32, #tpu.memory_space<vmem>>
    %dma_start3A_551 = arith.constant 0 : i32
    %dma_start3A_552 = tpu.memref_slice %arg2[%shift_right_arithmetic3A_538, %and3A_540, %dma_start3A_551] : memref<125000x8x64xf32, #tpu.memory_space<hbm>> -> memref<1x1x64xf32, #tpu.memory_space<hbm>>
    %dma_start3A_553 = tpu.memref_squeeze %dma_start3A_552 : memref<1x1x64xf32, #tpu.memory_space<hbm>> -> memref<64xf32, #tpu.memory_space<hbm>>
    tpu.enqueue_dma source(%dma_start3A_553 : memref<64xf32, #tpu.memory_space<hbm>>) target(%dma_start3A_550 : memref<64xf32, #tpu.memory_space<vmem>>) target_semaphore(%arg7 : memref<!tpu.dma_semaphore, #tpu.memory_space<semaphore_mem>>)
    %slice3A_554 = vector.extract_strided_slice %get3A_306 {offsets = [13], sizes = [1], strides = [1]} : vector<16xi32> to vector<1xi32>
    %squeeze3A_555 = vector.extract %slice3A_554[0] : i32 from vector<1xi32>
    %shift_right_arithmetic3A_556 = arith.constant 3 : i32
    %shift_right_arithmetic3A_557 = arith.shrsi %squeeze3A_555, %shift_right_arithmetic3A_556 : i32
    %and3A_558 = arith.constant 7 : i32
    %and3A_559 = arith.andi %squeeze3A_555, %and3A_558 : i32
    %dma_start3A_560 = arith.constant 29 : i32
    %dma_start3A_561 = arith.constant 0 : i32
    %dma_start3A_562 = tpu.memref_slice %arg6[%dma_start3A_560, %dma_start3A_561] : memref<512x64xf32, #tpu.memory_space<vmem>> -> memref<1x64xf32, #tpu.memory_space<vmem>>
    %dma_start3A_563 = tpu.memref_squeeze %dma_start3A_562 : memref<1x64xf32, #tpu.memory_space<vmem>> -> memref<64xf32, #tpu.memory_space<vmem>>
    %dma_start3A_564 = arith.constant 0 : i32
    %dma_start3A_565 = tpu.memref_slice %arg2[%shift_right_arithmetic3A_557, %and3A_559, %dma_start3A_564] : memref<125000x8x64xf32, #tpu.memory_space<hbm>> -> memref<1x1x64xf32, #tpu.memory_space<hbm>>
    %dma_start3A_566 = tpu.memref_squeeze %dma_start3A_565 : memref<1x1x64xf32, #tpu.memory_space<hbm>> -> memref<64xf32, #tpu.memory_space<hbm>>
    %dma_start3A_567 = arith.constant 0 : i32
    %dma_start3A_568 = tpu.memref_slice %arg6[%dma_start3A_560, %dma_start3A_567] : memref<512x64xf32, #tpu.memory_space<vmem>> -> memref<1x64xf32, #tpu.memory_space<vmem>>
    %dma_start3A_569 = tpu.memref_squeeze %dma_start3A_568 : memref<1x64xf32, #tpu.memory_space<vmem>> -> memref<64xf32, #tpu.memory_space<vmem>>
    %dma_start3A_570 = arith.constant 0 : i32
    %dma_start3A_571 = tpu.memref_slice %arg2[%shift_right_arithmetic3A_557, %and3A_559, %dma_start3A_570] : memref<125000x8x64xf32, #tpu.memory_space<hbm>> -> memref<1x1x64xf32, #tpu.memory_space<hbm>>
    %dma_start3A_572 = tpu.memref_squeeze %dma_start3A_571 : memref<1x1x64xf32, #tpu.memory_space<hbm>> -> memref<64xf32, #tpu.memory_space<hbm>>
    tpu.enqueue_dma source(%dma_start3A_572 : memref<64xf32, #tpu.memory_space<hbm>>) target(%dma_start3A_569 : memref<64xf32, #tpu.memory_space<vmem>>) target_semaphore(%arg7 : memref<!tpu.dma_semaphore, #tpu.memory_space<semaphore_mem>>)
    %slice3A_573 = vector.extract_strided_slice %get3A_306 {offsets = [14], sizes = [1], strides = [1]} : vector<16xi32> to vector<1xi32>
    %squeeze3A_574 = vector.extract %slice3A_573[0] : i32 from vector<1xi32>
    %shift_right_arithmetic3A_575 = arith.constant 3 : i32
    %shift_right_arithmetic3A_576 = arith.shrsi %squeeze3A_574, %shift_right_arithmetic3A_575 : i32
    %and3A_577 = arith.constant 7 : i32
    %and3A_578 = arith.andi %squeeze3A_574, %and3A_577 : i32
    %dma_start3A_579 = arith.constant 30 : i32
    %dma_start3A_580 = arith.constant 0 : i32
    %dma_start3A_581 = tpu.memref_slice %arg6[%dma_start3A_579, %dma_start3A_580] : memref<512x64xf32, #tpu.memory_space<vmem>> -> memref<1x64xf32, #tpu.memory_space<vmem>>
    %dma_start3A_582 = tpu.memref_squeeze %dma_start3A_581 : memref<1x64xf32, #tpu.memory_space<vmem>> -> memref<64xf32, #tpu.memory_space<vmem>>
    %dma_start3A_583 = arith.constant 0 : i32
    %dma_start3A_584 = tpu.memref_slice %arg2[%shift_right_arithmetic3A_576, %and3A_578, %dma_start3A_583] : memref<125000x8x64xf32, #tpu.memory_space<hbm>> -> memref<1x1x64xf32, #tpu.memory_space<hbm>>
    %dma_start3A_585 = tpu.memref_squeeze %dma_start3A_584 : memref<1x1x64xf32, #tpu.memory_space<hbm>> -> memref<64xf32, #tpu.memory_space<hbm>>
    %dma_start3A_586 = arith.constant 0 : i32
    %dma_start3A_587 = tpu.memref_slice %arg6[%dma_start3A_579, %dma_start3A_586] : memref<512x64xf32, #tpu.memory_space<vmem>> -> memref<1x64xf32, #tpu.memory_space<vmem>>
    %dma_start3A_588 = tpu.memref_squeeze %dma_start3A_587 : memref<1x64xf32, #tpu.memory_space<vmem>> -> memref<64xf32, #tpu.memory_space<vmem>>
    %dma_start3A_589 = arith.constant 0 : i32
    %dma_start3A_590 = tpu.memref_slice %arg2[%shift_right_arithmetic3A_576, %and3A_578, %dma_start3A_589] : memref<125000x8x64xf32, #tpu.memory_space<hbm>> -> memref<1x1x64xf32, #tpu.memory_space<hbm>>
    %dma_start3A_591 = tpu.memref_squeeze %dma_start3A_590 : memref<1x1x64xf32, #tpu.memory_space<hbm>> -> memref<64xf32, #tpu.memory_space<hbm>>
    tpu.enqueue_dma source(%dma_start3A_591 : memref<64xf32, #tpu.memory_space<hbm>>) target(%dma_start3A_588 : memref<64xf32, #tpu.memory_space<vmem>>) target_semaphore(%arg7 : memref<!tpu.dma_semaphore, #tpu.memory_space<semaphore_mem>>)
    %slice3A_592 = vector.extract_strided_slice %get3A_306 {offsets = [15], sizes = [1], strides = [1]} : vector<16xi32> to vector<1xi32>
    %squeeze3A_593 = vector.extract %slice3A_592[0] : i32 from vector<1xi32>
    %shift_right_arithmetic3A_594 = arith.constant 3 : i32
    %shift_right_arithmetic3A_595 = arith.shrsi %squeeze3A_593, %shift_right_arithmetic3A_594 : i32
    %and3A_596 = arith.constant 7 : i32
    %and3A_597 = arith.andi %squeeze3A_593, %and3A_596 : i32
    %dma_start3A_598 = arith.constant 31 : i32
    %dma_start3A_599 = arith.constant 0 : i32
    %dma_start3A_600 = tpu.memref_slice %arg6[%dma_start3A_598, %dma_start3A_599] : memref<512x64xf32, #tpu.memory_space<vmem>> -> memref<1x64xf32, #tpu.memory_space<vmem>>
    %dma_start3A_601 = tpu.memref_squeeze %dma_start3A_600 : memref<1x64xf32, #tpu.memory_space<vmem>> -> memref<64xf32, #tpu.memory_space<vmem>>
    %dma_start3A_602 = arith.constant 0 : i32
    %dma_start3A_603 = tpu.memref_slice %arg2[%shift_right_arithmetic3A_595, %and3A_597, %dma_start3A_602] : memref<125000x8x64xf32, #tpu.memory_space<hbm>> -> memref<1x1x64xf32, #tpu.memory_space<hbm>>
    %dma_start3A_604 = tpu.memref_squeeze %dma_start3A_603 : memref<1x1x64xf32, #tpu.memory_space<hbm>> -> memref<64xf32, #tpu.memory_space<hbm>>
    %dma_start3A_605 = arith.constant 0 : i32
    %dma_start3A_606 = tpu.memref_slice %arg6[%dma_start3A_598, %dma_start3A_605] : memref<512x64xf32, #tpu.memory_space<vmem>> -> memref<1x64xf32, #tpu.memory_space<vmem>>
    %dma_start3A_607 = tpu.memref_squeeze %dma_start3A_606 : memref<1x64xf32, #tpu.memory_space<vmem>> -> memref<64xf32, #tpu.memory_space<vmem>>
    %dma_start3A_608 = arith.constant 0 : i32
    %dma_start3A_609 = tpu.memref_slice %arg2[%shift_right_arithmetic3A_595, %and3A_597, %dma_start3A_608] : memref<125000x8x64xf32, #tpu.memory_space<hbm>> -> memref<1x1x64xf32, #tpu.memory_space<hbm>>
    %dma_start3A_610 = tpu.memref_squeeze %dma_start3A_609 : memref<1x1x64xf32, #tpu.memory_space<hbm>> -> memref<64xf32, #tpu.memory_space<hbm>>
    tpu.enqueue_dma source(%dma_start3A_610 : memref<64xf32, #tpu.memory_space<hbm>>) target(%dma_start3A_607 : memref<64xf32, #tpu.memory_space<vmem>>) target_semaphore(%arg7 : memref<!tpu.dma_semaphore, #tpu.memory_space<semaphore_mem>>)
    %scan3A = arith.constant 0 : i32
    %scan3A_611 = arith.constant 1 : i32
    %scan3A_612 = arith.constant 15 : i32
    %scan3A_613 = arith.addi %scan3A_611, %scan3A_612 : i32
    %scan3A_614 = arith.constant 1 : i32
    scf.for %scan3A_627 = %scan3A_611 to %scan3A_613 step %scan3A_614  : i32 {
      %mul3A_628 = arith.constant 32 : i32
      %mul3A_629 = arith.muli %scan3A_627, %mul3A_628 : i32
      %add3A_630 = arith.constant 0 : i32
      %add3A_631 = arith.addi %mul3A_629, %add3A_630 : i32
      %get3A_632 = arith.index_cast %add3A_631 : i32 to index
      %get3A_633 = tpu.vector_load %arg5[%get3A_632] {strides = array<i32>} : memref<512xi32, #tpu.memory_space<vmem>>, vector<16xi32>,
      %get3A_634 = vector.shape_cast %get3A_633 : vector<16xi32> to vector<16xi32>
      %slice3A_635 = vector.extract_strided_slice %get3A_634 {offsets = [0], sizes = [1], strides = [1]} : vector<16xi32> to vector<1xi32>
      %squeeze3A_636 = vector.extract %slice3A_635[0] : i32 from vector<1xi32>
      %shift_right_arithmetic3A_637 = arith.constant 3 : i32
      %shift_right_arithmetic3A_638 = arith.shrsi %squeeze3A_636, %shift_right_arithmetic3A_637 : i32
      %and3A_639 = arith.constant 7 : i32
      %and3A_640 = arith.andi %squeeze3A_636, %and3A_639 : i32
      %add3A_641 = arith.constant 0 : i32
      %add3A_642 = arith.addi %mul3A_629, %add3A_641 : i32
      %add3A_643 = arith.constant 0 : i32
      %add3A_644 = arith.addi %add3A_642, %add3A_643 : i32
      %dma_start3A_645 = arith.constant 0 : i32
      %dma_start3A_646 = tpu.memref_slice %arg6[%add3A_644, %dma_start3A_645] : memref<512x64xf32, #tpu.memory_space<vmem>> -> memref<1x64xf32, #tpu.memory_space<vmem>>
      %dma_start3A_647 = tpu.memref_squeeze %dma_start3A_646 : memref<1x64xf32, #tpu.memory_space<vmem>> -> memref<64xf32, #tpu.memory_space<vmem>>
      %dma_start3A_648 = arith.constant 0 : i32
      %dma_start3A_649 = tpu.memref_slice %arg2[%shift_right_arithmetic3A_638, %and3A_640, %dma_start3A_648] : memref<125000x8x64xf32, #tpu.memory_space<hbm>> -> memref<1x1x64xf32, #tpu.memory_space<hbm>>
      %dma_start3A_650 = tpu.memref_squeeze %dma_start3A_649 : memref<1x1x64xf32, #tpu.memory_space<hbm>> -> memref<64xf32, #tpu.memory_space<hbm>>
      %dma_start3A_651 = arith.constant 0 : i32
      %dma_start3A_652 = tpu.memref_slice %arg6[%add3A_644, %dma_start3A_651] : memref<512x64xf32, #tpu.memory_space<vmem>> -> memref<1x64xf32, #tpu.memory_space<vmem>>
      %dma_start3A_653 = tpu.memref_squeeze %dma_start3A_652 : memref<1x64xf32, #tpu.memory_space<vmem>> -> memref<64xf32, #tpu.memory_space<vmem>>
      %dma_start3A_654 = arith.constant 0 : i32
      %dma_start3A_655 = tpu.memref_slice %arg2[%shift_right_arithmetic3A_638, %and3A_640, %dma_start3A_654] : memref<125000x8x64xf32, #tpu.memory_space<hbm>> -> memref<1x1x64xf32, #tpu.memory_space<hbm>>
      %dma_start3A_656 = tpu.memref_squeeze %dma_start3A_655 : memref<1x1x64xf32, #tpu.memory_space<hbm>> -> memref<64xf32, #tpu.memory_space<hbm>>
      tpu.enqueue_dma source(%dma_start3A_656 : memref<64xf32, #tpu.memory_space<hbm>>) target(%dma_start3A_653 : memref<64xf32, #tpu.memory_space<vmem>>) target_semaphore(%arg7 : memref<!tpu.dma_semaphore, #tpu.memory_space<semaphore_mem>>)
      %slice3A_657 = vector.extract_strided_slice %get3A_634 {offsets = [1], sizes = [1], strides = [1]} : vector<16xi32> to vector<1xi32>
      %squeeze3A_658 = vector.extract %slice3A_657[0] : i32 from vector<1xi32>
      %shift_right_arithmetic3A_659 = arith.constant 3 : i32
      %shift_right_arithmetic3A_660 = arith.shrsi %squeeze3A_658, %shift_right_arithmetic3A_659 : i32
      %and3A_661 = arith.constant 7 : i32
      %and3A_662 = arith.andi %squeeze3A_658, %and3A_661 : i32
      %add3A_663 = arith.constant 0 : i32
      %add3A_664 = arith.addi %mul3A_629, %add3A_663 : i32
      %add3A_665 = arith.constant 1 : i32
      %add3A_666 = arith.addi %add3A_664, %add3A_665 : i32
      %dma_start3A_667 = arith.constant 0 : i32
      %dma_start3A_668 = tpu.memref_slice %arg6[%add3A_666, %dma_start3A_667] : memref<512x64xf32, #tpu.memory_space<vmem>> -> memref<1x64xf32, #tpu.memory_space<vmem>>
      %dma_start3A_669 = tpu.memref_squeeze %dma_start3A_668 : memref<1x64xf32, #tpu.memory_space<vmem>> -> memref<64xf32, #tpu.memory_space<vmem>>
      %dma_start3A_670 = arith.constant 0 : i32
      %dma_start3A_671 = tpu.memref_slice %arg2[%shift_right_arithmetic3A_660, %and3A_662, %dma_start3A_670] : memref<125000x8x64xf32, #tpu.memory_space<hbm>> -> memref<1x1x64xf32, #tpu.memory_space<hbm>>
      %dma_start3A_672 = tpu.memref_squeeze %dma_start3A_671 : memref<1x1x64xf32, #tpu.memory_space<hbm>> -> memref<64xf32, #tpu.memory_space<hbm>>
      %dma_start3A_673 = arith.constant 0 : i32
      %dma_start3A_674 = tpu.memref_slice %arg6[%add3A_666, %dma_start3A_673] : memref<512x64xf32, #tpu.memory_space<vmem>> -> memref<1x64xf32, #tpu.memory_space<vmem>>
      %dma_start3A_675 = tpu.memref_squeeze %dma_start3A_674 : memref<1x64xf32, #tpu.memory_space<vmem>> -> memref<64xf32, #tpu.memory_space<vmem>>
      %dma_start3A_676 = arith.constant 0 : i32
      %dma_start3A_677 = tpu.memref_slice %arg2[%shift_right_arithmetic3A_660, %and3A_662, %dma_start3A_676] : memref<125000x8x64xf32, #tpu.memory_space<hbm>> -> memref<1x1x64xf32, #tpu.memory_space<hbm>>
      %dma_start3A_678 = tpu.memref_squeeze %dma_start3A_677 : memref<1x1x64xf32, #tpu.memory_space<hbm>> -> memref<64xf32, #tpu.memory_space<hbm>>
      tpu.enqueue_dma source(%dma_start3A_678 : memref<64xf32, #tpu.memory_space<hbm>>) target(%dma_start3A_675 : memref<64xf32, #tpu.memory_space<vmem>>) target_semaphore(%arg7 : memref<!tpu.dma_semaphore, #tpu.memory_space<semaphore_mem>>)
      %slice3A_679 = vector.extract_strided_slice %get3A_634 {offsets = [2], sizes = [1], strides = [1]} : vector<16xi32> to vector<1xi32>
      %squeeze3A_680 = vector.extract %slice3A_679[0] : i32 from vector<1xi32>
      %shift_right_arithmetic3A_681 = arith.constant 3 : i32
      %shift_right_arithmetic3A_682 = arith.shrsi %squeeze3A_680, %shift_right_arithmetic3A_681 : i32
      %and3A_683 = arith.constant 7 : i32
      %and3A_684 = arith.andi %squeeze3A_680, %and3A_683 : i32
      %add3A_685 = arith.constant 0 : i32
      %add3A_686 = arith.addi %mul3A_629, %add3A_685 : i32
      %add3A_687 = arith.constant 2 : i32
      %add3A_688 = arith.addi %add3A_686, %add3A_687 : i32
      %dma_start3A_689 = arith.constant 0 : i32
      %dma_start3A_690 = tpu.memref_slice %arg6[%add3A_688, %dma_start3A_689] : memref<512x64xf32, #tpu.memory_space<vmem>> -> memref<1x64xf32, #tpu.memory_space<vmem>>
      %dma_start3A_691 = tpu.memref_squeeze %dma_start3A_690 : memref<1x64xf32, #tpu.memory_space<vmem>> -> memref<64xf32, #tpu.memory_space<vmem>>
      %dma_start3A_692 = arith.constant 0 : i32
      %dma_start3A_693 = tpu.memref_slice %arg2[%shift_right_arithmetic3A_682, %and3A_684, %dma_start3A_692] : memref<125000x8x64xf32, #tpu.memory_space<hbm>> -> memref<1x1x64xf32, #tpu.memory_space<hbm>>
      %dma_start3A_694 = tpu.memref_squeeze %dma_start3A_693 : memref<1x1x64xf32, #tpu.memory_space<hbm>> -> memref<64xf32, #tpu.memory_space<hbm>>
      %dma_start3A_695 = arith.constant 0 : i32
      %dma_start3A_696 = tpu.memref_slice %arg6[%add3A_688, %dma_start3A_695] : memref<512x64xf32, #tpu.memory_space<vmem>> -> memref<1x64xf32, #tpu.memory_space<vmem>>
      %dma_start3A_697 = tpu.memref_squeeze %dma_start3A_696 : memref<1x64xf32, #tpu.memory_space<vmem>> -> memref<64xf32, #tpu.memory_space<vmem>>
      %dma_start3A_698 = arith.constant 0 : i32
      %dma_start3A_699 = tpu.memref_slice %arg2[%shift_right_arithmetic3A_682, %and3A_684, %dma_start3A_698] : memref<125000x8x64xf32, #tpu.memory_space<hbm>> -> memref<1x1x64xf32, #tpu.memory_space<hbm>>
      %dma_start3A_700 = tpu.memref_squeeze %dma_start3A_699 : memref<1x1x64xf32, #tpu.memory_space<hbm>> -> memref<64xf32, #tpu.memory_space<hbm>>
      tpu.enqueue_dma source(%dma_start3A_700 : memref<64xf32, #tpu.memory_space<hbm>>) target(%dma_start3A_697 : memref<64xf32, #tpu.memory_space<vmem>>) target_semaphore(%arg7 : memref<!tpu.dma_semaphore, #tpu.memory_space<semaphore_mem>>)
      %slice3A_701 = vector.extract_strided_slice %get3A_634 {offsets = [3], sizes = [1], strides = [1]} : vector<16xi32> to vector<1xi32>
      %squeeze3A_702 = vector.extract %slice3A_701[0] : i32 from vector<1xi32>
      %shift_right_arithmetic3A_703 = arith.constant 3 : i32
      %shift_right_arithmetic3A_704 = arith.shrsi %squeeze3A_702, %shift_right_arithmetic3A_703 : i32
      %and3A_705 = arith.constant 7 : i32
      %and3A_706 = arith.andi %squeeze3A_702, %and3A_705 : i32
      %add3A_707 = arith.constant 0 : i32
      %add3A_708 = arith.addi %mul3A_629, %add3A_707 : i32
      %add3A_709 = arith.constant 3 : i32
      %add3A_710 = arith.addi %add3A_708, %add3A_709 : i32
      %dma_start3A_711 = arith.constant 0 : i32
      %dma_start3A_712 = tpu.memref_slice %arg6[%add3A_710, %dma_start3A_711] : memref<512x64xf32, #tpu.memory_space<vmem>> -> memref<1x64xf32, #tpu.memory_space<vmem>>
      %dma_start3A_713 = tpu.memref_squeeze %dma_start3A_712 : memref<1x64xf32, #tpu.memory_space<vmem>> -> memref<64xf32, #tpu.memory_space<vmem>>
      %dma_start3A_714 = arith.constant 0 : i32
      %dma_start3A_715 = tpu.memref_slice %arg2[%shift_right_arithmetic3A_704, %and3A_706, %dma_start3A_714] : memref<125000x8x64xf32, #tpu.memory_space<hbm>> -> memref<1x1x64xf32, #tpu.memory_space<hbm>>
      %dma_start3A_716 = tpu.memref_squeeze %dma_start3A_715 : memref<1x1x64xf32, #tpu.memory_space<hbm>> -> memref<64xf32, #tpu.memory_space<hbm>>
      %dma_start3A_717 = arith.constant 0 : i32
      %dma_start3A_718 = tpu.memref_slice %arg6[%add3A_710, %dma_start3A_717] : memref<512x64xf32, #tpu.memory_space<vmem>> -> memref<1x64xf32, #tpu.memory_space<vmem>>
      %dma_start3A_719 = tpu.memref_squeeze %dma_start3A_718 : memref<1x64xf32, #tpu.memory_space<vmem>> -> memref<64xf32, #tpu.memory_space<vmem>>
      %dma_start3A_720 = arith.constant 0 : i32
      %dma_start3A_721 = tpu.memref_slice %arg2[%shift_right_arithmetic3A_704, %and3A_706, %dma_start3A_720] : memref<125000x8x64xf32, #tpu.memory_space<hbm>> -> memref<1x1x64xf32, #tpu.memory_space<hbm>>
      %dma_start3A_722 = tpu.memref_squeeze %dma_start3A_721 : memref<1x1x64xf32, #tpu.memory_space<hbm>> -> memref<64xf32, #tpu.memory_space<hbm>>
      tpu.enqueue_dma source(%dma_start3A_722 : memref<64xf32, #tpu.memory_space<hbm>>) target(%dma_start3A_719 : memref<64xf32, #tpu.memory_space<vmem>>) target_semaphore(%arg7 : memref<!tpu.dma_semaphore, #tpu.memory_space<semaphore_mem>>)
      %slice3A_723 = vector.extract_strided_slice %get3A_634 {offsets = [4], sizes = [1], strides = [1]} : vector<16xi32> to vector<1xi32>
      %squeeze3A_724 = vector.extract %slice3A_723[0] : i32 from vector<1xi32>
      %shift_right_arithmetic3A_725 = arith.constant 3 : i32
      %shift_right_arithmetic3A_726 = arith.shrsi %squeeze3A_724, %shift_right_arithmetic3A_725 : i32
      %and3A_727 = arith.constant 7 : i32
      %and3A_728 = arith.andi %squeeze3A_724, %and3A_727 : i32
      %add3A_729 = arith.constant 0 : i32
      %add3A_730 = arith.addi %mul3A_629, %add3A_729 : i32
      %add3A_731 = arith.constant 4 : i32
      %add3A_732 = arith.addi %add3A_730, %add3A_731 : i32
      %dma_start3A_733 = arith.constant 0 : i32
      %dma_start3A_734 = tpu.memref_slice %arg6[%add3A_732, %dma_start3A_733] : memref<512x64xf32, #tpu.memory_space<vmem>> -> memref<1x64xf32, #tpu.memory_space<vmem>>
      %dma_start3A_735 = tpu.memref_squeeze %dma_start3A_734 : memref<1x64xf32, #tpu.memory_space<vmem>> -> memref<64xf32, #tpu.memory_space<vmem>>
      %dma_start3A_736 = arith.constant 0 : i32
      %dma_start3A_737 = tpu.memref_slice %arg2[%shift_right_arithmetic3A_726, %and3A_728, %dma_start3A_736] : memref<125000x8x64xf32, #tpu.memory_space<hbm>> -> memref<1x1x64xf32, #tpu.memory_space<hbm>>
      %dma_start3A_738 = tpu.memref_squeeze %dma_start3A_737 : memref<1x1x64xf32, #tpu.memory_space<hbm>> -> memref<64xf32, #tpu.memory_space<hbm>>
      %dma_start3A_739 = arith.constant 0 : i32
      %dma_start3A_740 = tpu.memref_slice %arg6[%add3A_732, %dma_start3A_739] : memref<512x64xf32, #tpu.memory_space<vmem>> -> memref<1x64xf32, #tpu.memory_space<vmem>>
      %dma_start3A_741 = tpu.memref_squeeze %dma_start3A_740 : memref<1x64xf32, #tpu.memory_space<vmem>> -> memref<64xf32, #tpu.memory_space<vmem>>
      %dma_start3A_742 = arith.constant 0 : i32
      %dma_start3A_743 = tpu.memref_slice %arg2[%shift_right_arithmetic3A_726, %and3A_728, %dma_start3A_742] : memref<125000x8x64xf32, #tpu.memory_space<hbm>> -> memref<1x1x64xf32, #tpu.memory_space<hbm>>
      %dma_start3A_744 = tpu.memref_squeeze %dma_start3A_743 : memref<1x1x64xf32, #tpu.memory_space<hbm>> -> memref<64xf32, #tpu.memory_space<hbm>>
      tpu.enqueue_dma source(%dma_start3A_744 : memref<64xf32, #tpu.memory_space<hbm>>) target(%dma_start3A_741 : memref<64xf32, #tpu.memory_space<vmem>>) target_semaphore(%arg7 : memref<!tpu.dma_semaphore, #tpu.memory_space<semaphore_mem>>)
      %slice3A_745 = vector.extract_strided_slice %get3A_634 {offsets = [5], sizes = [1], strides = [1]} : vector<16xi32> to vector<1xi32>
      %squeeze3A_746 = vector.extract %slice3A_745[0] : i32 from vector<1xi32>
      %shift_right_arithmetic3A_747 = arith.constant 3 : i32
      %shift_right_arithmetic3A_748 = arith.shrsi %squeeze3A_746, %shift_right_arithmetic3A_747 : i32
      %and3A_749 = arith.constant 7 : i32
      %and3A_750 = arith.andi %squeeze3A_746, %and3A_749 : i32
      %add3A_751 = arith.constant 0 : i32
      %add3A_752 = arith.addi %mul3A_629, %add3A_751 : i32
      %add3A_753 = arith.constant 5 : i32
      %add3A_754 = arith.addi %add3A_752, %add3A_753 : i32
      %dma_start3A_755 = arith.constant 0 : i32
      %dma_start3A_756 = tpu.memref_slice %arg6[%add3A_754, %dma_start3A_755] : memref<512x64xf32, #tpu.memory_space<vmem>> -> memref<1x64xf32, #tpu.memory_space<vmem>>
      %dma_start3A_757 = tpu.memref_squeeze %dma_start3A_756 : memref<1x64xf32, #tpu.memory_space<vmem>> -> memref<64xf32, #tpu.memory_space<vmem>>
      %dma_start3A_758 = arith.constant 0 : i32
      %dma_start3A_759 = tpu.memref_slice %arg2[%shift_right_arithmetic3A_748, %and3A_750, %dma_start3A_758] : memref<125000x8x64xf32, #tpu.memory_space<hbm>> -> memref<1x1x64xf32, #tpu.memory_space<hbm>>
      %dma_start3A_760 = tpu.memref_squeeze %dma_start3A_759 : memref<1x1x64xf32, #tpu.memory_space<hbm>> -> memref<64xf32, #tpu.memory_space<hbm>>
      %dma_start3A_761 = arith.constant 0 : i32
      %dma_start3A_762 = tpu.memref_slice %arg6[%add3A_754, %dma_start3A_761] : memref<512x64xf32, #tpu.memory_space<vmem>> -> memref<1x64xf32, #tpu.memory_space<vmem>>
      %dma_start3A_763 = tpu.memref_squeeze %dma_start3A_762 : memref<1x64xf32, #tpu.memory_space<vmem>> -> memref<64xf32, #tpu.memory_space<vmem>>
      %dma_start3A_764 = arith.constant 0 : i32
      %dma_start3A_765 = tpu.memref_slice %arg2[%shift_right_arithmetic3A_748, %and3A_750, %dma_start3A_764] : memref<125000x8x64xf32, #tpu.memory_space<hbm>> -> memref<1x1x64xf32, #tpu.memory_space<hbm>>
      %dma_start3A_766 = tpu.memref_squeeze %dma_start3A_765 : memref<1x1x64xf32, #tpu.memory_space<hbm>> -> memref<64xf32, #tpu.memory_space<hbm>>
      tpu.enqueue_dma source(%dma_start3A_766 : memref<64xf32, #tpu.memory_space<hbm>>) target(%dma_start3A_763 : memref<64xf32, #tpu.memory_space<vmem>>) target_semaphore(%arg7 : memref<!tpu.dma_semaphore, #tpu.memory_space<semaphore_mem>>)
      %slice3A_767 = vector.extract_strided_slice %get3A_634 {offsets = [6], sizes = [1], strides = [1]} : vector<16xi32> to vector<1xi32>
      %squeeze3A_768 = vector.extract %slice3A_767[0] : i32 from vector<1xi32>
      %shift_right_arithmetic3A_769 = arith.constant 3 : i32
      %shift_right_arithmetic3A_770 = arith.shrsi %squeeze3A_768, %shift_right_arithmetic3A_769 : i32
      %and3A_771 = arith.constant 7 : i32
      %and3A_772 = arith.andi %squeeze3A_768, %and3A_771 : i32
      %add3A_773 = arith.constant 0 : i32
      %add3A_774 = arith.addi %mul3A_629, %add3A_773 : i32
      %add3A_775 = arith.constant 6 : i32
      %add3A_776 = arith.addi %add3A_774, %add3A_775 : i32
      %dma_start3A_777 = arith.constant 0 : i32
      %dma_start3A_778 = tpu.memref_slice %arg6[%add3A_776, %dma_start3A_777] : memref<512x64xf32, #tpu.memory_space<vmem>> -> memref<1x64xf32, #tpu.memory_space<vmem>>
      %dma_start3A_779 = tpu.memref_squeeze %dma_start3A_778 : memref<1x64xf32, #tpu.memory_space<vmem>> -> memref<64xf32, #tpu.memory_space<vmem>>
      %dma_start3A_780 = arith.constant 0 : i32
      %dma_start3A_781 = tpu.memref_slice %arg2[%shift_right_arithmetic3A_770, %and3A_772, %dma_start3A_780] : memref<125000x8x64xf32, #tpu.memory_space<hbm>> -> memref<1x1x64xf32, #tpu.memory_space<hbm>>
      %dma_start3A_782 = tpu.memref_squeeze %dma_start3A_781 : memref<1x1x64xf32, #tpu.memory_space<hbm>> -> memref<64xf32, #tpu.memory_space<hbm>>
      %dma_start3A_783 = arith.constant 0 : i32
      %dma_start3A_784 = tpu.memref_slice %arg6[%add3A_776, %dma_start3A_783] : memref<512x64xf32, #tpu.memory_space<vmem>> -> memref<1x64xf32, #tpu.memory_space<vmem>>
      %dma_start3A_785 = tpu.memref_squeeze %dma_start3A_784 : memref<1x64xf32, #tpu.memory_space<vmem>> -> memref<64xf32, #tpu.memory_space<vmem>>
      %dma_start3A_786 = arith.constant 0 : i32
      %dma_start3A_787 = tpu.memref_slice %arg2[%shift_right_arithmetic3A_770, %and3A_772, %dma_start3A_786] : memref<125000x8x64xf32, #tpu.memory_space<hbm>> -> memref<1x1x64xf32, #tpu.memory_space<hbm>>
      %dma_start3A_788 = tpu.memref_squeeze %dma_start3A_787 : memref<1x1x64xf32, #tpu.memory_space<hbm>> -> memref<64xf32, #tpu.memory_space<hbm>>
      tpu.enqueue_dma source(%dma_start3A_788 : memref<64xf32, #tpu.memory_space<hbm>>) target(%dma_start3A_785 : memref<64xf32, #tpu.memory_space<vmem>>) target_semaphore(%arg7 : memref<!tpu.dma_semaphore, #tpu.memory_space<semaphore_mem>>)
      %slice3A_789 = vector.extract_strided_slice %get3A_634 {offsets = [7], sizes = [1], strides = [1]} : vector<16xi32> to vector<1xi32>
      %squeeze3A_790 = vector.extract %slice3A_789[0] : i32 from vector<1xi32>
      %shift_right_arithmetic3A_791 = arith.constant 3 : i32
      %shift_right_arithmetic3A_792 = arith.shrsi %squeeze3A_790, %shift_right_arithmetic3A_791 : i32
      %and3A_793 = arith.constant 7 : i32
      %and3A_794 = arith.andi %squeeze3A_790, %and3A_793 : i32
      %add3A_795 = arith.constant 0 : i32
      %add3A_796 = arith.addi %mul3A_629, %add3A_795 : i32
      %add3A_797 = arith.constant 7 : i32
      %add3A_798 = arith.addi %add3A_796, %add3A_797 : i32
      %dma_start3A_799 = arith.constant 0 : i32
      %dma_start3A_800 = tpu.memref_slice %arg6[%add3A_798, %dma_start3A_799] : memref<512x64xf32, #tpu.memory_space<vmem>> -> memref<1x64xf32, #tpu.memory_space<vmem>>
      %dma_start3A_801 = tpu.memref_squeeze %dma_start3A_800 : memref<1x64xf32, #tpu.memory_space<vmem>> -> memref<64xf32, #tpu.memory_space<vmem>>
      %dma_start3A_802 = arith.constant 0 : i32
      %dma_start3A_803 = tpu.memref_slice %arg2[%shift_right_arithmetic3A_792, %and3A_794, %dma_start3A_802] : memref<125000x8x64xf32, #tpu.memory_space<hbm>> -> memref<1x1x64xf32, #tpu.memory_space<hbm>>
      %dma_start3A_804 = tpu.memref_squeeze %dma_start3A_803 : memref<1x1x64xf32, #tpu.memory_space<hbm>> -> memref<64xf32, #tpu.memory_space<hbm>>
      %dma_start3A_805 = arith.constant 0 : i32
      %dma_start3A_806 = tpu.memref_slice %arg6[%add3A_798, %dma_start3A_805] : memref<512x64xf32, #tpu.memory_space<vmem>> -> memref<1x64xf32, #tpu.memory_space<vmem>>
      %dma_start3A_807 = tpu.memref_squeeze %dma_start3A_806 : memref<1x64xf32, #tpu.memory_space<vmem>> -> memref<64xf32, #tpu.memory_space<vmem>>
      %dma_start3A_808 = arith.constant 0 : i32
      %dma_start3A_809 = tpu.memref_slice %arg2[%shift_right_arithmetic3A_792, %and3A_794, %dma_start3A_808] : memref<125000x8x64xf32, #tpu.memory_space<hbm>> -> memref<1x1x64xf32, #tpu.memory_space<hbm>>
      %dma_start3A_810 = tpu.memref_squeeze %dma_start3A_809 : memref<1x1x64xf32, #tpu.memory_space<hbm>> -> memref<64xf32, #tpu.memory_space<hbm>>
      tpu.enqueue_dma source(%dma_start3A_810 : memref<64xf32, #tpu.memory_space<hbm>>) target(%dma_start3A_807 : memref<64xf32, #tpu.memory_space<vmem>>) target_semaphore(%arg7 : memref<!tpu.dma_semaphore, #tpu.memory_space<semaphore_mem>>)
      %slice3A_811 = vector.extract_strided_slice %get3A_634 {offsets = [8], sizes = [1], strides = [1]} : vector<16xi32> to vector<1xi32>
      %squeeze3A_812 = vector.extract %slice3A_811[0] : i32 from vector<1xi32>
      %shift_right_arithmetic3A_813 = arith.constant 3 : i32
      %shift_right_arithmetic3A_814 = arith.shrsi %squeeze3A_812, %shift_right_arithmetic3A_813 : i32
      %and3A_815 = arith.constant 7 : i32
      %and3A_816 = arith.andi %squeeze3A_812, %and3A_815 : i32
      %add3A_817 = arith.constant 0 : i32
      %add3A_818 = arith.addi %mul3A_629, %add3A_817 : i32
      %add3A_819 = arith.constant 8 : i32
      %add3A_820 = arith.addi %add3A_818, %add3A_819 : i32
      %dma_start3A_821 = arith.constant 0 : i32
      %dma_start3A_822 = tpu.memref_slice %arg6[%add3A_820, %dma_start3A_821] : memref<512x64xf32, #tpu.memory_space<vmem>> -> memref<1x64xf32, #tpu.memory_space<vmem>>
      %dma_start3A_823 = tpu.memref_squeeze %dma_start3A_822 : memref<1x64xf32, #tpu.memory_space<vmem>> -> memref<64xf32, #tpu.memory_space<vmem>>
      %dma_start3A_824 = arith.constant 0 : i32
      %dma_start3A_825 = tpu.memref_slice %arg2[%shift_right_arithmetic3A_814, %and3A_816, %dma_start3A_824] : memref<125000x8x64xf32, #tpu.memory_space<hbm>> -> memref<1x1x64xf32, #tpu.memory_space<hbm>>
      %dma_start3A_826 = tpu.memref_squeeze %dma_start3A_825 : memref<1x1x64xf32, #tpu.memory_space<hbm>> -> memref<64xf32, #tpu.memory_space<hbm>>
      %dma_start3A_827 = arith.constant 0 : i32
      %dma_start3A_828 = tpu.memref_slice %arg6[%add3A_820, %dma_start3A_827] : memref<512x64xf32, #tpu.memory_space<vmem>> -> memref<1x64xf32, #tpu.memory_space<vmem>>
      %dma_start3A_829 = tpu.memref_squeeze %dma_start3A_828 : memref<1x64xf32, #tpu.memory_space<vmem>> -> memref<64xf32, #tpu.memory_space<vmem>>
      %dma_start3A_830 = arith.constant 0 : i32
      %dma_start3A_831 = tpu.memref_slice %arg2[%shift_right_arithmetic3A_814, %and3A_816, %dma_start3A_830] : memref<125000x8x64xf32, #tpu.memory_space<hbm>> -> memref<1x1x64xf32, #tpu.memory_space<hbm>>
      %dma_start3A_832 = tpu.memref_squeeze %dma_start3A_831 : memref<1x1x64xf32, #tpu.memory_space<hbm>> -> memref<64xf32, #tpu.memory_space<hbm>>
      tpu.enqueue_dma source(%dma_start3A_832 : memref<64xf32, #tpu.memory_space<hbm>>) target(%dma_start3A_829 : memref<64xf32, #tpu.memory_space<vmem>>) target_semaphore(%arg7 : memref<!tpu.dma_semaphore, #tpu.memory_space<semaphore_mem>>)
      %slice3A_833 = vector.extract_strided_slice %get3A_634 {offsets = [9], sizes = [1], strides = [1]} : vector<16xi32> to vector<1xi32>
      %squeeze3A_834 = vector.extract %slice3A_833[0] : i32 from vector<1xi32>
      %shift_right_arithmetic3A_835 = arith.constant 3 : i32
      %shift_right_arithmetic3A_836 = arith.shrsi %squeeze3A_834, %shift_right_arithmetic3A_835 : i32
      %and3A_837 = arith.constant 7 : i32
      %and3A_838 = arith.andi %squeeze3A_834, %and3A_837 : i32
      %add3A_839 = arith.constant 0 : i32
      %add3A_840 = arith.addi %mul3A_629, %add3A_839 : i32
      %add3A_841 = arith.constant 9 : i32
      %add3A_842 = arith.addi %add3A_840, %add3A_841 : i32
      %dma_start3A_843 = arith.constant 0 : i32
      %dma_start3A_844 = tpu.memref_slice %arg6[%add3A_842, %dma_start3A_843] : memref<512x64xf32, #tpu.memory_space<vmem>> -> memref<1x64xf32, #tpu.memory_space<vmem>>
      %dma_start3A_845 = tpu.memref_squeeze %dma_start3A_844 : memref<1x64xf32, #tpu.memory_space<vmem>> -> memref<64xf32, #tpu.memory_space<vmem>>
      %dma_start3A_846 = arith.constant 0 : i32
      %dma_start3A_847 = tpu.memref_slice %arg2[%shift_right_arithmetic3A_836, %and3A_838, %dma_start3A_846] : memref<125000x8x64xf32, #tpu.memory_space<hbm>> -> memref<1x1x64xf32, #tpu.memory_space<hbm>>
      %dma_start3A_848 = tpu.memref_squeeze %dma_start3A_847 : memref<1x1x64xf32, #tpu.memory_space<hbm>> -> memref<64xf32, #tpu.memory_space<hbm>>
      %dma_start3A_849 = arith.constant 0 : i32
      %dma_start3A_850 = tpu.memref_slice %arg6[%add3A_842, %dma_start3A_849] : memref<512x64xf32, #tpu.memory_space<vmem>> -> memref<1x64xf32, #tpu.memory_space<vmem>>
      %dma_start3A_851 = tpu.memref_squeeze %dma_start3A_850 : memref<1x64xf32, #tpu.memory_space<vmem>> -> memref<64xf32, #tpu.memory_space<vmem>>
      %dma_start3A_852 = arith.constant 0 : i32
      %dma_start3A_853 = tpu.memref_slice %arg2[%shift_right_arithmetic3A_836, %and3A_838, %dma_start3A_852] : memref<125000x8x64xf32, #tpu.memory_space<hbm>> -> memref<1x1x64xf32, #tpu.memory_space<hbm>>
      %dma_start3A_854 = tpu.memref_squeeze %dma_start3A_853 : memref<1x1x64xf32, #tpu.memory_space<hbm>> -> memref<64xf32, #tpu.memory_space<hbm>>
      tpu.enqueue_dma source(%dma_start3A_854 : memref<64xf32, #tpu.memory_space<hbm>>) target(%dma_start3A_851 : memref<64xf32, #tpu.memory_space<vmem>>) target_semaphore(%arg7 : memref<!tpu.dma_semaphore, #tpu.memory_space<semaphore_mem>>)
      %slice3A_855 = vector.extract_strided_slice %get3A_634 {offsets = [10], sizes = [1], strides = [1]} : vector<16xi32> to vector<1xi32>
      %squeeze3A_856 = vector.extract %slice3A_855[0] : i32 from vector<1xi32>
      %shift_right_arithmetic3A_857 = arith.constant 3 : i32
      %shift_right_arithmetic3A_858 = arith.shrsi %squeeze3A_856, %shift_right_arithmetic3A_857 : i32
      %and3A_859 = arith.constant 7 : i32
      %and3A_860 = arith.andi %squeeze3A_856, %and3A_859 : i32
      %add3A_861 = arith.constant 0 : i32
      %add3A_862 = arith.addi %mul3A_629, %add3A_861 : i32
      %add3A_863 = arith.constant 10 : i32
      %add3A_864 = arith.addi %add3A_862, %add3A_863 : i32
      %dma_start3A_865 = arith.constant 0 : i32
      %dma_start3A_866 = tpu.memref_slice %arg6[%add3A_864, %dma_start3A_865] : memref<512x64xf32, #tpu.memory_space<vmem>> -> memref<1x64xf32, #tpu.memory_space<vmem>>
      %dma_start3A_867 = tpu.memref_squeeze %dma_start3A_866 : memref<1x64xf32, #tpu.memory_space<vmem>> -> memref<64xf32, #tpu.memory_space<vmem>>
      %dma_start3A_868 = arith.constant 0 : i32
      %dma_start3A_869 = tpu.memref_slice %arg2[%shift_right_arithmetic3A_858, %and3A_860, %dma_start3A_868] : memref<125000x8x64xf32, #tpu.memory_space<hbm>> -> memref<1x1x64xf32, #tpu.memory_space<hbm>>
      %dma_start3A_870 = tpu.memref_squeeze %dma_start3A_869 : memref<1x1x64xf32, #tpu.memory_space<hbm>> -> memref<64xf32, #tpu.memory_space<hbm>>
      %dma_start3A_871 = arith.constant 0 : i32
      %dma_start3A_872 = tpu.memref_slice %arg6[%add3A_864, %dma_start3A_871] : memref<512x64xf32, #tpu.memory_space<vmem>> -> memref<1x64xf32, #tpu.memory_space<vmem>>
      %dma_start3A_873 = tpu.memref_squeeze %dma_start3A_872 : memref<1x64xf32, #tpu.memory_space<vmem>> -> memref<64xf32, #tpu.memory_space<vmem>>
      %dma_start3A_874 = arith.constant 0 : i32
      %dma_start3A_875 = tpu.memref_slice %arg2[%shift_right_arithmetic3A_858, %and3A_860, %dma_start3A_874] : memref<125000x8x64xf32, #tpu.memory_space<hbm>> -> memref<1x1x64xf32, #tpu.memory_space<hbm>>
      %dma_start3A_876 = tpu.memref_squeeze %dma_start3A_875 : memref<1x1x64xf32, #tpu.memory_space<hbm>> -> memref<64xf32, #tpu.memory_space<hbm>>
      tpu.enqueue_dma source(%dma_start3A_876 : memref<64xf32, #tpu.memory_space<hbm>>) target(%dma_start3A_873 : memref<64xf32, #tpu.memory_space<vmem>>) target_semaphore(%arg7 : memref<!tpu.dma_semaphore, #tpu.memory_space<semaphore_mem>>)
      %slice3A_877 = vector.extract_strided_slice %get3A_634 {offsets = [11], sizes = [1], strides = [1]} : vector<16xi32> to vector<1xi32>
      %squeeze3A_878 = vector.extract %slice3A_877[0] : i32 from vector<1xi32>
      %shift_right_arithmetic3A_879 = arith.constant 3 : i32
      %shift_right_arithmetic3A_880 = arith.shrsi %squeeze3A_878, %shift_right_arithmetic3A_879 : i32
      %and3A_881 = arith.constant 7 : i32
      %and3A_882 = arith.andi %squeeze3A_878, %and3A_881 : i32
      %add3A_883 = arith.constant 0 : i32
      %add3A_884 = arith.addi %mul3A_629, %add3A_883 : i32
      %add3A_885 = arith.constant 11 : i32
      %add3A_886 = arith.addi %add3A_884, %add3A_885 : i32
      %dma_start3A_887 = arith.constant 0 : i32
      %dma_start3A_888 = tpu.memref_slice %arg6[%add3A_886, %dma_start3A_887] : memref<512x64xf32, #tpu.memory_space<vmem>> -> memref<1x64xf32, #tpu.memory_space<vmem>>
      %dma_start3A_889 = tpu.memref_squeeze %dma_start3A_888 : memref<1x64xf32, #tpu.memory_space<vmem>> -> memref<64xf32, #tpu.memory_space<vmem>>
      %dma_start3A_890 = arith.constant 0 : i32
      %dma_start3A_891 = tpu.memref_slice %arg2[%shift_right_arithmetic3A_880, %and3A_882, %dma_start3A_890] : memref<125000x8x64xf32, #tpu.memory_space<hbm>> -> memref<1x1x64xf32, #tpu.memory_space<hbm>>
      %dma_start3A_892 = tpu.memref_squeeze %dma_start3A_891 : memref<1x1x64xf32, #tpu.memory_space<hbm>> -> memref<64xf32, #tpu.memory_space<hbm>>
      %dma_start3A_893 = arith.constant 0 : i32
      %dma_start3A_894 = tpu.memref_slice %arg6[%add3A_886, %dma_start3A_893] : memref<512x64xf32, #tpu.memory_space<vmem>> -> memref<1x64xf32, #tpu.memory_space<vmem>>
      %dma_start3A_895 = tpu.memref_squeeze %dma_start3A_894 : memref<1x64xf32, #tpu.memory_space<vmem>> -> memref<64xf32, #tpu.memory_space<vmem>>
      %dma_start3A_896 = arith.constant 0 : i32
      %dma_start3A_897 = tpu.memref_slice %arg2[%shift_right_arithmetic3A_880, %and3A_882, %dma_start3A_896] : memref<125000x8x64xf32, #tpu.memory_space<hbm>> -> memref<1x1x64xf32, #tpu.memory_space<hbm>>
      %dma_start3A_898 = tpu.memref_squeeze %dma_start3A_897 : memref<1x1x64xf32, #tpu.memory_space<hbm>> -> memref<64xf32, #tpu.memory_space<hbm>>
      tpu.enqueue_dma source(%dma_start3A_898 : memref<64xf32, #tpu.memory_space<hbm>>) target(%dma_start3A_895 : memref<64xf32, #tpu.memory_space<vmem>>) target_semaphore(%arg7 : memref<!tpu.dma_semaphore, #tpu.memory_space<semaphore_mem>>)
      %slice3A_899 = vector.extract_strided_slice %get3A_634 {offsets = [12], sizes = [1], strides = [1]} : vector<16xi32> to vector<1xi32>
      %squeeze3A_900 = vector.extract %slice3A_899[0] : i32 from vector<1xi32>
      %shift_right_arithmetic3A_901 = arith.constant 3 : i32
      %shift_right_arithmetic3A_902 = arith.shrsi %squeeze3A_900, %shift_right_arithmetic3A_901 : i32
      %and3A_903 = arith.constant 7 : i32
      %and3A_904 = arith.andi %squeeze3A_900, %and3A_903 : i32
      %add3A_905 = arith.constant 0 : i32
      %add3A_906 = arith.addi %mul3A_629, %add3A_905 : i32
      %add3A_907 = arith.constant 12 : i32
      %add3A_908 = arith.addi %add3A_906, %add3A_907 : i32
      %dma_start3A_909 = arith.constant 0 : i32
      %dma_start3A_910 = tpu.memref_slice %arg6[%add3A_908, %dma_start3A_909] : memref<512x64xf32, #tpu.memory_space<vmem>> -> memref<1x64xf32, #tpu.memory_space<vmem>>
      %dma_start3A_911 = tpu.memref_squeeze %dma_start3A_910 : memref<1x64xf32, #tpu.memory_space<vmem>> -> memref<64xf32, #tpu.memory_space<vmem>>
      %dma_start3A_912 = arith.constant 0 : i32
      %dma_start3A_913 = tpu.memref_slice %arg2[%shift_right_arithmetic3A_902, %and3A_904, %dma_start3A_912] : memref<125000x8x64xf32, #tpu.memory_space<hbm>> -> memref<1x1x64xf32, #tpu.memory_space<hbm>>
      %dma_start3A_914 = tpu.memref_squeeze %dma_start3A_913 : memref<1x1x64xf32, #tpu.memory_space<hbm>> -> memref<64xf32, #tpu.memory_space<hbm>>
      %dma_start3A_915 = arith.constant 0 : i32
      %dma_start3A_916 = tpu.memref_slice %arg6[%add3A_908, %dma_start3A_915] : memref<512x64xf32, #tpu.memory_space<vmem>> -> memref<1x64xf32, #tpu.memory_space<vmem>>
      %dma_start3A_917 = tpu.memref_squeeze %dma_start3A_916 : memref<1x64xf32, #tpu.memory_space<vmem>> -> memref<64xf32, #tpu.memory_space<vmem>>
      %dma_start3A_918 = arith.constant 0 : i32
      %dma_start3A_919 = tpu.memref_slice %arg2[%shift_right_arithmetic3A_902, %and3A_904, %dma_start3A_918] : memref<125000x8x64xf32, #tpu.memory_space<hbm>> -> memref<1x1x64xf32, #tpu.memory_space<hbm>>
      %dma_start3A_920 = tpu.memref_squeeze %dma_start3A_919 : memref<1x1x64xf32, #tpu.memory_space<hbm>> -> memref<64xf32, #tpu.memory_space<hbm>>
      tpu.enqueue_dma source(%dma_start3A_920 : memref<64xf32, #tpu.memory_space<hbm>>) target(%dma_start3A_917 : memref<64xf32, #tpu.memory_space<vmem>>) target_semaphore(%arg7 : memref<!tpu.dma_semaphore, #tpu.memory_space<semaphore_mem>>)
      %slice3A_921 = vector.extract_strided_slice %get3A_634 {offsets = [13], sizes = [1], strides = [1]} : vector<16xi32> to vector<1xi32>
      %squeeze3A_922 = vector.extract %slice3A_921[0] : i32 from vector<1xi32>
      %shift_right_arithmetic3A_923 = arith.constant 3 : i32
      %shift_right_arithmetic3A_924 = arith.shrsi %squeeze3A_922, %shift_right_arithmetic3A_923 : i32
      %and3A_925 = arith.constant 7 : i32
      %and3A_926 = arith.andi %squeeze3A_922, %and3A_925 : i32
      %add3A_927 = arith.constant 0 : i32
      %add3A_928 = arith.addi %mul3A_629, %add3A_927 : i32
      %add3A_929 = arith.constant 13 : i32
      %add3A_930 = arith.addi %add3A_928, %add3A_929 : i32
      %dma_start3A_931 = arith.constant 0 : i32
      %dma_start3A_932 = tpu.memref_slice %arg6[%add3A_930, %dma_start3A_931] : memref<512x64xf32, #tpu.memory_space<vmem>> -> memref<1x64xf32, #tpu.memory_space<vmem>>
      %dma_start3A_933 = tpu.memref_squeeze %dma_start3A_932 : memref<1x64xf32, #tpu.memory_space<vmem>> -> memref<64xf32, #tpu.memory_space<vmem>>
      %dma_start3A_934 = arith.constant 0 : i32
      %dma_start3A_935 = tpu.memref_slice %arg2[%shift_right_arithmetic3A_924, %and3A_926, %dma_start3A_934] : memref<125000x8x64xf32, #tpu.memory_space<hbm>> -> memref<1x1x64xf32, #tpu.memory_space<hbm>>
      %dma_start3A_936 = tpu.memref_squeeze %dma_start3A_935 : memref<1x1x64xf32, #tpu.memory_space<hbm>> -> memref<64xf32, #tpu.memory_space<hbm>>
      %dma_start3A_937 = arith.constant 0 : i32
      %dma_start3A_938 = tpu.memref_slice %arg6[%add3A_930, %dma_start3A_937] : memref<512x64xf32, #tpu.memory_space<vmem>> -> memref<1x64xf32, #tpu.memory_space<vmem>>
      %dma_start3A_939 = tpu.memref_squeeze %dma_start3A_938 : memref<1x64xf32, #tpu.memory_space<vmem>> -> memref<64xf32, #tpu.memory_space<vmem>>
      %dma_start3A_940 = arith.constant 0 : i32
      %dma_start3A_941 = tpu.memref_slice %arg2[%shift_right_arithmetic3A_924, %and3A_926, %dma_start3A_940] : memref<125000x8x64xf32, #tpu.memory_space<hbm>> -> memref<1x1x64xf32, #tpu.memory_space<hbm>>
      %dma_start3A_942 = tpu.memref_squeeze %dma_start3A_941 : memref<1x1x64xf32, #tpu.memory_space<hbm>> -> memref<64xf32, #tpu.memory_space<hbm>>
      tpu.enqueue_dma source(%dma_start3A_942 : memref<64xf32, #tpu.memory_space<hbm>>) target(%dma_start3A_939 : memref<64xf32, #tpu.memory_space<vmem>>) target_semaphore(%arg7 : memref<!tpu.dma_semaphore, #tpu.memory_space<semaphore_mem>>)
      %slice3A_943 = vector.extract_strided_slice %get3A_634 {offsets = [14], sizes = [1], strides = [1]} : vector<16xi32> to vector<1xi32>
      %squeeze3A_944 = vector.extract %slice3A_943[0] : i32 from vector<1xi32>
      %shift_right_arithmetic3A_945 = arith.constant 3 : i32
      %shift_right_arithmetic3A_946 = arith.shrsi %squeeze3A_944, %shift_right_arithmetic3A_945 : i32
      %and3A_947 = arith.constant 7 : i32
      %and3A_948 = arith.andi %squeeze3A_944, %and3A_947 : i32
      %add3A_949 = arith.constant 0 : i32
      %add3A_950 = arith.addi %mul3A_629, %add3A_949 : i32
      %add3A_951 = arith.constant 14 : i32
      %add3A_952 = arith.addi %add3A_950, %add3A_951 : i32
      %dma_start3A_953 = arith.constant 0 : i32
      %dma_start3A_954 = tpu.memref_slice %arg6[%add3A_952, %dma_start3A_953] : memref<512x64xf32, #tpu.memory_space<vmem>> -> memref<1x64xf32, #tpu.memory_space<vmem>>
      %dma_start3A_955 = tpu.memref_squeeze %dma_start3A_954 : memref<1x64xf32, #tpu.memory_space<vmem>> -> memref<64xf32, #tpu.memory_space<vmem>>
      %dma_start3A_956 = arith.constant 0 : i32
      %dma_start3A_957 = tpu.memref_slice %arg2[%shift_right_arithmetic3A_946, %and3A_948, %dma_start3A_956] : memref<125000x8x64xf32, #tpu.memory_space<hbm>> -> memref<1x1x64xf32, #tpu.memory_space<hbm>>
      %dma_start3A_958 = tpu.memref_squeeze %dma_start3A_957 : memref<1x1x64xf32, #tpu.memory_space<hbm>> -> memref<64xf32, #tpu.memory_space<hbm>>
      %dma_start3A_959 = arith.constant 0 : i32
      %dma_start3A_960 = tpu.memref_slice %arg6[%add3A_952, %dma_start3A_959] : memref<512x64xf32, #tpu.memory_space<vmem>> -> memref<1x64xf32, #tpu.memory_space<vmem>>
      %dma_start3A_961 = tpu.memref_squeeze %dma_start3A_960 : memref<1x64xf32, #tpu.memory_space<vmem>> -> memref<64xf32, #tpu.memory_space<vmem>>
      %dma_start3A_962 = arith.constant 0 : i32
      %dma_start3A_963 = tpu.memref_slice %arg2[%shift_right_arithmetic3A_946, %and3A_948, %dma_start3A_962] : memref<125000x8x64xf32, #tpu.memory_space<hbm>> -> memref<1x1x64xf32, #tpu.memory_space<hbm>>
      %dma_start3A_964 = tpu.memref_squeeze %dma_start3A_963 : memref<1x1x64xf32, #tpu.memory_space<hbm>> -> memref<64xf32, #tpu.memory_space<hbm>>
      tpu.enqueue_dma source(%dma_start3A_964 : memref<64xf32, #tpu.memory_space<hbm>>) target(%dma_start3A_961 : memref<64xf32, #tpu.memory_space<vmem>>) target_semaphore(%arg7 : memref<!tpu.dma_semaphore, #tpu.memory_space<semaphore_mem>>)
      %slice3A_965 = vector.extract_strided_slice %get3A_634 {offsets = [15], sizes = [1], strides = [1]} : vector<16xi32> to vector<1xi32>
      %squeeze3A_966 = vector.extract %slice3A_965[0] : i32 from vector<1xi32>
      %shift_right_arithmetic3A_967 = arith.constant 3 : i32
      %shift_right_arithmetic3A_968 = arith.shrsi %squeeze3A_966, %shift_right_arithmetic3A_967 : i32
      %and3A_969 = arith.constant 7 : i32
      %and3A_970 = arith.andi %squeeze3A_966, %and3A_969 : i32
      %add3A_971 = arith.constant 0 : i32
      %add3A_972 = arith.addi %mul3A_629, %add3A_971 : i32
      %add3A_973 = arith.constant 15 : i32
      %add3A_974 = arith.addi %add3A_972, %add3A_973 : i32
      %dma_start3A_975 = arith.constant 0 : i32
      %dma_start3A_976 = tpu.memref_slice %arg6[%add3A_974, %dma_start3A_975] : memref<512x64xf32, #tpu.memory_space<vmem>> -> memref<1x64xf32, #tpu.memory_space<vmem>>
      %dma_start3A_977 = tpu.memref_squeeze %dma_start3A_976 : memref<1x64xf32, #tpu.memory_space<vmem>> -> memref<64xf32, #tpu.memory_space<vmem>>
      %dma_start3A_978 = arith.constant 0 : i32
      %dma_start3A_979 = tpu.memref_slice %arg2[%shift_right_arithmetic3A_968, %and3A_970, %dma_start3A_978] : memref<125000x8x64xf32, #tpu.memory_space<hbm>> -> memref<1x1x64xf32, #tpu.memory_space<hbm>>
      %dma_start3A_980 = tpu.memref_squeeze %dma_start3A_979 : memref<1x1x64xf32, #tpu.memory_space<hbm>> -> memref<64xf32, #tpu.memory_space<hbm>>
      %dma_start3A_981 = arith.constant 0 : i32
      %dma_start3A_982 = tpu.memref_slice %arg6[%add3A_974, %dma_start3A_981] : memref<512x64xf32, #tpu.memory_space<vmem>> -> memref<1x64xf32, #tpu.memory_space<vmem>>
      %dma_start3A_983 = tpu.memref_squeeze %dma_start3A_982 : memref<1x64xf32, #tpu.memory_space<vmem>> -> memref<64xf32, #tpu.memory_space<vmem>>
      %dma_start3A_984 = arith.constant 0 : i32
      %dma_start3A_985 = tpu.memref_slice %arg2[%shift_right_arithmetic3A_968, %and3A_970, %dma_start3A_984] : memref<125000x8x64xf32, #tpu.memory_space<hbm>> -> memref<1x1x64xf32, #tpu.memory_space<hbm>>
      %dma_start3A_986 = tpu.memref_squeeze %dma_start3A_985 : memref<1x1x64xf32, #tpu.memory_space<hbm>> -> memref<64xf32, #tpu.memory_space<hbm>>
      tpu.enqueue_dma source(%dma_start3A_986 : memref<64xf32, #tpu.memory_space<hbm>>) target(%dma_start3A_983 : memref<64xf32, #tpu.memory_space<vmem>>) target_semaphore(%arg7 : memref<!tpu.dma_semaphore, #tpu.memory_space<semaphore_mem>>)
      %add3A_987 = arith.constant 16 : i32
      %add3A_988 = arith.addi %mul3A_629, %add3A_987 : i32
      %get3A_989 = arith.index_cast %add3A_988 : i32 to index
      %get3A_990 = tpu.vector_load %arg5[%get3A_989] {strides = array<i32>} : memref<512xi32, #tpu.memory_space<vmem>>, vector<16xi32>,
      %get3A_991 = vector.shape_cast %get3A_990 : vector<16xi32> to vector<16xi32>
      %slice3A_992 = vector.extract_strided_slice %get3A_991 {offsets = [0], sizes = [1], strides = [1]} : vector<16xi32> to vector<1xi32>
      %squeeze3A_993 = vector.extract %slice3A_992[0] : i32 from vector<1xi32>
      %shift_right_arithmetic3A_994 = arith.constant 3 : i32
      %shift_right_arithmetic3A_995 = arith.shrsi %squeeze3A_993, %shift_right_arithmetic3A_994 : i32
      %and3A_996 = arith.constant 7 : i32
      %and3A_997 = arith.andi %squeeze3A_993, %and3A_996 : i32
      %add3A_998 = arith.constant 16 : i32
      %add3A_999 = arith.addi %mul3A_629, %add3A_998 : i32
      %add3A_1000 = arith.constant 0 : i32
      %add3A_1001 = arith.addi %add3A_999, %add3A_1000 : i32
      %dma_start3A_1002 = arith.constant 0 : i32
      %dma_start3A_1003 = tpu.memref_slice %arg6[%add3A_1001, %dma_start3A_1002] : memref<512x64xf32, #tpu.memory_space<vmem>> -> memref<1x64xf32, #tpu.memory_space<vmem>>
      %dma_start3A_1004 = tpu.memref_squeeze %dma_start3A_1003 : memref<1x64xf32, #tpu.memory_space<vmem>> -> memref<64xf32, #tpu.memory_space<vmem>>
      %dma_start3A_1005 = arith.constant 0 : i32
      %dma_start3A_1006 = tpu.memref_slice %arg2[%shift_right_arithmetic3A_995, %and3A_997, %dma_start3A_1005] : memref<125000x8x64xf32, #tpu.memory_space<hbm>> -> memref<1x1x64xf32, #tpu.memory_space<hbm>>
      %dma_start3A_1007 = tpu.memref_squeeze %dma_start3A_1006 : memref<1x1x64xf32, #tpu.memory_space<hbm>> -> memref<64xf32, #tpu.memory_space<hbm>>
      %dma_start3A_1008 = arith.constant 0 : i32
      %dma_start3A_1009 = tpu.memref_slice %arg6[%add3A_1001, %dma_start3A_1008] : memref<512x64xf32, #tpu.memory_space<vmem>> -> memref<1x64xf32, #tpu.memory_space<vmem>>
      %dma_start3A_1010 = tpu.memref_squeeze %dma_start3A_1009 : memref<1x64xf32, #tpu.memory_space<vmem>> -> memref<64xf32, #tpu.memory_space<vmem>>
      %dma_start3A_1011 = arith.constant 0 : i32
      %dma_start3A_1012 = tpu.memref_slice %arg2[%shift_right_arithmetic3A_995, %and3A_997, %dma_start3A_1011] : memref<125000x8x64xf32, #tpu.memory_space<hbm>> -> memref<1x1x64xf32, #tpu.memory_space<hbm>>
      %dma_start3A_1013 = tpu.memref_squeeze %dma_start3A_1012 : memref<1x1x64xf32, #tpu.memory_space<hbm>> -> memref<64xf32, #tpu.memory_space<hbm>>
      tpu.enqueue_dma source(%dma_start3A_1013 : memref<64xf32, #tpu.memory_space<hbm>>) target(%dma_start3A_1010 : memref<64xf32, #tpu.memory_space<vmem>>) target_semaphore(%arg7 : memref<!tpu.dma_semaphore, #tpu.memory_space<semaphore_mem>>)
      %slice3A_1014 = vector.extract_strided_slice %get3A_991 {offsets = [1], sizes = [1], strides = [1]} : vector<16xi32> to vector<1xi32>
      %squeeze3A_1015 = vector.extract %slice3A_1014[0] : i32 from vector<1xi32>
      %shift_right_arithmetic3A_1016 = arith.constant 3 : i32
      %shift_right_arithmetic3A_1017 = arith.shrsi %squeeze3A_1015, %shift_right_arithmetic3A_1016 : i32
      %and3A_1018 = arith.constant 7 : i32
      %and3A_1019 = arith.andi %squeeze3A_1015, %and3A_1018 : i32
      %add3A_1020 = arith.constant 16 : i32
      %add3A_1021 = arith.addi %mul3A_629, %add3A_1020 : i32
      %add3A_1022 = arith.constant 1 : i32
      %add3A_1023 = arith.addi %add3A_1021, %add3A_1022 : i32
      %dma_start3A_1024 = arith.constant 0 : i32
      %dma_start3A_1025 = tpu.memref_slice %arg6[%add3A_1023, %dma_start3A_1024] : memref<512x64xf32, #tpu.memory_space<vmem>> -> memref<1x64xf32, #tpu.memory_space<vmem>>
      %dma_start3A_1026 = tpu.memref_squeeze %dma_start3A_1025 : memref<1x64xf32, #tpu.memory_space<vmem>> -> memref<64xf32, #tpu.memory_space<vmem>>
      %dma_start3A_1027 = arith.constant 0 : i32
      %dma_start3A_1028 = tpu.memref_slice %arg2[%shift_right_arithmetic3A_1017, %and3A_1019, %dma_start3A_1027] : memref<125000x8x64xf32, #tpu.memory_space<hbm>> -> memref<1x1x64xf32, #tpu.memory_space<hbm>>
      %dma_start3A_1029 = tpu.memref_squeeze %dma_start3A_1028 : memref<1x1x64xf32, #tpu.memory_space<hbm>> -> memref<64xf32, #tpu.memory_space<hbm>>
      %dma_start3A_1030 = arith.constant 0 : i32
      %dma_start3A_1031 = tpu.memref_slice %arg6[%add3A_1023, %dma_start3A_1030] : memref<512x64xf32, #tpu.memory_space<vmem>> -> memref<1x64xf32, #tpu.memory_space<vmem>>
      %dma_start3A_1032 = tpu.memref_squeeze %dma_start3A_1031 : memref<1x64xf32, #tpu.memory_space<vmem>> -> memref<64xf32, #tpu.memory_space<vmem>>
      %dma_start3A_1033 = arith.constant 0 : i32
      %dma_start3A_1034 = tpu.memref_slice %arg2[%shift_right_arithmetic3A_1017, %and3A_1019, %dma_start3A_1033] : memref<125000x8x64xf32, #tpu.memory_space<hbm>> -> memref<1x1x64xf32, #tpu.memory_space<hbm>>
      %dma_start3A_1035 = tpu.memref_squeeze %dma_start3A_1034 : memref<1x1x64xf32, #tpu.memory_space<hbm>> -> memref<64xf32, #tpu.memory_space<hbm>>
      tpu.enqueue_dma source(%dma_start3A_1035 : memref<64xf32, #tpu.memory_space<hbm>>) target(%dma_start3A_1032 : memref<64xf32, #tpu.memory_space<vmem>>) target_semaphore(%arg7 : memref<!tpu.dma_semaphore, #tpu.memory_space<semaphore_mem>>)
      %slice3A_1036 = vector.extract_strided_slice %get3A_991 {offsets = [2], sizes = [1], strides = [1]} : vector<16xi32> to vector<1xi32>
      %squeeze3A_1037 = vector.extract %slice3A_1036[0] : i32 from vector<1xi32>
      %shift_right_arithmetic3A_1038 = arith.constant 3 : i32
      %shift_right_arithmetic3A_1039 = arith.shrsi %squeeze3A_1037, %shift_right_arithmetic3A_1038 : i32
      %and3A_1040 = arith.constant 7 : i32
      %and3A_1041 = arith.andi %squeeze3A_1037, %and3A_1040 : i32
      %add3A_1042 = arith.constant 16 : i32
      %add3A_1043 = arith.addi %mul3A_629, %add3A_1042 : i32
      %add3A_1044 = arith.constant 2 : i32
      %add3A_1045 = arith.addi %add3A_1043, %add3A_1044 : i32
      %dma_start3A_1046 = arith.constant 0 : i32
      %dma_start3A_1047 = tpu.memref_slice %arg6[%add3A_1045, %dma_start3A_1046] : memref<512x64xf32, #tpu.memory_space<vmem>> -> memref<1x64xf32, #tpu.memory_space<vmem>>
      %dma_start3A_1048 = tpu.memref_squeeze %dma_start3A_1047 : memref<1x64xf32, #tpu.memory_space<vmem>> -> memref<64xf32, #tpu.memory_space<vmem>>
      %dma_start3A_1049 = arith.constant 0 : i32
      %dma_start3A_1050 = tpu.memref_slice %arg2[%shift_right_arithmetic3A_1039, %and3A_1041, %dma_start3A_1049] : memref<125000x8x64xf32, #tpu.memory_space<hbm>> -> memref<1x1x64xf32, #tpu.memory_space<hbm>>
      %dma_start3A_1051 = tpu.memref_squeeze %dma_start3A_1050 : memref<1x1x64xf32, #tpu.memory_space<hbm>> -> memref<64xf32, #tpu.memory_space<hbm>>
      %dma_start3A_1052 = arith.constant 0 : i32
      %dma_start3A_1053 = tpu.memref_slice %arg6[%add3A_1045, %dma_start3A_1052] : memref<512x64xf32, #tpu.memory_space<vmem>> -> memref<1x64xf32, #tpu.memory_space<vmem>>
      %dma_start3A_1054 = tpu.memref_squeeze %dma_start3A_1053 : memref<1x64xf32, #tpu.memory_space<vmem>> -> memref<64xf32, #tpu.memory_space<vmem>>
      %dma_start3A_1055 = arith.constant 0 : i32
      %dma_start3A_1056 = tpu.memref_slice %arg2[%shift_right_arithmetic3A_1039, %and3A_1041, %dma_start3A_1055] : memref<125000x8x64xf32, #tpu.memory_space<hbm>> -> memref<1x1x64xf32, #tpu.memory_space<hbm>>
      %dma_start3A_1057 = tpu.memref_squeeze %dma_start3A_1056 : memref<1x1x64xf32, #tpu.memory_space<hbm>> -> memref<64xf32, #tpu.memory_space<hbm>>
      tpu.enqueue_dma source(%dma_start3A_1057 : memref<64xf32, #tpu.memory_space<hbm>>) target(%dma_start3A_1054 : memref<64xf32, #tpu.memory_space<vmem>>) target_semaphore(%arg7 : memref<!tpu.dma_semaphore, #tpu.memory_space<semaphore_mem>>)
      %slice3A_1058 = vector.extract_strided_slice %get3A_991 {offsets = [3], sizes = [1], strides = [1]} : vector<16xi32> to vector<1xi32>
      %squeeze3A_1059 = vector.extract %slice3A_1058[0] : i32 from vector<1xi32>
      %shift_right_arithmetic3A_1060 = arith.constant 3 : i32
      %shift_right_arithmetic3A_1061 = arith.shrsi %squeeze3A_1059, %shift_right_arithmetic3A_1060 : i32
      %and3A_1062 = arith.constant 7 : i32
      %and3A_1063 = arith.andi %squeeze3A_1059, %and3A_1062 : i32
      %add3A_1064 = arith.constant 16 : i32
      %add3A_1065 = arith.addi %mul3A_629, %add3A_1064 : i32
      %add3A_1066 = arith.constant 3 : i32
      %add3A_1067 = arith.addi %add3A_1065, %add3A_1066 : i32
      %dma_start3A_1068 = arith.constant 0 : i32
      %dma_start3A_1069 = tpu.memref_slice %arg6[%add3A_1067, %dma_start3A_1068] : memref<512x64xf32, #tpu.memory_space<vmem>> -> memref<1x64xf32, #tpu.memory_space<vmem>>
      %dma_start3A_1070 = tpu.memref_squeeze %dma_start3A_1069 : memref<1x64xf32, #tpu.memory_space<vmem>> -> memref<64xf32, #tpu.memory_space<vmem>>
      %dma_start3A_1071 = arith.constant 0 : i32
      %dma_start3A_1072 = tpu.memref_slice %arg2[%shift_right_arithmetic3A_1061, %and3A_1063, %dma_start3A_1071] : memref<125000x8x64xf32, #tpu.memory_space<hbm>> -> memref<1x1x64xf32, #tpu.memory_space<hbm>>
      %dma_start3A_1073 = tpu.memref_squeeze %dma_start3A_1072 : memref<1x1x64xf32, #tpu.memory_space<hbm>> -> memref<64xf32, #tpu.memory_space<hbm>>
      %dma_start3A_1074 = arith.constant 0 : i32
      %dma_start3A_1075 = tpu.memref_slice %arg6[%add3A_1067, %dma_start3A_1074] : memref<512x64xf32, #tpu.memory_space<vmem>> -> memref<1x64xf32, #tpu.memory_space<vmem>>
      %dma_start3A_1076 = tpu.memref_squeeze %dma_start3A_1075 : memref<1x64xf32, #tpu.memory_space<vmem>> -> memref<64xf32, #tpu.memory_space<vmem>>
      %dma_start3A_1077 = arith.constant 0 : i32
      %dma_start3A_1078 = tpu.memref_slice %arg2[%shift_right_arithmetic3A_1061, %and3A_1063, %dma_start3A_1077] : memref<125000x8x64xf32, #tpu.memory_space<hbm>> -> memref<1x1x64xf32, #tpu.memory_space<hbm>>
      %dma_start3A_1079 = tpu.memref_squeeze %dma_start3A_1078 : memref<1x1x64xf32, #tpu.memory_space<hbm>> -> memref<64xf32, #tpu.memory_space<hbm>>
      tpu.enqueue_dma source(%dma_start3A_1079 : memref<64xf32, #tpu.memory_space<hbm>>) target(%dma_start3A_1076 : memref<64xf32, #tpu.memory_space<vmem>>) target_semaphore(%arg7 : memref<!tpu.dma_semaphore, #tpu.memory_space<semaphore_mem>>)
      %slice3A_1080 = vector.extract_strided_slice %get3A_991 {offsets = [4], sizes = [1], strides = [1]} : vector<16xi32> to vector<1xi32>
      %squeeze3A_1081 = vector.extract %slice3A_1080[0] : i32 from vector<1xi32>
      %shift_right_arithmetic3A_1082 = arith.constant 3 : i32
      %shift_right_arithmetic3A_1083 = arith.shrsi %squeeze3A_1081, %shift_right_arithmetic3A_1082 : i32
      %and3A_1084 = arith.constant 7 : i32
      %and3A_1085 = arith.andi %squeeze3A_1081, %and3A_1084 : i32
      %add3A_1086 = arith.constant 16 : i32
      %add3A_1087 = arith.addi %mul3A_629, %add3A_1086 : i32
      %add3A_1088 = arith.constant 4 : i32
      %add3A_1089 = arith.addi %add3A_1087, %add3A_1088 : i32
      %dma_start3A_1090 = arith.constant 0 : i32
      %dma_start3A_1091 = tpu.memref_slice %arg6[%add3A_1089, %dma_start3A_1090] : memref<512x64xf32, #tpu.memory_space<vmem>> -> memref<1x64xf32, #tpu.memory_space<vmem>>
      %dma_start3A_1092 = tpu.memref_squeeze %dma_start3A_1091 : memref<1x64xf32, #tpu.memory_space<vmem>> -> memref<64xf32, #tpu.memory_space<vmem>>
      %dma_start3A_1093 = arith.constant 0 : i32
      %dma_start3A_1094 = tpu.memref_slice %arg2[%shift_right_arithmetic3A_1083, %and3A_1085, %dma_start3A_1093] : memref<125000x8x64xf32, #tpu.memory_space<hbm>> -> memref<1x1x64xf32, #tpu.memory_space<hbm>>
      %dma_start3A_1095 = tpu.memref_squeeze %dma_start3A_1094 : memref<1x1x64xf32, #tpu.memory_space<hbm>> -> memref<64xf32, #tpu.memory_space<hbm>>
      %dma_start3A_1096 = arith.constant 0 : i32
      %dma_start3A_1097 = tpu.memref_slice %arg6[%add3A_1089, %dma_start3A_1096] : memref<512x64xf32, #tpu.memory_space<vmem>> -> memref<1x64xf32, #tpu.memory_space<vmem>>
      %dma_start3A_1098 = tpu.memref_squeeze %dma_start3A_1097 : memref<1x64xf32, #tpu.memory_space<vmem>> -> memref<64xf32, #tpu.memory_space<vmem>>
      %dma_start3A_1099 = arith.constant 0 : i32
      %dma_start3A_1100 = tpu.memref_slice %arg2[%shift_right_arithmetic3A_1083, %and3A_1085, %dma_start3A_1099] : memref<125000x8x64xf32, #tpu.memory_space<hbm>> -> memref<1x1x64xf32, #tpu.memory_space<hbm>>
      %dma_start3A_1101 = tpu.memref_squeeze %dma_start3A_1100 : memref<1x1x64xf32, #tpu.memory_space<hbm>> -> memref<64xf32, #tpu.memory_space<hbm>>
      tpu.enqueue_dma source(%dma_start3A_1101 : memref<64xf32, #tpu.memory_space<hbm>>) target(%dma_start3A_1098 : memref<64xf32, #tpu.memory_space<vmem>>) target_semaphore(%arg7 : memref<!tpu.dma_semaphore, #tpu.memory_space<semaphore_mem>>)
      %slice3A_1102 = vector.extract_strided_slice %get3A_991 {offsets = [5], sizes = [1], strides = [1]} : vector<16xi32> to vector<1xi32>
      %squeeze3A_1103 = vector.extract %slice3A_1102[0] : i32 from vector<1xi32>
      %shift_right_arithmetic3A_1104 = arith.constant 3 : i32
      %shift_right_arithmetic3A_1105 = arith.shrsi %squeeze3A_1103, %shift_right_arithmetic3A_1104 : i32
      %and3A_1106 = arith.constant 7 : i32
      %and3A_1107 = arith.andi %squeeze3A_1103, %and3A_1106 : i32
      %add3A_1108 = arith.constant 16 : i32
      %add3A_1109 = arith.addi %mul3A_629, %add3A_1108 : i32
      %add3A_1110 = arith.constant 5 : i32
      %add3A_1111 = arith.addi %add3A_1109, %add3A_1110 : i32
      %dma_start3A_1112 = arith.constant 0 : i32
      %dma_start3A_1113 = tpu.memref_slice %arg6[%add3A_1111, %dma_start3A_1112] : memref<512x64xf32, #tpu.memory_space<vmem>> -> memref<1x64xf32, #tpu.memory_space<vmem>>
      %dma_start3A_1114 = tpu.memref_squeeze %dma_start3A_1113 : memref<1x64xf32, #tpu.memory_space<vmem>> -> memref<64xf32, #tpu.memory_space<vmem>>
      %dma_start3A_1115 = arith.constant 0 : i32
      %dma_start3A_1116 = tpu.memref_slice %arg2[%shift_right_arithmetic3A_1105, %and3A_1107, %dma_start3A_1115] : memref<125000x8x64xf32, #tpu.memory_space<hbm>> -> memref<1x1x64xf32, #tpu.memory_space<hbm>>
      %dma_start3A_1117 = tpu.memref_squeeze %dma_start3A_1116 : memref<1x1x64xf32, #tpu.memory_space<hbm>> -> memref<64xf32, #tpu.memory_space<hbm>>
      %dma_start3A_1118 = arith.constant 0 : i32
      %dma_start3A_1119 = tpu.memref_slice %arg6[%add3A_1111, %dma_start3A_1118] : memref<512x64xf32, #tpu.memory_space<vmem>> -> memref<1x64xf32, #tpu.memory_space<vmem>>
      %dma_start3A_1120 = tpu.memref_squeeze %dma_start3A_1119 : memref<1x64xf32, #tpu.memory_space<vmem>> -> memref<64xf32, #tpu.memory_space<vmem>>
      %dma_start3A_1121 = arith.constant 0 : i32
      %dma_start3A_1122 = tpu.memref_slice %arg2[%shift_right_arithmetic3A_1105, %and3A_1107, %dma_start3A_1121] : memref<125000x8x64xf32, #tpu.memory_space<hbm>> -> memref<1x1x64xf32, #tpu.memory_space<hbm>>
      %dma_start3A_1123 = tpu.memref_squeeze %dma_start3A_1122 : memref<1x1x64xf32, #tpu.memory_space<hbm>> -> memref<64xf32, #tpu.memory_space<hbm>>
      tpu.enqueue_dma source(%dma_start3A_1123 : memref<64xf32, #tpu.memory_space<hbm>>) target(%dma_start3A_1120 : memref<64xf32, #tpu.memory_space<vmem>>) target_semaphore(%arg7 : memref<!tpu.dma_semaphore, #tpu.memory_space<semaphore_mem>>)
      %slice3A_1124 = vector.extract_strided_slice %get3A_991 {offsets = [6], sizes = [1], strides = [1]} : vector<16xi32> to vector<1xi32>
      %squeeze3A_1125 = vector.extract %slice3A_1124[0] : i32 from vector<1xi32>
      %shift_right_arithmetic3A_1126 = arith.constant 3 : i32
      %shift_right_arithmetic3A_1127 = arith.shrsi %squeeze3A_1125, %shift_right_arithmetic3A_1126 : i32
      %and3A_1128 = arith.constant 7 : i32
      %and3A_1129 = arith.andi %squeeze3A_1125, %and3A_1128 : i32
      %add3A_1130 = arith.constant 16 : i32
      %add3A_1131 = arith.addi %mul3A_629, %add3A_1130 : i32
      %add3A_1132 = arith.constant 6 : i32
      %add3A_1133 = arith.addi %add3A_1131, %add3A_1132 : i32
      %dma_start3A_1134 = arith.constant 0 : i32
      %dma_start3A_1135 = tpu.memref_slice %arg6[%add3A_1133, %dma_start3A_1134] : memref<512x64xf32, #tpu.memory_space<vmem>> -> memref<1x64xf32, #tpu.memory_space<vmem>>
      %dma_start3A_1136 = tpu.memref_squeeze %dma_start3A_1135 : memref<1x64xf32, #tpu.memory_space<vmem>> -> memref<64xf32, #tpu.memory_space<vmem>>
      %dma_start3A_1137 = arith.constant 0 : i32
      %dma_start3A_1138 = tpu.memref_slice %arg2[%shift_right_arithmetic3A_1127, %and3A_1129, %dma_start3A_1137] : memref<125000x8x64xf32, #tpu.memory_space<hbm>> -> memref<1x1x64xf32, #tpu.memory_space<hbm>>
      %dma_start3A_1139 = tpu.memref_squeeze %dma_start3A_1138 : memref<1x1x64xf32, #tpu.memory_space<hbm>> -> memref<64xf32, #tpu.memory_space<hbm>>
      %dma_start3A_1140 = arith.constant 0 : i32
      %dma_start3A_1141 = tpu.memref_slice %arg6[%add3A_1133, %dma_start3A_1140] : memref<512x64xf32, #tpu.memory_space<vmem>> -> memref<1x64xf32, #tpu.memory_space<vmem>>
      %dma_start3A_1142 = tpu.memref_squeeze %dma_start3A_1141 : memref<1x64xf32, #tpu.memory_space<vmem>> -> memref<64xf32, #tpu.memory_space<vmem>>
      %dma_start3A_1143 = arith.constant 0 : i32
      %dma_start3A_1144 = tpu.memref_slice %arg2[%shift_right_arithmetic3A_1127, %and3A_1129, %dma_start3A_1143] : memref<125000x8x64xf32, #tpu.memory_space<hbm>> -> memref<1x1x64xf32, #tpu.memory_space<hbm>>
      %dma_start3A_1145 = tpu.memref_squeeze %dma_start3A_1144 : memref<1x1x64xf32, #tpu.memory_space<hbm>> -> memref<64xf32, #tpu.memory_space<hbm>>
      tpu.enqueue_dma source(%dma_start3A_1145 : memref<64xf32, #tpu.memory_space<hbm>>) target(%dma_start3A_1142 : memref<64xf32, #tpu.memory_space<vmem>>) target_semaphore(%arg7 : memref<!tpu.dma_semaphore, #tpu.memory_space<semaphore_mem>>)
      %slice3A_1146 = vector.extract_strided_slice %get3A_991 {offsets = [7], sizes = [1], strides = [1]} : vector<16xi32> to vector<1xi32>
      %squeeze3A_1147 = vector.extract %slice3A_1146[0] : i32 from vector<1xi32>
      %shift_right_arithmetic3A_1148 = arith.constant 3 : i32
      %shift_right_arithmetic3A_1149 = arith.shrsi %squeeze3A_1147, %shift_right_arithmetic3A_1148 : i32
      %and3A_1150 = arith.constant 7 : i32
      %and3A_1151 = arith.andi %squeeze3A_1147, %and3A_1150 : i32
      %add3A_1152 = arith.constant 16 : i32
      %add3A_1153 = arith.addi %mul3A_629, %add3A_1152 : i32
      %add3A_1154 = arith.constant 7 : i32
      %add3A_1155 = arith.addi %add3A_1153, %add3A_1154 : i32
      %dma_start3A_1156 = arith.constant 0 : i32
      %dma_start3A_1157 = tpu.memref_slice %arg6[%add3A_1155, %dma_start3A_1156] : memref<512x64xf32, #tpu.memory_space<vmem>> -> memref<1x64xf32, #tpu.memory_space<vmem>>
      %dma_start3A_1158 = tpu.memref_squeeze %dma_start3A_1157 : memref<1x64xf32, #tpu.memory_space<vmem>> -> memref<64xf32, #tpu.memory_space<vmem>>
      %dma_start3A_1159 = arith.constant 0 : i32
      %dma_start3A_1160 = tpu.memref_slice %arg2[%shift_right_arithmetic3A_1149, %and3A_1151, %dma_start3A_1159] : memref<125000x8x64xf32, #tpu.memory_space<hbm>> -> memref<1x1x64xf32, #tpu.memory_space<hbm>>
      %dma_start3A_1161 = tpu.memref_squeeze %dma_start3A_1160 : memref<1x1x64xf32, #tpu.memory_space<hbm>> -> memref<64xf32, #tpu.memory_space<hbm>>
      %dma_start3A_1162 = arith.constant 0 : i32
      %dma_start3A_1163 = tpu.memref_slice %arg6[%add3A_1155, %dma_start3A_1162] : memref<512x64xf32, #tpu.memory_space<vmem>> -> memref<1x64xf32, #tpu.memory_space<vmem>>
      %dma_start3A_1164 = tpu.memref_squeeze %dma_start3A_1163 : memref<1x64xf32, #tpu.memory_space<vmem>> -> memref<64xf32, #tpu.memory_space<vmem>>
      %dma_start3A_1165 = arith.constant 0 : i32
      %dma_start3A_1166 = tpu.memref_slice %arg2[%shift_right_arithmetic3A_1149, %and3A_1151, %dma_start3A_1165] : memref<125000x8x64xf32, #tpu.memory_space<hbm>> -> memref<1x1x64xf32, #tpu.memory_space<hbm>>
      %dma_start3A_1167 = tpu.memref_squeeze %dma_start3A_1166 : memref<1x1x64xf32, #tpu.memory_space<hbm>> -> memref<64xf32, #tpu.memory_space<hbm>>
      tpu.enqueue_dma source(%dma_start3A_1167 : memref<64xf32, #tpu.memory_space<hbm>>) target(%dma_start3A_1164 : memref<64xf32, #tpu.memory_space<vmem>>) target_semaphore(%arg7 : memref<!tpu.dma_semaphore, #tpu.memory_space<semaphore_mem>>)
      %slice3A_1168 = vector.extract_strided_slice %get3A_991 {offsets = [8], sizes = [1], strides = [1]} : vector<16xi32> to vector<1xi32>
      %squeeze3A_1169 = vector.extract %slice3A_1168[0] : i32 from vector<1xi32>
      %shift_right_arithmetic3A_1170 = arith.constant 3 : i32
      %shift_right_arithmetic3A_1171 = arith.shrsi %squeeze3A_1169, %shift_right_arithmetic3A_1170 : i32
      %and3A_1172 = arith.constant 7 : i32
      %and3A_1173 = arith.andi %squeeze3A_1169, %and3A_1172 : i32
      %add3A_1174 = arith.constant 16 : i32
      %add3A_1175 = arith.addi %mul3A_629, %add3A_1174 : i32
      %add3A_1176 = arith.constant 8 : i32
      %add3A_1177 = arith.addi %add3A_1175, %add3A_1176 : i32
      %dma_start3A_1178 = arith.constant 0 : i32
      %dma_start3A_1179 = tpu.memref_slice %arg6[%add3A_1177, %dma_start3A_1178] : memref<512x64xf32, #tpu.memory_space<vmem>> -> memref<1x64xf32, #tpu.memory_space<vmem>>
      %dma_start3A_1180 = tpu.memref_squeeze %dma_start3A_1179 : memref<1x64xf32, #tpu.memory_space<vmem>> -> memref<64xf32, #tpu.memory_space<vmem>>
      %dma_start3A_1181 = arith.constant 0 : i32
      %dma_start3A_1182 = tpu.memref_slice %arg2[%shift_right_arithmetic3A_1171, %and3A_1173, %dma_start3A_1181] : memref<125000x8x64xf32, #tpu.memory_space<hbm>> -> memref<1x1x64xf32, #tpu.memory_space<hbm>>
      %dma_start3A_1183 = tpu.memref_squeeze %dma_start3A_1182 : memref<1x1x64xf32, #tpu.memory_space<hbm>> -> memref<64xf32, #tpu.memory_space<hbm>>
      %dma_start3A_1184 = arith.constant 0 : i32
      %dma_start3A_1185 = tpu.memref_slice %arg6[%add3A_1177, %dma_start3A_1184] : memref<512x64xf32, #tpu.memory_space<vmem>> -> memref<1x64xf32, #tpu.memory_space<vmem>>
      %dma_start3A_1186 = tpu.memref_squeeze %dma_start3A_1185 : memref<1x64xf32, #tpu.memory_space<vmem>> -> memref<64xf32, #tpu.memory_space<vmem>>
      %dma_start3A_1187 = arith.constant 0 : i32
      %dma_start3A_1188 = tpu.memref_slice %arg2[%shift_right_arithmetic3A_1171, %and3A_1173, %dma_start3A_1187] : memref<125000x8x64xf32, #tpu.memory_space<hbm>> -> memref<1x1x64xf32, #tpu.memory_space<hbm>>
      %dma_start3A_1189 = tpu.memref_squeeze %dma_start3A_1188 : memref<1x1x64xf32, #tpu.memory_space<hbm>> -> memref<64xf32, #tpu.memory_space<hbm>>
      tpu.enqueue_dma source(%dma_start3A_1189 : memref<64xf32, #tpu.memory_space<hbm>>) target(%dma_start3A_1186 : memref<64xf32, #tpu.memory_space<vmem>>) target_semaphore(%arg7 : memref<!tpu.dma_semaphore, #tpu.memory_space<semaphore_mem>>)
      %slice3A_1190 = vector.extract_strided_slice %get3A_991 {offsets = [9], sizes = [1], strides = [1]} : vector<16xi32> to vector<1xi32>
      %squeeze3A_1191 = vector.extract %slice3A_1190[0] : i32 from vector<1xi32>
      %shift_right_arithmetic3A_1192 = arith.constant 3 : i32
      %shift_right_arithmetic3A_1193 = arith.shrsi %squeeze3A_1191, %shift_right_arithmetic3A_1192 : i32
      %and3A_1194 = arith.constant 7 : i32
      %and3A_1195 = arith.andi %squeeze3A_1191, %and3A_1194 : i32
      %add3A_1196 = arith.constant 16 : i32
      %add3A_1197 = arith.addi %mul3A_629, %add3A_1196 : i32
      %add3A_1198 = arith.constant 9 : i32
      %add3A_1199 = arith.addi %add3A_1197, %add3A_1198 : i32
      %dma_start3A_1200 = arith.constant 0 : i32
      %dma_start3A_1201 = tpu.memref_slice %arg6[%add3A_1199, %dma_start3A_1200] : memref<512x64xf32, #tpu.memory_space<vmem>> -> memref<1x64xf32, #tpu.memory_space<vmem>>
      %dma_start3A_1202 = tpu.memref_squeeze %dma_start3A_1201 : memref<1x64xf32, #tpu.memory_space<vmem>> -> memref<64xf32, #tpu.memory_space<vmem>>
      %dma_start3A_1203 = arith.constant 0 : i32
      %dma_start3A_1204 = tpu.memref_slice %arg2[%shift_right_arithmetic3A_1193, %and3A_1195, %dma_start3A_1203] : memref<125000x8x64xf32, #tpu.memory_space<hbm>> -> memref<1x1x64xf32, #tpu.memory_space<hbm>>
      %dma_start3A_1205 = tpu.memref_squeeze %dma_start3A_1204 : memref<1x1x64xf32, #tpu.memory_space<hbm>> -> memref<64xf32, #tpu.memory_space<hbm>>
      %dma_start3A_1206 = arith.constant 0 : i32
      %dma_start3A_1207 = tpu.memref_slice %arg6[%add3A_1199, %dma_start3A_1206] : memref<512x64xf32, #tpu.memory_space<vmem>> -> memref<1x64xf32, #tpu.memory_space<vmem>>
      %dma_start3A_1208 = tpu.memref_squeeze %dma_start3A_1207 : memref<1x64xf32, #tpu.memory_space<vmem>> -> memref<64xf32, #tpu.memory_space<vmem>>
      %dma_start3A_1209 = arith.constant 0 : i32
      %dma_start3A_1210 = tpu.memref_slice %arg2[%shift_right_arithmetic3A_1193, %and3A_1195, %dma_start3A_1209] : memref<125000x8x64xf32, #tpu.memory_space<hbm>> -> memref<1x1x64xf32, #tpu.memory_space<hbm>>
      %dma_start3A_1211 = tpu.memref_squeeze %dma_start3A_1210 : memref<1x1x64xf32, #tpu.memory_space<hbm>> -> memref<64xf32, #tpu.memory_space<hbm>>
      tpu.enqueue_dma source(%dma_start3A_1211 : memref<64xf32, #tpu.memory_space<hbm>>) target(%dma_start3A_1208 : memref<64xf32, #tpu.memory_space<vmem>>) target_semaphore(%arg7 : memref<!tpu.dma_semaphore, #tpu.memory_space<semaphore_mem>>)
      %slice3A_1212 = vector.extract_strided_slice %get3A_991 {offsets = [10], sizes = [1], strides = [1]} : vector<16xi32> to vector<1xi32>
      %squeeze3A_1213 = vector.extract %slice3A_1212[0] : i32 from vector<1xi32>
      %shift_right_arithmetic3A_1214 = arith.constant 3 : i32
      %shift_right_arithmetic3A_1215 = arith.shrsi %squeeze3A_1213, %shift_right_arithmetic3A_1214 : i32
      %and3A_1216 = arith.constant 7 : i32
      %and3A_1217 = arith.andi %squeeze3A_1213, %and3A_1216 : i32
      %add3A_1218 = arith.constant 16 : i32
      %add3A_1219 = arith.addi %mul3A_629, %add3A_1218 : i32
      %add3A_1220 = arith.constant 10 : i32
      %add3A_1221 = arith.addi %add3A_1219, %add3A_1220 : i32
      %dma_start3A_1222 = arith.constant 0 : i32
      %dma_start3A_1223 = tpu.memref_slice %arg6[%add3A_1221, %dma_start3A_1222] : memref<512x64xf32, #tpu.memory_space<vmem>> -> memref<1x64xf32, #tpu.memory_space<vmem>>
      %dma_start3A_1224 = tpu.memref_squeeze %dma_start3A_1223 : memref<1x64xf32, #tpu.memory_space<vmem>> -> memref<64xf32, #tpu.memory_space<vmem>>
      %dma_start3A_1225 = arith.constant 0 : i32
      %dma_start3A_1226 = tpu.memref_slice %arg2[%shift_right_arithmetic3A_1215, %and3A_1217, %dma_start3A_1225] : memref<125000x8x64xf32, #tpu.memory_space<hbm>> -> memref<1x1x64xf32, #tpu.memory_space<hbm>>
      %dma_start3A_1227 = tpu.memref_squeeze %dma_start3A_1226 : memref<1x1x64xf32, #tpu.memory_space<hbm>> -> memref<64xf32, #tpu.memory_space<hbm>>
      %dma_start3A_1228 = arith.constant 0 : i32
      %dma_start3A_1229 = tpu.memref_slice %arg6[%add3A_1221, %dma_start3A_1228] : memref<512x64xf32, #tpu.memory_space<vmem>> -> memref<1x64xf32, #tpu.memory_space<vmem>>
      %dma_start3A_1230 = tpu.memref_squeeze %dma_start3A_1229 : memref<1x64xf32, #tpu.memory_space<vmem>> -> memref<64xf32, #tpu.memory_space<vmem>>
      %dma_start3A_1231 = arith.constant 0 : i32
      %dma_start3A_1232 = tpu.memref_slice %arg2[%shift_right_arithmetic3A_1215, %and3A_1217, %dma_start3A_1231] : memref<125000x8x64xf32, #tpu.memory_space<hbm>> -> memref<1x1x64xf32, #tpu.memory_space<hbm>>
      %dma_start3A_1233 = tpu.memref_squeeze %dma_start3A_1232 : memref<1x1x64xf32, #tpu.memory_space<hbm>> -> memref<64xf32, #tpu.memory_space<hbm>>
      tpu.enqueue_dma source(%dma_start3A_1233 : memref<64xf32, #tpu.memory_space<hbm>>) target(%dma_start3A_1230 : memref<64xf32, #tpu.memory_space<vmem>>) target_semaphore(%arg7 : memref<!tpu.dma_semaphore, #tpu.memory_space<semaphore_mem>>)
      %slice3A_1234 = vector.extract_strided_slice %get3A_991 {offsets = [11], sizes = [1], strides = [1]} : vector<16xi32> to vector<1xi32>
      %squeeze3A_1235 = vector.extract %slice3A_1234[0] : i32 from vector<1xi32>
      %shift_right_arithmetic3A_1236 = arith.constant 3 : i32
      %shift_right_arithmetic3A_1237 = arith.shrsi %squeeze3A_1235, %shift_right_arithmetic3A_1236 : i32
      %and3A_1238 = arith.constant 7 : i32
      %and3A_1239 = arith.andi %squeeze3A_1235, %and3A_1238 : i32
      %add3A_1240 = arith.constant 16 : i32
      %add3A_1241 = arith.addi %mul3A_629, %add3A_1240 : i32
      %add3A_1242 = arith.constant 11 : i32
      %add3A_1243 = arith.addi %add3A_1241, %add3A_1242 : i32
      %dma_start3A_1244 = arith.constant 0 : i32
      %dma_start3A_1245 = tpu.memref_slice %arg6[%add3A_1243, %dma_start3A_1244] : memref<512x64xf32, #tpu.memory_space<vmem>> -> memref<1x64xf32, #tpu.memory_space<vmem>>
      %dma_start3A_1246 = tpu.memref_squeeze %dma_start3A_1245 : memref<1x64xf32, #tpu.memory_space<vmem>> -> memref<64xf32, #tpu.memory_space<vmem>>
      %dma_start3A_1247 = arith.constant 0 : i32
      %dma_start3A_1248 = tpu.memref_slice %arg2[%shift_right_arithmetic3A_1237, %and3A_1239, %dma_start3A_1247] : memref<125000x8x64xf32, #tpu.memory_space<hbm>> -> memref<1x1x64xf32, #tpu.memory_space<hbm>>
      %dma_start3A_1249 = tpu.memref_squeeze %dma_start3A_1248 : memref<1x1x64xf32, #tpu.memory_space<hbm>> -> memref<64xf32, #tpu.memory_space<hbm>>
      %dma_start3A_1250 = arith.constant 0 : i32
      %dma_start3A_1251 = tpu.memref_slice %arg6[%add3A_1243, %dma_start3A_1250] : memref<512x64xf32, #tpu.memory_space<vmem>> -> memref<1x64xf32, #tpu.memory_space<vmem>>
      %dma_start3A_1252 = tpu.memref_squeeze %dma_start3A_1251 : memref<1x64xf32, #tpu.memory_space<vmem>> -> memref<64xf32, #tpu.memory_space<vmem>>
      %dma_start3A_1253 = arith.constant 0 : i32
      %dma_start3A_1254 = tpu.memref_slice %arg2[%shift_right_arithmetic3A_1237, %and3A_1239, %dma_start3A_1253] : memref<125000x8x64xf32, #tpu.memory_space<hbm>> -> memref<1x1x64xf32, #tpu.memory_space<hbm>>
      %dma_start3A_1255 = tpu.memref_squeeze %dma_start3A_1254 : memref<1x1x64xf32, #tpu.memory_space<hbm>> -> memref<64xf32, #tpu.memory_space<hbm>>
      tpu.enqueue_dma source(%dma_start3A_1255 : memref<64xf32, #tpu.memory_space<hbm>>) target(%dma_start3A_1252 : memref<64xf32, #tpu.memory_space<vmem>>) target_semaphore(%arg7 : memref<!tpu.dma_semaphore, #tpu.memory_space<semaphore_mem>>)
      %slice3A_1256 = vector.extract_strided_slice %get3A_991 {offsets = [12], sizes = [1], strides = [1]} : vector<16xi32> to vector<1xi32>
      %squeeze3A_1257 = vector.extract %slice3A_1256[0] : i32 from vector<1xi32>
      %shift_right_arithmetic3A_1258 = arith.constant 3 : i32
      %shift_right_arithmetic3A_1259 = arith.shrsi %squeeze3A_1257, %shift_right_arithmetic3A_1258 : i32
      %and3A_1260 = arith.constant 7 : i32
      %and3A_1261 = arith.andi %squeeze3A_1257, %and3A_1260 : i32
      %add3A_1262 = arith.constant 16 : i32
      %add3A_1263 = arith.addi %mul3A_629, %add3A_1262 : i32
      %add3A_1264 = arith.constant 12 : i32
      %add3A_1265 = arith.addi %add3A_1263, %add3A_1264 : i32
      %dma_start3A_1266 = arith.constant 0 : i32
      %dma_start3A_1267 = tpu.memref_slice %arg6[%add3A_1265, %dma_start3A_1266] : memref<512x64xf32, #tpu.memory_space<vmem>> -> memref<1x64xf32, #tpu.memory_space<vmem>>
      %dma_start3A_1268 = tpu.memref_squeeze %dma_start3A_1267 : memref<1x64xf32, #tpu.memory_space<vmem>> -> memref<64xf32, #tpu.memory_space<vmem>>
      %dma_start3A_1269 = arith.constant 0 : i32
      %dma_start3A_1270 = tpu.memref_slice %arg2[%shift_right_arithmetic3A_1259, %and3A_1261, %dma_start3A_1269] : memref<125000x8x64xf32, #tpu.memory_space<hbm>> -> memref<1x1x64xf32, #tpu.memory_space<hbm>>
      %dma_start3A_1271 = tpu.memref_squeeze %dma_start3A_1270 : memref<1x1x64xf32, #tpu.memory_space<hbm>> -> memref<64xf32, #tpu.memory_space<hbm>>
      %dma_start3A_1272 = arith.constant 0 : i32
      %dma_start3A_1273 = tpu.memref_slice %arg6[%add3A_1265, %dma_start3A_1272] : memref<512x64xf32, #tpu.memory_space<vmem>> -> memref<1x64xf32, #tpu.memory_space<vmem>>
      %dma_start3A_1274 = tpu.memref_squeeze %dma_start3A_1273 : memref<1x64xf32, #tpu.memory_space<vmem>> -> memref<64xf32, #tpu.memory_space<vmem>>
      %dma_start3A_1275 = arith.constant 0 : i32
      %dma_start3A_1276 = tpu.memref_slice %arg2[%shift_right_arithmetic3A_1259, %and3A_1261, %dma_start3A_1275] : memref<125000x8x64xf32, #tpu.memory_space<hbm>> -> memref<1x1x64xf32, #tpu.memory_space<hbm>>
      %dma_start3A_1277 = tpu.memref_squeeze %dma_start3A_1276 : memref<1x1x64xf32, #tpu.memory_space<hbm>> -> memref<64xf32, #tpu.memory_space<hbm>>
      tpu.enqueue_dma source(%dma_start3A_1277 : memref<64xf32, #tpu.memory_space<hbm>>) target(%dma_start3A_1274 : memref<64xf32, #tpu.memory_space<vmem>>) target_semaphore(%arg7 : memref<!tpu.dma_semaphore, #tpu.memory_space<semaphore_mem>>)
      %slice3A_1278 = vector.extract_strided_slice %get3A_991 {offsets = [13], sizes = [1], strides = [1]} : vector<16xi32> to vector<1xi32>
      %squeeze3A_1279 = vector.extract %slice3A_1278[0] : i32 from vector<1xi32>
      %shift_right_arithmetic3A_1280 = arith.constant 3 : i32
      %shift_right_arithmetic3A_1281 = arith.shrsi %squeeze3A_1279, %shift_right_arithmetic3A_1280 : i32
      %and3A_1282 = arith.constant 7 : i32
      %and3A_1283 = arith.andi %squeeze3A_1279, %and3A_1282 : i32
      %add3A_1284 = arith.constant 16 : i32
      %add3A_1285 = arith.addi %mul3A_629, %add3A_1284 : i32
      %add3A_1286 = arith.constant 13 : i32
      %add3A_1287 = arith.addi %add3A_1285, %add3A_1286 : i32
      %dma_start3A_1288 = arith.constant 0 : i32
      %dma_start3A_1289 = tpu.memref_slice %arg6[%add3A_1287, %dma_start3A_1288] : memref<512x64xf32, #tpu.memory_space<vmem>> -> memref<1x64xf32, #tpu.memory_space<vmem>>
      %dma_start3A_1290 = tpu.memref_squeeze %dma_start3A_1289 : memref<1x64xf32, #tpu.memory_space<vmem>> -> memref<64xf32, #tpu.memory_space<vmem>>
      %dma_start3A_1291 = arith.constant 0 : i32
      %dma_start3A_1292 = tpu.memref_slice %arg2[%shift_right_arithmetic3A_1281, %and3A_1283, %dma_start3A_1291] : memref<125000x8x64xf32, #tpu.memory_space<hbm>> -> memref<1x1x64xf32, #tpu.memory_space<hbm>>
      %dma_start3A_1293 = tpu.memref_squeeze %dma_start3A_1292 : memref<1x1x64xf32, #tpu.memory_space<hbm>> -> memref<64xf32, #tpu.memory_space<hbm>>
      %dma_start3A_1294 = arith.constant 0 : i32
      %dma_start3A_1295 = tpu.memref_slice %arg6[%add3A_1287, %dma_start3A_1294] : memref<512x64xf32, #tpu.memory_space<vmem>> -> memref<1x64xf32, #tpu.memory_space<vmem>>
      %dma_start3A_1296 = tpu.memref_squeeze %dma_start3A_1295 : memref<1x64xf32, #tpu.memory_space<vmem>> -> memref<64xf32, #tpu.memory_space<vmem>>
      %dma_start3A_1297 = arith.constant 0 : i32
      %dma_start3A_1298 = tpu.memref_slice %arg2[%shift_right_arithmetic3A_1281, %and3A_1283, %dma_start3A_1297] : memref<125000x8x64xf32, #tpu.memory_space<hbm>> -> memref<1x1x64xf32, #tpu.memory_space<hbm>>
      %dma_start3A_1299 = tpu.memref_squeeze %dma_start3A_1298 : memref<1x1x64xf32, #tpu.memory_space<hbm>> -> memref<64xf32, #tpu.memory_space<hbm>>
      tpu.enqueue_dma source(%dma_start3A_1299 : memref<64xf32, #tpu.memory_space<hbm>>) target(%dma_start3A_1296 : memref<64xf32, #tpu.memory_space<vmem>>) target_semaphore(%arg7 : memref<!tpu.dma_semaphore, #tpu.memory_space<semaphore_mem>>)
      %slice3A_1300 = vector.extract_strided_slice %get3A_991 {offsets = [14], sizes = [1], strides = [1]} : vector<16xi32> to vector<1xi32>
      %squeeze3A_1301 = vector.extract %slice3A_1300[0] : i32 from vector<1xi32>
      %shift_right_arithmetic3A_1302 = arith.constant 3 : i32
      %shift_right_arithmetic3A_1303 = arith.shrsi %squeeze3A_1301, %shift_right_arithmetic3A_1302 : i32
      %and3A_1304 = arith.constant 7 : i32
      %and3A_1305 = arith.andi %squeeze3A_1301, %and3A_1304 : i32
      %add3A_1306 = arith.constant 16 : i32
      %add3A_1307 = arith.addi %mul3A_629, %add3A_1306 : i32
      %add3A_1308 = arith.constant 14 : i32
      %add3A_1309 = arith.addi %add3A_1307, %add3A_1308 : i32
      %dma_start3A_1310 = arith.constant 0 : i32
      %dma_start3A_1311 = tpu.memref_slice %arg6[%add3A_1309, %dma_start3A_1310] : memref<512x64xf32, #tpu.memory_space<vmem>> -> memref<1x64xf32, #tpu.memory_space<vmem>>
      %dma_start3A_1312 = tpu.memref_squeeze %dma_start3A_1311 : memref<1x64xf32, #tpu.memory_space<vmem>> -> memref<64xf32, #tpu.memory_space<vmem>>
      %dma_start3A_1313 = arith.constant 0 : i32
      %dma_start3A_1314 = tpu.memref_slice %arg2[%shift_right_arithmetic3A_1303, %and3A_1305, %dma_start3A_1313] : memref<125000x8x64xf32, #tpu.memory_space<hbm>> -> memref<1x1x64xf32, #tpu.memory_space<hbm>>
      %dma_start3A_1315 = tpu.memref_squeeze %dma_start3A_1314 : memref<1x1x64xf32, #tpu.memory_space<hbm>> -> memref<64xf32, #tpu.memory_space<hbm>>
      %dma_start3A_1316 = arith.constant 0 : i32
      %dma_start3A_1317 = tpu.memref_slice %arg6[%add3A_1309, %dma_start3A_1316] : memref<512x64xf32, #tpu.memory_space<vmem>> -> memref<1x64xf32, #tpu.memory_space<vmem>>
      %dma_start3A_1318 = tpu.memref_squeeze %dma_start3A_1317 : memref<1x64xf32, #tpu.memory_space<vmem>> -> memref<64xf32, #tpu.memory_space<vmem>>
      %dma_start3A_1319 = arith.constant 0 : i32
      %dma_start3A_1320 = tpu.memref_slice %arg2[%shift_right_arithmetic3A_1303, %and3A_1305, %dma_start3A_1319] : memref<125000x8x64xf32, #tpu.memory_space<hbm>> -> memref<1x1x64xf32, #tpu.memory_space<hbm>>
      %dma_start3A_1321 = tpu.memref_squeeze %dma_start3A_1320 : memref<1x1x64xf32, #tpu.memory_space<hbm>> -> memref<64xf32, #tpu.memory_space<hbm>>
      tpu.enqueue_dma source(%dma_start3A_1321 : memref<64xf32, #tpu.memory_space<hbm>>) target(%dma_start3A_1318 : memref<64xf32, #tpu.memory_space<vmem>>) target_semaphore(%arg7 : memref<!tpu.dma_semaphore, #tpu.memory_space<semaphore_mem>>)
      %slice3A_1322 = vector.extract_strided_slice %get3A_991 {offsets = [15], sizes = [1], strides = [1]} : vector<16xi32> to vector<1xi32>
      %squeeze3A_1323 = vector.extract %slice3A_1322[0] : i32 from vector<1xi32>
      %shift_right_arithmetic3A_1324 = arith.constant 3 : i32
      %shift_right_arithmetic3A_1325 = arith.shrsi %squeeze3A_1323, %shift_right_arithmetic3A_1324 : i32
      %and3A_1326 = arith.constant 7 : i32
      %and3A_1327 = arith.andi %squeeze3A_1323, %and3A_1326 : i32
      %add3A_1328 = arith.constant 16 : i32
      %add3A_1329 = arith.addi %mul3A_629, %add3A_1328 : i32
      %add3A_1330 = arith.constant 15 : i32
      %add3A_1331 = arith.addi %add3A_1329, %add3A_1330 : i32
      %dma_start3A_1332 = arith.constant 0 : i32
      %dma_start3A_1333 = tpu.memref_slice %arg6[%add3A_1331, %dma_start3A_1332] : memref<512x64xf32, #tpu.memory_space<vmem>> -> memref<1x64xf32, #tpu.memory_space<vmem>>
      %dma_start3A_1334 = tpu.memref_squeeze %dma_start3A_1333 : memref<1x64xf32, #tpu.memory_space<vmem>> -> memref<64xf32, #tpu.memory_space<vmem>>
      %dma_start3A_1335 = arith.constant 0 : i32
      %dma_start3A_1336 = tpu.memref_slice %arg2[%shift_right_arithmetic3A_1325, %and3A_1327, %dma_start3A_1335] : memref<125000x8x64xf32, #tpu.memory_space<hbm>> -> memref<1x1x64xf32, #tpu.memory_space<hbm>>
      %dma_start3A_1337 = tpu.memref_squeeze %dma_start3A_1336 : memref<1x1x64xf32, #tpu.memory_space<hbm>> -> memref<64xf32, #tpu.memory_space<hbm>>
      %dma_start3A_1338 = arith.constant 0 : i32
      %dma_start3A_1339 = tpu.memref_slice %arg6[%add3A_1331, %dma_start3A_1338] : memref<512x64xf32, #tpu.memory_space<vmem>> -> memref<1x64xf32, #tpu.memory_space<vmem>>
      %dma_start3A_1340 = tpu.memref_squeeze %dma_start3A_1339 : memref<1x64xf32, #tpu.memory_space<vmem>> -> memref<64xf32, #tpu.memory_space<vmem>>
      %dma_start3A_1341 = arith.constant 0 : i32
      %dma_start3A_1342 = tpu.memref_slice %arg2[%shift_right_arithmetic3A_1325, %and3A_1327, %dma_start3A_1341] : memref<125000x8x64xf32, #tpu.memory_space<hbm>> -> memref<1x1x64xf32, #tpu.memory_space<hbm>>
      %dma_start3A_1343 = tpu.memref_squeeze %dma_start3A_1342 : memref<1x1x64xf32, #tpu.memory_space<hbm>> -> memref<64xf32, #tpu.memory_space<hbm>>
      tpu.enqueue_dma source(%dma_start3A_1343 : memref<64xf32, #tpu.memory_space<hbm>>) target(%dma_start3A_1340 : memref<64xf32, #tpu.memory_space<vmem>>) target_semaphore(%arg7 : memref<!tpu.dma_semaphore, #tpu.memory_space<semaphore_mem>>)
      %sub3A = arith.constant 32 : i32
      %sub3A_1344 = arith.subi %mul3A_629, %sub3A : i32
      %dma_wait3A_1345 = arith.constant 0 : i32
      %dma_wait3A_1346 = tpu.memref_slice %arg6[%sub3A_1344, %dma_wait3A_1345] : memref<512x64xf32, #tpu.memory_space<vmem>> -> memref<32x64xf32, #tpu.memory_space<vmem>>
      %dma_wait3A_1347 = arith.constant 0 : i32
      %dma_wait3A_1348 = arith.constant 0 : i32
      %dma_wait3A_1349 = tpu.memref_slice %arg4[%dma_wait3A_1347, %dma_wait3A_1348] : memref<16384x64xf32, #tpu.memory_space<hbm>> -> memref<32x64xf32, #tpu.memory_space<hbm>>
      %dma_wait3A_1350 = arith.constant 0 : i32
      %dma_wait3A_1351 = tpu.memref_slice %arg6[%sub3A_1344, %dma_wait3A_1350] : memref<512x64xf32, #tpu.memory_space<vmem>> -> memref<32x64xf32, #tpu.memory_space<vmem>>
      %dma_wait3A_1352 = arith.constant 0 : i32
      %dma_wait3A_1353 = arith.constant 0 : i32
      %dma_wait3A_1354 = tpu.memref_slice %arg4[%dma_wait3A_1352, %dma_wait3A_1353] : memref<16384x64xf32, #tpu.memory_space<hbm>> -> memref<32x64xf32, #tpu.memory_space<hbm>>
      tpu.wait_dma2 semaphore(%arg7 : memref<!tpu.dma_semaphore, #tpu.memory_space<semaphore_mem>>) src(%dma_wait3A_1354 : memref<32x64xf32, #tpu.memory_space<hbm>>) dst(%dma_wait3A_1351 : memref<32x64xf32, #tpu.memory_space<vmem>>)
    }
    %scan3A_615 = arith.constant 15 : i32
    %dma_wait3A = arith.constant 480 : i32
    %dma_wait3A_616 = arith.constant 0 : i32
    %dma_wait3A_617 = tpu.memref_slice %arg6[%dma_wait3A, %dma_wait3A_616] : memref<512x64xf32, #tpu.memory_space<vmem>> -> memref<32x64xf32, #tpu.memory_space<vmem>>
    %dma_wait3A_618 = arith.constant 0 : i32
    %dma_wait3A_619 = arith.constant 0 : i32
    %dma_wait3A_620 = tpu.memref_slice %arg4[%dma_wait3A_618, %dma_wait3A_619] : memref<16384x64xf32, #tpu.memory_space<hbm>> -> memref<32x64xf32, #tpu.memory_space<hbm>>
    %dma_wait3A_621 = arith.constant 480 : i32
    %dma_wait3A_622 = arith.constant 0 : i32
    %dma_wait3A_623 = tpu.memref_slice %arg6[%dma_wait3A_621, %dma_wait3A_622] : memref<512x64xf32, #tpu.memory_space<vmem>> -> memref<32x64xf32, #tpu.memory_space<vmem>>
    %dma_wait3A_624 = arith.constant 0 : i32
    %dma_wait3A_625 = arith.constant 0 : i32
    %dma_wait3A_626 = tpu.memref_slice %arg4[%dma_wait3A_624, %dma_wait3A_625] : memref<16384x64xf32, #tpu.memory_space<hbm>> -> memref<32x64xf32, #tpu.memory_space<hbm>>
    tpu.wait_dma2 semaphore(%arg7 : memref<!tpu.dma_semaphore, #tpu.memory_space<semaphore_mem>>) src(%dma_wait3A_626 : memref<32x64xf32, #tpu.memory_space<hbm>>) dst(%dma_wait3A_623 : memref<32x64xf32, #tpu.memory_space<vmem>>)
    "tpu.region"() ({
      %run_scoped3A = tpu.sem_alloc : memref<!tpu.dma_semaphore, #tpu.memory_space<semaphore_mem>>
      %dma_start3A_627 = arith.constant 0 : i32
      %dma_start3A_628 = tpu.memref_slice %arg4[%mul3A_2, %dma_start3A_627] : memref<16384x64xf32, #tpu.memory_space<hbm>> -> memref<512x64xf32, #tpu.memory_space<hbm>>
      %dma_start3A_629 = arith.constant 0 : i32
      %dma_start3A_630 = tpu.memref_slice %arg4[%mul3A_2, %dma_start3A_629] : memref<16384x64xf32, #tpu.memory_space<hbm>> -> memref<512x64xf32, #tpu.memory_space<hbm>>
      tpu.enqueue_dma source(%arg6 : memref<512x64xf32, #tpu.memory_space<vmem>>) target(%dma_start3A_630 : memref<512x64xf32, #tpu.memory_space<hbm>>) target_semaphore(%run_scoped3A : memref<!tpu.dma_semaphore, #tpu.memory_space<semaphore_mem>>)
      %dma_wait3A_631 = arith.constant 0 : i32
      %dma_wait3A_632 = tpu.memref_slice %arg4[%mul3A_2, %dma_wait3A_631] : memref<16384x64xf32, #tpu.memory_space<hbm>> -> memref<512x64xf32, #tpu.memory_space<hbm>>
      %dma_wait3A_633 = arith.constant 0 : i32
      %dma_wait3A_634 = tpu.memref_slice %arg4[%mul3A_2, %dma_wait3A_633] : memref<16384x64xf32, #tpu.memory_space<hbm>> -> memref<512x64xf32, #tpu.memory_space<hbm>>
      tpu.wait_dma2 semaphore(%run_scoped3A : memref<!tpu.dma_semaphore, #tpu.memory_space<semaphore_mem>>) src(%arg6 : memref<512x64xf32, #tpu.memory_space<vmem>>) dst(%dma_wait3A_634 : memref<512x64xf32, #tpu.memory_space<hbm>>)
      tpu.yield
    }) : () -> ()
    return
  }
}

module attributes {stable_mosaic.version = 14 : i64} {
  func.func @_mlp_body(%arg0: i32, %arg1: memref<4096x64xf32, #tpu.memory_space<vmem>>, %arg2: memref<64x64xf32, #tpu.memory_space<vmem>>, %arg3: memref<1x64xf32, #tpu.memory_space<vmem>>, %arg4: memref<1x64xf32, #tpu.memory_space<vmem>>, %arg5: memref<1x1xf32, #tpu.memory_space<vmem>>, %arg6: memref<1x4096xf32, #tpu.memory_space<vmem>>) attributes {dimension_semantics = [#tpu.dimension_semantics<arbitrary>], iteration_bounds = array<i64: 4>, scalar_prefetch = 0 : i64, scratch_operands = 0 : i64, tpu.core_type = #tpu.core_type<tc>, window_params = [{transform_indices = @transform_0, window_bounds = array<i64: 4096, 64>}, {pipeline_mode = #tpu.pipeline_mode<synchronous>, transform_indices = @transform_1, window_bounds = array<i64: 64, 64>}, {pipeline_mode = #tpu.pipeline_mode<synchronous>, transform_indices = @transform_2, window_bounds = array<i64: 1, 64>}, {pipeline_mode = #tpu.pipeline_mode<synchronous>, transform_indices = @transform_3, window_bounds = array<i64: 1, 64>}, {pipeline_mode = #tpu.pipeline_mode<synchronous>, transform_indices = @transform_4, window_bounds = array<i64: 1, 1>}, {transform_indices = @transform_5, window_bounds = array<i64: 1, 4096>}]} {
    %get3A = arith.constant 0 : index
    %get3A_0 = arith.constant 0 : index
    %get3A_1 = vector.load %arg1[%get3A, %get3A_0] : memref<4096x64xf32, #tpu.memory_space<vmem>>, vector<4096x64xf32>
    %get3A_2 = arith.constant 0 : index
    %get3A_3 = arith.constant 0 : index
    %get3A_4 = vector.load %arg2[%get3A_2, %get3A_3] : memref<64x64xf32, #tpu.memory_space<vmem>>, vector<64x64xf32>
    %dot_general3A = arith.constant dense<0.000000e+00> : vector<4096x64xf32>
    %dot_general3A_5 = tpu.matmul %get3A_1, %get3A_4, %dot_general3A {dimension_numbers = #tpu.dot_dimension_numbers<[1], [1], [0], [0], [0, 0, 1, 0], [], []>, transpose_lhs_hint = false} : vector<4096x64xf32>, vector<64x64xf32>, vector<4096x64xf32> -> vector<4096x64xf32>
    %get3A_6 = arith.constant 0 : index
    %get3A_7 = arith.constant 0 : index
    %get3A_8 = vector.load %arg3[%get3A_6, %get3A_7] : memref<1x64xf32, #tpu.memory_space<vmem>>, vector<1x64xf32>
    %add3A = vector.broadcast %get3A_8 : vector<1x64xf32> to vector<4096x64xf32>
    %add3A_9 = arith.addf %dot_general3A_5, %add3A : vector<4096x64xf32>
    %max3A = arith.constant 0.000000e+00 : f32
    %max3A_10 = vector.broadcast %max3A : f32 to vector<4096x64xf32>
    %max3A_11 = arith.maximumf %add3A_9, %max3A_10 : vector<4096x64xf32>
    %get3A_12 = arith.constant 0 : index
    %get3A_13 = arith.constant 0 : index
    %get3A_14 = vector.load %arg4[%get3A_12, %get3A_13] : memref<1x64xf32, #tpu.memory_space<vmem>>, vector<1x64xf32>
    %dot_general3A_15 = arith.constant dense<0.000000e+00> : vector<1x4096xf32>
    %dot_general3A_16 = tpu.matmul %get3A_14, %max3A_11, %dot_general3A_15 {dimension_numbers = #tpu.dot_dimension_numbers<[1], [1], [0], [0], [0, 0, 1, 0], [], []>, transpose_lhs_hint = false} : vector<1x64xf32>, vector<4096x64xf32>, vector<1x4096xf32> -> vector<1x4096xf32>
    %get3A_17 = arith.constant 0 : index
    %get3A_18 = arith.constant 0 : index
    %get3A_19 = vector.load %arg5[%get3A_17, %get3A_18] : memref<1x1xf32, #tpu.memory_space<vmem>>, vector<1x1xf32>
    %get3A_20 = vector.extract %get3A_19[0, 0] : f32 from vector<1x1xf32>
    %add3A_21 = vector.broadcast %get3A_20 : f32 to vector<1x4096xf32>
    %add3A_22 = arith.addf %dot_general3A_16, %add3A_21 : vector<1x4096xf32>
    %swap3A = arith.constant 0 : index
    %swap3A_23 = arith.constant 0 : index
    %swap3A_24 = vector.load %arg6[%swap3A, %swap3A_23] : memref<1x4096xf32, #tpu.memory_space<vmem>>, vector<1x4096xf32>
    tpu.vector_store %arg6[%swap3A, %swap3A_23], %add3A_22 {strides = array<i32>} : memref<1x4096xf32, #tpu.memory_space<vmem>>, vector<1x4096xf32>,
    return
  }
  func.func @transform_0(%arg0: i32) -> (i32, i32) {
    %c0_i32 = arith.constant 0 : i32
    %c0_i32_0 = arith.constant 0 : i32
    return %arg0, %c0_i32 : i32, i32
  }
  func.func @transform_1(%arg0: i32) -> (i32, i32) {
    %c0_i32 = arith.constant 0 : i32
    %c0_i32_0 = arith.constant 0 : i32
    %c0_i32_1 = arith.constant 0 : i32
    return %c0_i32, %c0_i32_0 : i32, i32
  }
  func.func @transform_2(%arg0: i32) -> (i32, i32) {
    %c0_i32 = arith.constant 0 : i32
    %c0_i32_0 = arith.constant 0 : i32
    %c0_i32_1 = arith.constant 0 : i32
    return %c0_i32, %c0_i32_0 : i32, i32
  }
  func.func @transform_3(%arg0: i32) -> (i32, i32) {
    %c0_i32 = arith.constant 0 : i32
    %c0_i32_0 = arith.constant 0 : i32
    %c0_i32_1 = arith.constant 0 : i32
    return %c0_i32, %c0_i32_0 : i32, i32
  }
  func.func @transform_4(%arg0: i32) -> (i32, i32) {
    %c0_i32 = arith.constant 0 : i32
    %c0_i32_0 = arith.constant 0 : i32
    %c0_i32_1 = arith.constant 0 : i32
    return %c0_i32, %c0_i32_0 : i32, i32
  }
  func.func @transform_5(%arg0: i32) -> (i32, i32) {
    %c0_i32 = arith.constant 0 : i32
    %c0_i32_0 = arith.constant 0 : i32
    return %c0_i32, %arg0 : i32, i32
  }
}

</mosaic_0001>

<sc_bundles>
// kernel: kernel.4.cloned.1.call-start
scs
__scs_entry_jumppad:
0x0: {  	(pc) =	sbr.rel $0x88, $3  }
0x1: {  	(tag) =	ssettag $0x0;
	lr =	simm.s32 $0x1  }
0x2: {  	[smem:$0x3F9B] =	sst lr;
	_ =	strace $0xD0000000  }
0x3: {  	_ = 	snop  }
0x4: {  	_ = 	snop  }
0x5: {  	_ = 	snop  }
0x6: {  	_ = 	snop  }
0x7: {  	_ = 	snop  }
__scs_overlays_trampoline_lowered:
0x8: {  	[smem:$0x3FAA] =	sst s0  }
0x9: {  	[smem:$0x3FAB] =	sst s1  }
0xa: {  	[smem:$0x3FAC] =	sst s2  }
0xb: {  	[smem:$0x3FAD] =	sst s3  }
0xc: {  	[smem:$0x3FAE] =	sst s4  }
0xd: {  	[smem:$0x3FAF] =	sst s5  }
0xe: {  	[smem:$0x3FB0] =	sst s6  }
0xf: {  	[smem:$0x3FB1] =	sst s7  }
0x10: {  	[smem:$0x3FB2] =	sst s8  }
0x11: {  	[smem:$0x3FB3] =	sst s9;
	s0 =	simm.s32 @!p0 $0x0  }
0x12: {  	s1 =	sld [smem:$0x3F99];
	s0 =	simm.s32 @p0 $0x1  }
0x13: {  	[smem:$0x3FB4] =	sst s0;
	s0 =	simm.s32 @!p1 $0x0  }
0x14: {  	s2 =	sld [smem:$0x3F98];
	s0 =	simm.s32 @p1 $0x1  }
0x15: {  	[smem:$0x3FB5] =	sst s0;
	s0 =	simm.s32 @!p2 $0x0  }
0x16: {  	s3 =	sld [smem:$0x3FDB];
	s0 =	simm.s32 @p2 $0x1  }
0x17: {  	s4 =	simm.s32 $0x1BF5;
	[smem:$0x3FB7] =	sst s0  }
0x18: {  	s0 =	sld [smem:$0x3F9A];
	_ =	swait.ge [sflag:s4], $0x0  }
0x19: {  	s7 =	sld [smem:$0x3F9B]  }
0x1a: {  	s8 =	sadd.s32 $0xFFFFE003, lr  }
0x1b: {  	s9 =	sadd.s32 $0xFFFFFEF7, lr;
	s5 =	simm.s32 $0xFFFFFFFF;
	p2 =	slt.u32 s8, $0xFFFFF086  }
0x1c: {  	p1 =	slt.u32 s9, $0xF7A;
	s5 =	simm.s32 @!p2 $0x0  }
0x1d: {  	s5 =	simm.s32 @p1 $0x1;
	p0 =	seq.s32 s7, s2  }
0x1e: {  	s7 =	smul.u32 @!p0 $0xF7A, s2;
	p2 =	seq.s32 @!p0 s5, $0x0  }
0x1f: {  	s9 =	smul.u32 $0xF7A, s1;
	s8 =	simm.s32 @!p0 $0x1BF5;
	p2 =	por !p2, p0  }
0x20: {  	[sflag:s8] =	ssyncset.s32 @!p0 $0xFFFFF086;
	s6 =	sadd.s32 @!p0 s3, s7;
	s7 =	simm.s32 @!p0 $0x108  }
0x21: {  	s3 =	sadd.s32 s3, s9;
	s6 =	sadd.s32 @!p0 $0x88, s6;
	s7 =	simm.s32 @p2 $0x1082  }
0x22: {  	[simem:s7], [sflag:s8] =	dma.local @!p0 [hbm:s6], $0xF7A  }
0x23: {  	s9 =	sor.u32 $0xD0000000, s2;
	s6 =	simm.s32 $0x108;
	_ =	swait.ge @!p0 [sflag:s8], $0x0  }
0x24: {  	s3 =	sadd.s32 $0x88, s3;
	s6 =	simm.s32 @!p1 $0x1082;
	[sflag:s4] =	ssyncset.s32 $0xFFFFF086  }
0x25: {  	[simem:s6], [sflag:s4] =	dma.local [hbm:s3], $0xF7A  }
0x26: {  	[smem:$0x3F9B] =	sst s1;
	(tag) =	ssettag s2;
	_ =	strace s9  }
0x27: {  	s1 =	sld [smem:$0x3FAB]  }
0x28: {  	s2 =	sld [smem:$0x3FAC]  }
0x29: {  	s4 =	sld [smem:$0x3FAE]  }
0x2a: {  	p0 =	seq.s32 s5, $0x0;
	s5 =	sld [smem:$0x3FAF]  }
0x2b: {  	s6 =	sld [smem:$0x3FB0]  }
0x2c: {  	s7 =	sld [smem:$0x3FB1]  }
0x2d: {  	s3 =	simm.s32 $0x108;
	s8 =	sld [smem:$0x3FB2]  }
0x2e: {  	s3 =	simm.s32 @!p0 $0x1082;
	s9 =	sld [smem:$0x3FB3]  }
0x2f: {  	lr =	sadd.s32 s0, s3;
	s0 =	sld [smem:$0x3FAA]  }
0x30: {  	s3 =	sld [smem:$0x3FAD]  }
0x31: {  	[smem:$0x3FB6] =	sst s10  }
0x32: {  	s10 =	sld [smem:$0x3FB4];
	_ =	sdelay $0x3  }
0x33: {  	p0 =	seq.s32 s10, $0x1;
	s10 =	sld [smem:$0x3FB6];
	_ =	sdelay $0x3  }
0x34: {  	[smem:$0x3FB6] =	sst s10  }
0x35: {  	s10 =	sld [smem:$0x3FB5];
	_ =	sdelay $0x3  }
0x36: {  	p1 =	seq.s32 s10, $0x1;
	s10 =	sld [smem:$0x3FB6];
	_ =	sdelay $0x3  }
0x37: {  	[smem:$0x3FB6] =	sst s10  }
0x38: {  	s10 =	sld [smem:$0x3FB7]  }
0x39: {  	_ = 	snop;
	(pc) =	sbr.ind lr, $3  }
0x3a: {  	_ = 	snop  }
0x3b: {  	_ = 	snop  }
0x3c: {  	p2 =	seq.s32 s10, $0x1;
	s10 =	sld [smem:$0x3FB6]  }
0x3d: {  	_ =	shalt  }
0x3e: {  	_ =	shalt  }
0x3f: {  	_ =	shalt  }
0x40: {  	_ =	shalt  }
0x41: {  	_ =	shalt  }
0x42: {  	_ =	shalt  }
0x43: {  	_ =	shalt  }
0x44: {  	_ =	shalt  }
0x45: {  	_ =	shalt  }
0x46: {  	_ =	shalt  }
0x47: {  	_ =	shalt  }
0x48: {  	_ =	shalt  }
0x49: {  	_ =	shalt  }
0x4a: {  	_ =	shalt  }
0x4b: {  	_ =	shalt  }
0x4c: {  	_ =	shalt  }
0x4d: {  	_ =	shalt  }
0x4e: {  	_ =	shalt  }
0x4f: {  	_ =	shalt  }
0x50: {  	_ =	shalt  }
0x51: {  	_ =	shalt  }
0x52: {  	_ =	shalt  }
0x53: {  	_ =	shalt  }
0x54: {  	_ =	shalt  }
0x55: {  	_ =	shalt  }
0x56: {  	_ =	shalt  }
0x57: {  	_ =	shalt  }
0x58: {  	_ =	shalt  }
0x59: {  	_ =	shalt  }
0x5a: {  	_ =	shalt  }
0x5b: {  	_ =	shalt  }
0x5c: {  	_ =	shalt  }
0x5d: {  	_ =	shalt  }
0x5e: {  	_ =	shalt  }
0x5f: {  	_ =	shalt  }
0x60: {  	_ =	shalt  }
0x61: {  	_ =	shalt  }
0x62: {  	_ =	shalt  }
0x63: {  	_ =	shalt  }
0x64: {  	_ =	shalt  }
0x65: {  	_ =	shalt  }
0x66: {  	_ =	shalt  }
0x67: {  	_ =	shalt  }
0x68: {  	_ =	shalt  }
0x69: {  	_ =	shalt  }
0x6a: {  	_ =	shalt  }
0x6b: {  	_ =	shalt  }
0x6c: {  	_ =	shalt  }
0x6d: {  	_ =	shalt  }
0x6e: {  	_ =	shalt  }
0x6f: {  	_ =	shalt  }
0x70: {  	_ =	shalt  }
0x71: {  	_ =	shalt  }
0x72: {  	_ =	shalt  }
0x73: {  	_ =	shalt  }
0x74: {  	_ =	shalt  }
0x75: {  	_ =	shalt  }
0x76: {  	_ =	shalt  }
0x77: {  	_ =	shalt  }
0x78: {  	_ =	shalt  }
0x79: {  	_ =	shalt  }
0x7a: {  	_ =	shalt  }
0x7b: {  	_ =	shalt  }
0x7c: {  	_ =	shalt  }
0x7d: {  	_ =	shalt  }
0x7e: {  	_ =	shalt  }
0x7f: {  	_ =	shalt  }
0x80: {  	_ =	shalt  }
0x81: {  	_ =	shalt  }
0x82: {  	_ =	shalt  }
0x83: {  	_ =	shalt  }
0x84: {  	_ =	shalt  }
0x85: {  	_ =	shalt  }
0x86: {  	_ =	shalt  }
0x87: {  	_ =	shalt  }
.Lfunc_end0:
.L_simem_size_0:
called_computation_lowered:
.L_overlay_start_0:
0x88: {  	s2 =	sld [smem:$0x3FD9]  }
0x89: {  	s3 =	sld [smem:$0x3FFE];
	_ =	sdelay $0x1  }
0x8a: {  	s1 =	srdreg.scid  }
0x8b: {  	s0 =	sand.u32 $0x1, s1  }
0x8c: {  	s17 =	sshll.u32 s0, $0xA;
	s2 =	sadd.s32 s3, s2  }
0x8d: {  	s2 =	sadd.s32 s2, s17  }
0x8e: {  	[smem:$0x3FC2] =	sst s2  }
0x8f: {  	_ = 	snop  }
0x90: {  	s2 =	sld [smem:$0x3FC9];
	(tm) =	ssettm $0x1  }
0x91: {  	s18 =	sld [smem:$0x3FFB];
	_ =	sdelay $0x3  }
0x92: {  	_ =	strace s18  }
0x93: {  	s3 =	sld [smem:$0x3FFC];
	_ =	sdelay $0x3  }
0x94: {  	_ =	strace s3  }
0x95: {  	s3 =	sld [smem:$0x3FFD];
	_ =	sdelay $0x3  }
0x96: {  	_ =	strace s3  }
0x97: {  	_ =	strace $0x8FFFFFFF  }
0x98: {  	s19 =	sld [smem:$0x3FDB];
	_ =	sdelay $0x1  }
0x99: {  	s4 =	simm.s32 $_scs_section_size  }
0x9a: {  	s5 =	simm.s32 $_size__tile_overlayer_lowered;
	s6 =	simm.s32 $_tile_overlayer_lowered  }
0x9b: {  	s22 =	simm.s32 $0x1BFF;
	s21 =	sshll.u32 s6, $0x1;
	s3 =	sadd.s32 s4, s19  }
0x9c: {  	s7 =	simm.s32 $0x0;
	s20 =	sshll.u32 s5, $0x1;
	s5 =	sadd.s32 s21, s3  }
0x9d: {  	[timem:s7], [sflag:s22] =	dma.local [hbm:s5], s20  }
0x9e: {  	_ =	swait.ge [sflag:s22], s20  }
0x9f: {  	s4 =	ssub.s32 $0x0, s20;
	[sflag:s22] =	ssyncset.done $0x0  }
0xa0: {  	[sflag:s22] =	ssyncadd.s32 s4;
	_ =	sdelay $0x1  }
0xa1: {  	s23 =	simm.s32 $0x1B8B  }
0xa2: {  	_ =	swait.ge [sflag:s23], $0x1  }
0xa3: {  	[sflag:s23] =	ssyncset.done $0x0  }
0xa4: {  	s25 =	simm.s32 $0x1B8E;
	s24 =	sld [smem:$0x3FFE];
	[sflag:s23] =	ssyncadd.s32 $0xFFFFFFFF  }
0xa5: {  	s26 =	simm.s32 $execute0_lowered;
	[smem:$0x3FD2] =	sst s25  }
0xa6: {  	s5 =	sshll.u32 s26, $0x1;
	_ =	strace $0x80000046;
	[dreg:$0x1] =	wrdreg $0xFFFFFFFF  }
0xa7: {  	s28 =	simm.s32 $_size_execute0_lowered;
	s3 =	sadd.s32 s3, s5;
	[dreg:$0x0] =	wrdreg $0x0  }
0xa8: {  	s5 =	sshll.u32 s28, $0x1;
	[dreg:$0x2] =	wrdreg s3  }
0xa9: {  	[dreg:$0x3] =	wrdreg s5  }
0xaa: {  	[dreg:$0x4] =	wrdreg $0xC0  }
0xab: {  	_ =	task [dreg:s7], $0x5FFFF  }
0xac: {  	[dreg:$0x1] =	wrdreg $0xFFFFFFFF  }
0xad: {  	[dreg:$0x0] =	wrdreg $0x60  }
0xae: {  	[dreg:$0x2] =	wrdreg s24  }
0xaf: {  	[dreg:$0x3] =	wrdreg s2  }
0xb0: {  	[dreg:$0x4] =	wrdreg $0x9  }
0xb1: {  	_ =	task.clear_ibuf [dreg:s7], $0x5FFFF;
	_ =	strace $0x90000046  }
0xb2: {  	s29 =	simm.s32 $0x9;
	_ =	strace $0x80000048  }
0xb3: {  	_ =	swait.ge [sflag:s29], $0x1  }
0xb4: {  	[sflag:s29] =	ssyncadd.s32 $0xFFFFFFFF  }
0xb5: {  	_ =	strace $0x90000048  }
0xb6: {  	_ =	sfence  }
0xb7: {  	s30 =	sld [smem:$0x0];
	_ =	sdelay $0x2  }
0xb8: {  	s31 =	sshll.u32 s1, $0xD;
	s1 =	sshrl.u32 s1, $0x2  }
0xb9: {  	s3 =	sand.u32 $0x4000, s31;
	s1 =	sadd.s32 s1, s30  }
0xba: {  	s0 =	sor.u32 s3, s0;
	s1 =	sshll.u32 s1, $0x11  }
0xbb: {  	s0 =	sor.u32 s1, s0  }
0xbc: {  	s0 =	sadd.s32 $0x8F2B, s0  }
0xbd: {  	[sflag:s0] =	ssyncadd.remote.s32 $0x1  }
0xbe: {  	_ =	sfence.sel $0xFFFF  }
0xbf: {  	[dreg:$0x0] =	wrdreg $0xFFFFFFFF;
	(pc) =	sbr.abs _section_cstart, $3  }
0xc0: {  	[dreg:$0x1] =	wrdreg $0xFFFFFFFF  }
0xc1: {  	_ =	task.clear_ibuf [dreg:s7], $0x2FFFF;
	_ =	strace $0x9FFFFFFF  }
0xc2: {  	(tm) =	ssettm $0x7FFFFFFF  }
0xc3: {  	_ =	shalt  }
tec
execute0_lowered:
.L_overlay_start_1:
0x0: {  	(tag) =	ssettag $0x1  }
0x1: {  	s0 =	rddreg [dreg:$0x0]  }
0x2: {  	s1 =	rddreg [dreg:$0x1]  }
0x3: {  	s3 =	srdreg.scid;
	s2 =	simm.s32 $0x0;
	s5 =	stileid.u32  }
0x4: {  	s7 =	simm.s32 $0x2;
	s8 =	simm.s32 $0x200;
	s15 =	simm.s32 $0x1180  }
0x5: {  	s16 =	simm.s32 $0x1;
	s17 =	simm.s32 $0x0;
	s4 =	sand.u32 $0x1, s3  }
0x6: {  	[smem:$0x7FF] =	sst s2;
	s29 =	sshll.u32 s5, $0xA;
	s30 =	sshll.u32 s4, $0x9  }
0x7: {  	s3 =	sadd.s32 $0xC00, s0;
	s4 =	ssub.s32 $0x2, s4;
	s5 =	sor.u32 s30, s29  }
0x8: {  	_ =	strace $0x80000047;
	s31 =	sshrl.u32 s4, $0x1;
	s6 =	sshll.u32 s5, $0x4  }
0x9: {  	s5 =	sshrl.u32 s5, $0x3;
	s0 =	sadd.s32 s6, s0;
	s6 =	ssub.s32 s4, s31  }
0xa: {  	s4 =	sadd.s32 s1, s5;
	s5 =	sadd.s32 $0xF43000, s0;
	s6 =	smax.u32 s6, $0x1  }
.LBB2_1:
0xb: {  	[tilespmem:s2], [sflag:$0x2] =	stream.linear.gather [hbm4b:s4+s2], $0x200, $0x38;
	[tilespmem:$0x10200] =	vst v63  }
0xc: {  	_ =	swait.ge [sflag:s7], $0x200  }
0xd: {  	[sflag:s7] =	ssyncset.done $0x0  }
0xe: {  	[sflag:s7] =	ssyncadd.s32 $0xFFFFFE00  }
0xf: {  	v0 =	vld [tilespmem:$0x0];
	_ =	sdelay $0x4  }
0x10: {  	v0 =	vshll.u32 v0, $0x4  }
0x11: {  	(v2sf) =	vpush v0, $0x0;
	_ =	sdelay $0x1  }
0x12: {  	(v2sf) =	vpush v0, $0x1;
	_ =	sdelay $0x2  }
0x13: {  	(v2sf) =	vpush v0, $0x2;
	_ =	sdelay $0x1  }
0x14: {  	(v2sf) =	vpush v0, $0x3  }
0x15: {  	(v2sf) =	vpush v0, $0x4;
	_ =	sdelay $0x1  }
0x16: {  	(v2sf) =	vpush v0, $0x5  }
0x17: {  	(v2sf) =	vpush v0, $0x6;
	_ =	sdelay $0x2  }
0x18: {  	(v2sf) =	vpush v0, $0x7  }
0x19: {  	s18 =	spop (v2sf)  }
0x1a: {  	s18 =	sand.u32 $0x1FFFFFF0, s18  }
0x1b: {  	s1 =	spop (v2sf);
	s18 =	sadd.s32 s3, s18  }
0x1c: {  	[tilespmem:s8], [sflag:$0x1] =	stream.linear.gather [hbm4b:s18+s2], $0x80, $0x38;
	[tilespmem:$0x10200] =	vst v63  }
0x1d: {  	s18 =	sand.u32 $0x1FFFFFF0, s1  }
0x1e: {  	s0 =	simm.s32 $0x280;
	s9 =	spop (v2sf);
	s18 =	sadd.s32 s3, s18  }
0x1f: {  	[tilespmem:s0], [sflag:$0x1] =	stream.linear.gather [hbm4b:s18+s2], $0x80, $0x38;
	[tilespmem:$0x10200] =	vst v63  }
0x20: {  	s11 =	spop (v2sf);
	s18 =	sand.u32 $0x1FFFFFF0, s9  }
0x21: {  	s10 =	simm.s32 $0x300;
	s13 =	spop (v2sf);
	(v2sf) =	vpush v0, $0x8;
	s18 =	sadd.s32 s3, s18  }
0x22: {  	[tilespmem:s10], [sflag:$0x1] =	stream.linear.gather [hbm4b:s18+s2], $0x80, $0x38;
	[tilespmem:$0x10200] =	vst v63  }
0x23: {  	s19 =	spop (v2sf);
	(v2sf) =	vpush v0, $0x9;
	s18 =	sand.u32 $0x1FFFFFF0, s11  }
0x24: {  	s12 =	simm.s32 $0x380;
	s21 =	spop (v2sf);
	s18 =	sadd.s32 s3, s18  }
0x25: {  	(v2sf) =	vpush v0, $0xA;
	[tilespmem:s12], [sflag:$0x1] =	stream.linear.gather [hbm4b:s18+s2], $0x80, $0x38;
	[tilespmem:$0x10200] =	vst v63  }
0x26: {  	s18 =	sand.u32 $0x1FFFFFF0, s13  }
0x27: {  	s14 =	simm.s32 $0x400;
	s23 =	spop (v2sf);
	s18 =	sadd.s32 s3, s18  }
0x28: {  	(v2sf) =	vpush v0, $0xB;
	[tilespmem:s14], [sflag:$0x1] =	stream.linear.gather [hbm4b:s18+s2], $0x80, $0x38;
	[tilespmem:$0x10200] =	vst v63  }
0x29: {  	s18 =	sand.u32 $0x1FFFFFF0, s19  }
0x2a: {  	s20 =	simm.s32 $0x480;
	s18 =	sadd.s32 s3, s18  }
0x2b: {  	[tilespmem:s20], [sflag:$0x1] =	stream.linear.gather [hbm4b:s18+s2], $0x80, $0x38;
	[tilespmem:$0x10200] =	vst v63  }
0x2c: {  	s18 =	sand.u32 $0x1FFFFFF0, s21  }
0x2d: {  	s22 =	simm.s32 $0x500;
	s18 =	sadd.s32 s3, s18  }
0x2e: {  	[tilespmem:s22], [sflag:$0x1] =	stream.linear.gather [hbm4b:s18+s2], $0x80, $0x38;
	[tilespmem:$0x10200] =	vst v63  }
0x2f: {  	s18 =	sand.u32 $0x1FFFFFF0, s23  }
0x30: {  	s24 =	simm.s32 $0x580;
	s18 =	sadd.s32 s3, s18;
	s25 =	spop (v2sf);
	(v2sf) =	vpush v0, $0xC  }
0x31: {  	[tilespmem:s24], [sflag:$0x1] =	stream.linear.gather [hbm4b:s18+s2], $0x80, $0x38;
	[tilespmem:$0x10200] =	vst v63  }
0x32: {  	s28 =	spop (v2sf);
	(v2sf) =	vpush v0, $0xD  }
0x33: {  	s18 =	sand.u32 $0x1FFFFFF0, s25  }
0x34: {  	s26 =	simm.s32 $0x600;
	s18 =	sadd.s32 s3, s18;
	s30 =	spop (v2sf)  }
0x35: {  	(v2sf) =	vpush v0, $0xE;
	[tilespmem:s26], [sflag:$0x1] =	stream.linear.gather [hbm4b:s18+s2], $0x80, $0x38;
	[tilespmem:$0x10200] =	vst v63  }
0x36: {  	s18 =	sand.u32 $0x1FFFFFF0, s28  }
0x37: {  	s29 =	simm.s32 $0x680;
	s0 =	spop (v2sf);
	s18 =	sadd.s32 s3, s18  }
0x38: {  	(v2sf) =	vpush v0, $0xF;
	[tilespmem:s29], [sflag:$0x1] =	stream.linear.gather [hbm4b:s18+s2], $0x80, $0x38;
	[tilespmem:$0x10200] =	vst v63  }
0x39: {  	s18 =	sand.u32 $0x1FFFFFF0, s30  }
0x3a: {  	s31 =	simm.s32 $0x700;
	s18 =	sadd.s32 s3, s18  }
0x3b: {  	[tilespmem:s31], [sflag:$0x1] =	stream.linear.gather [hbm4b:s18+s2], $0x80, $0x38;
	[tilespmem:$0x10200] =	vst v63  }
0x3c: {  	s18 =	sand.u32 $0x1FFFFFF0, s0  }
0x3d: {  	s1 =	simm.s32 $0x780;
	s18 =	sadd.s32 s3, s18  }
0x3e: {  	[tilespmem:s1], [sflag:$0x1] =	stream.linear.gather [hbm4b:s18+s2], $0x80, $0x38;
	[tilespmem:$0x10200] =	vst v63  }
0x3f: {  	s9 =	spop (v2sf)  }
0x40: {  	s18 =	sand.u32 $0x1FFFFFF0, s9  }
0x41: {  	s10 =	simm.s32 $0x800;
	s11 =	spop (v2sf);
	s18 =	sadd.s32 s3, s18  }
0x42: {  	[tilespmem:s10], [sflag:$0x1] =	stream.linear.gather [hbm4b:s18+s2], $0x80, $0x38;
	[tilespmem:$0x10200] =	vst v63  }
0x43: {  	s18 =	sand.u32 $0x1FFFFFF0, s11  }
0x44: {  	s12 =	simm.s32 $0x880;
	s13 =	spop (v2sf);
	s18 =	sadd.s32 s3, s18  }
0x45: {  	[tilespmem:s12], [sflag:$0x1] =	stream.linear.gather [hbm4b:s18+s2], $0x80, $0x38;
	[tilespmem:$0x10200] =	vst v63  }
0x46: {  	s18 =	sand.u32 $0x1FFFFFF0, s13  }
0x47: {  	s14 =	simm.s32 $0x900;
	s19 =	spop (v2sf);
	s18 =	sadd.s32 s3, s18  }
0x48: {  	[tilespmem:s14], [sflag:$0x1] =	stream.linear.gather [hbm4b:s18+s2], $0x80, $0x38;
	[tilespmem:$0x10200] =	vst v63  }
0x49: {  	s18 =	sand.u32 $0x1FFFFFF0, s19  }
0x4a: {  	s20 =	simm.s32 $0x980;
	s18 =	sadd.s32 s3, s18  }
0x4b: {  	[tilespmem:s20], [sflag:$0x1] =	stream.linear.gather [hbm4b:s18+s2], $0x80, $0x38;
	[tilespmem:$0x10200] =	vst v63  }
0x4c: {  	v61 =	vld [tilespmem:$0x10];
	_ =	sdelay $0x4  }
0x4d: {  	v0 =	vshll.u32 v61, $0x4  }
0x4e: {  	(v2sf) =	vpush v0, $0x0;
	_ =	sdelay $0x1  }
0x4f: {  	(v2sf) =	vpush v0, $0x1;
	_ =	sdelay $0x1  }
0x50: {  	(v2sf) =	vpush v0, $0x2;
	_ =	sdelay $0x2  }
0x51: {  	(v2sf) =	vpush v0, $0x3;
	_ =	sdelay $0x7  }
0x52: {  	s21 =	spop (v2sf);
	(v2sf) =	vpush v0, $0x4;
	_ =	sdelay $0x1  }
0x53: {  	s23 =	spop (v2sf);
	(v2sf) =	vpush v0, $0x5;
	_ =	sdelay $0x1  }
0x54: {  	s25 =	spop (v2sf);
	(v2sf) =	vpush v0, $0x6;
	_ =	sdelay $0x1  }
0x55: {  	s18 =	sand.u32 $0x1FFFFFF0, s21  }
0x56: {  	s22 =	simm.s32 $0xA00;
	s18 =	sadd.s32 s3, s18;
	s28 =	spop (v2sf);
	(v2sf) =	vpush v0, $0x7  }
0x57: {  	[tilespmem:s22], [sflag:$0x1] =	stream.linear.gather [hbm4b:s18+s2], $0x80, $0x38;
	[tilespmem:$0x10200] =	vst v63  }
0x58: {  	s18 =	sand.u32 $0x1FFFFFF0, s23  }
0x59: {  	s24 =	simm.s32 $0xA80;
	s18 =	sadd.s32 s3, s18  }
0x5a: {  	[tilespmem:s24], [sflag:$0x1] =	stream.linear.gather [hbm4b:s18+s2], $0x80, $0x38;
	[tilespmem:$0x10200] =	vst v63  }
0x5b: {  	s18 =	sand.u32 $0x1FFFFFF0, s25  }
0x5c: {  	s26 =	simm.s32 $0xB00;
	s18 =	sadd.s32 s3, s18  }
0x5d: {  	[tilespmem:s26], [sflag:$0x1] =	stream.linear.gather [hbm4b:s18+s2], $0x80, $0x38;
	[tilespmem:$0x10200] =	vst v63  }
0x5e: {  	s30 =	spop (v2sf);
	(v2sf) =	vpush v0, $0x8  }
0x5f: {  	s18 =	sand.u32 $0x1FFFFFF0, s28  }
0x60: {  	s29 =	simm.s32 $0xB80;
	s18 =	sadd.s32 s3, s18;
	s0 =	spop (v2sf);
	(v2sf) =	vpush v0, $0x9  }
0x61: {  	[tilespmem:s29], [sflag:$0x1] =	stream.linear.gather [hbm4b:s18+s2], $0x80, $0x38;
	[tilespmem:$0x10200] =	vst v63  }
0x62: {  	s18 =	sand.u32 $0x1FFFFFF0, s30;
	s9 =	spop (v2sf);
	(v2sf) =	vpush v0, $0xA  }
0x63: {  	s31 =	simm.s32 $0xC00;
	s18 =	sadd.s32 s3, s18  }
0x64: {  	[tilespmem:s31], [sflag:$0x1] =	stream.linear.gather [hbm4b:s18+s2], $0x80, $0x38;
	[tilespmem:$0x10200] =	vst v63  }
0x65: {  	s11 =	spop (v2sf);
	(v2sf) =	vpush v0, $0xB  }
0x66: {  	s18 =	sand.u32 $0x1FFFFFF0, s0  }
0x67: {  	s1 =	simm.s32 $0xC80;
	s18 =	sadd.s32 s3, s18  }
0x68: {  	[tilespmem:s1], [sflag:$0x1] =	stream.linear.gather [hbm4b:s18+s2], $0x80, $0x38;
	[tilespmem:$0x10200] =	vst v63  }
0x69: {  	s18 =	sand.u32 $0x1FFFFFF0, s9  }
0x6a: {  	s10 =	simm.s32 $0xD00;
	s18 =	sadd.s32 s3, s18  }
0x6b: {  	[tilespmem:s10], [sflag:$0x1] =	stream.linear.gather [hbm4b:s18+s2], $0x80, $0x38;
	[tilespmem:$0x10200] =	vst v63  }
0x6c: {  	s18 =	sand.u32 $0x1FFFFFF0, s11  }
0x6d: {  	s12 =	simm.s32 $0xD80;
	s18 =	sadd.s32 s3, s18;
	s13 =	spop (v2sf);
	(v2sf) =	vpush v0, $0xC  }
0x6e: {  	[tilespmem:s12], [sflag:$0x1] =	stream.linear.gather [hbm4b:s18+s2], $0x80, $0x38;
	[tilespmem:$0x10200] =	vst v63  }
0x6f: {  	s19 =	spop (v2sf);
	(v2sf) =	vpush v0, $0xD  }
0x70: {  	s18 =	sand.u32 $0x1FFFFFF0, s13  }
0x71: {  	s14 =	simm.s32 $0xE00;
	s18 =	sadd.s32 s3, s18;
	s21 =	spop (v2sf)  }
0x72: {  	(v2sf) =	vpush v0, $0xE;
	[tilespmem:s14], [sflag:$0x1] =	stream.linear.gather [hbm4b:s18+s2], $0x80, $0x38;
	[tilespmem:$0x10200] =	vst v63  }
0x73: {  	s18 =	sand.u32 $0x1FFFFFF0, s19  }
0x74: {  	s20 =	simm.s32 $0xE80;
	s23 =	spop (v2sf);
	s18 =	sadd.s32 s3, s18  }
0x75: {  	(v2sf) =	vpush v0, $0xF;
	[tilespmem:s20], [sflag:$0x1] =	stream.linear.gather [hbm4b:s18+s2], $0x80, $0x38;
	[tilespmem:$0x10200] =	vst v63  }
0x76: {  	s18 =	sand.u32 $0x1FFFFFF0, s21  }
0x77: {  	s22 =	simm.s32 $0xF00;
	s18 =	sadd.s32 s3, s18  }
0x78: {  	[tilespmem:s22], [sflag:$0x1] =	stream.linear.gather [hbm4b:s18+s2], $0x80, $0x38;
	[tilespmem:$0x10200] =	vst v63  }
0x79: {  	s18 =	sand.u32 $0x1FFFFFF0, s23  }
0x7a: {  	s24 =	simm.s32 $0xF80;
	s18 =	sadd.s32 s3, s18  }
0x7b: {  	[tilespmem:s24], [sflag:$0x1] =	stream.linear.gather [hbm4b:s18+s2], $0x80, $0x38;
	[tilespmem:$0x10200] =	vst v63  }
0x7c: {  	s25 =	spop (v2sf)  }
0x7d: {  	s18 =	sand.u32 $0x1FFFFFF0, s25  }
0x7e: {  	s26 =	simm.s32 $0x1000;
	s28 =	spop (v2sf);
	s18 =	sadd.s32 s3, s18  }
0x7f: {  	[tilespmem:s26], [sflag:$0x1] =	stream.linear.gather [hbm4b:s18+s2], $0x80, $0x38;
	[tilespmem:$0x10200] =	vst v63  }
0x80: {  	s18 =	sand.u32 $0x1FFFFFF0, s28  }
0x81: {  	s29 =	simm.s32 $0x1080;
	s30 =	spop (v2sf);
	s18 =	sadd.s32 s3, s18  }
0x82: {  	[tilespmem:s29], [sflag:$0x1] =	stream.linear.gather [hbm4b:s18+s2], $0x80, $0x38;
	[tilespmem:$0x10200] =	vst v63  }
0x83: {  	s18 =	sand.u32 $0x1FFFFFF0, s30  }
0x84: {  	s31 =	simm.s32 $0x1100;
	s1 =	spop (v2sf);
	s18 =	sadd.s32 s3, s18  }
0x85: {  	[tilespmem:s31], [sflag:$0x1] =	stream.linear.gather [hbm4b:s18+s2], $0x80, $0x38;
	[tilespmem:$0x10200] =	vst v63  }
0x86: {  	s18 =	sand.u32 $0x1FFFFFF0, s1  }
0x87: {  	s18 =	sadd.s32 s3, s18  }
0x88: {  	[tilespmem:s15], [sflag:$0x1] =	stream.linear.gather [hbm4b:s18+s2], $0x80, $0x38;
	[tilespmem:$0x10200] =	vst v63  }
0x89: {  	s18 =	simm.s32 $0x30  }
0x8a: {  	v62 =	vld [tilespmem:s18+$0xFFFFFFF0];
	_ =	sdelay $0x4  }
0x8b: {  	v0 =	vshll.u32 v62, $0x4  }
0x8c: {  	(v2sf) =	vpush v0, $0x1  }
0x8d: {  	(v2sf) =	vpush v0, $0x0  }
0x8e: {  	(v2sf) =	vpush v0, $0x2  }
0x8f: {  	(v2sf) =	vpush v0, $0x3;
	_ =	sdelay $0x1  }
0x90: {  	(v2sf) =	vpush v0, $0x4;
	_ =	sdelay $0x1  }
0x91: {  	(v2sf) =	vpush v0, $0x5;
	_ =	sdelay $0x1  }
0x92: {  	(v2sf) =	vpush v0, $0x6;
	_ =	sdelay $0x1  }
0x93: {  	(v2sf) =	vpush v0, $0x7;
	_ =	sdelay $0x1  }
0x94: {  	s9 =	simm.s32 $0x1280;
	s11 =	simm.s32 $0x1300  }
0x95: {  	s19 =	simm.s32 $0x1800;
	s22 =	simm.s32 $0x1200;
	s24 =	simm.s32 $0x1380  }
0x96: {  	s25 =	simm.s32 $0x1400;
	s29 =	simm.s32 $0x1480;
	s20 =	spop (v2sf);
	(v2sf) =	vpush v0, $0x8  }
0x97: {  	s31 =	simm.s32 $0x1500;
	s21 =	spop (v2sf);
	s20 =	sand.u32 $0x1FFFFFF0, s20  }
0x98: {  	s21 =	sand.u32 $0x1FFFFFF0, s21;
	s23 =	spop (v2sf);
	s20 =	sadd.s32 s3, s20  }
0x99: {  	(v2sf) =	vpush v0, $0x9;
	s21 =	sadd.s32 s3, s21;
	s10 =	spop (v2sf);
	s12 =	sand.u32 $0x1FFFFFF0, s23  }
0x9a: {  	[tilespmem:s22], [sflag:$0x1] =	stream.linear.gather [hbm4b:s21+s2], $0x80, $0x38;
	[tilespmem:$0x10200] =	vst v63  }
0x9b: {  	(v2sf) =	vpush v0, $0xA;
	s13 =	spop (v2sf);
	s22 =	sand.u32 $0x1FFFFFF0, s10;
	s21 =	sadd.s32 s3, s12  }
0x9c: {  	[tilespmem:s9], [sflag:$0x1] =	stream.linear.gather [hbm4b:s20+s2], $0x80, $0x38;
	[tilespmem:$0x10200] =	vst v63  }
0x9d: {  	(v2sf) =	vpush v0, $0xB;
	s12 =	simm.s32 $0x1600;
	s23 =	sand.u32 $0x1FFFFFF0, s13;
	s14 =	spop (v2sf)  }
0x9e: {  	[tilespmem:s11], [sflag:$0x1] =	stream.linear.gather [hbm4b:s21+s2], $0x80, $0x38;
	[tilespmem:$0x10200] =	vst v63  }
0x9f: {  	s22 =	sadd.s32 s3, s22;
	(v2sf) =	vpush v0, $0xC;
	s20 =	sand.u32 $0x1FFFFFF0, s14;
	s28 =	spop (v2sf)  }
0xa0: {  	[tilespmem:s24], [sflag:$0x1] =	stream.linear.gather [hbm4b:s22+s2], $0x80, $0x38;
	[tilespmem:$0x10200] =	vst v63  }
0xa1: {  	s26 =	sadd.s32 s3, s23;
	(v2sf) =	vpush v0, $0xD;
	s9 =	simm.s32 $0x1580;
	s0 =	spop (v2sf)  }
0xa2: {  	[tilespmem:s25], [sflag:$0x1] =	stream.linear.gather [hbm4b:s26+s2], $0x80, $0x38;
	[tilespmem:$0x10200] =	vst v63  }
0xa3: {  	s14 =	simm.s32 $0x1680;
	s20 =	sadd.s32 s3, s20;
	(v2sf) =	vpush v0, $0xE;
	s22 =	sand.u32 $0x1FFFFFF0, s0  }
0xa4: {  	[tilespmem:s29], [sflag:$0x1] =	stream.linear.gather [hbm4b:s20+s2], $0x80, $0x38;
	[tilespmem:$0x10200] =	vst v63  }
0xa5: {  	s30 =	sand.u32 $0x1FFFFFF0, s28;
	s10 =	sadd.s32 s3, s22;
	s1 =	spop (v2sf);
	(v2sf) =	vpush v0, $0xF  }
0xa6: {  	s25 =	simm.s32 $0x1700;
	s20 =	sadd.s32 s3, s30;
	s29 =	simm.s32 $0x1780  }
0xa7: {  	[tilespmem:s31], [sflag:$0x1] =	stream.linear.gather [hbm4b:s20+s2], $0x80, $0x38;
	[tilespmem:$0x10200] =	vst v63  }
0xa8: {  	s11 =	sand.u32 $0x1FFFFFF0, s1;
	s13 =	spop (v2sf);
	s31 =	simm.s32 $0x1880  }
0xa9: {  	[tilespmem:s9], [sflag:$0x1] =	stream.linear.gather [hbm4b:s10+s2], $0x80, $0x38;
	[tilespmem:$0x10200] =	vst v63  }
0xaa: {  	s22 =	sadd.s32 s3, s11;
	s21 =	sand.u32 $0x1FFFFFF0, s13;
	s23 =	spop (v2sf)  }
0xab: {  	[tilespmem:s12], [sflag:$0x1] =	stream.linear.gather [hbm4b:s22+s2], $0x80, $0x38;
	[tilespmem:$0x10200] =	vst v63  }
0xac: {  	s21 =	sadd.s32 s3, s21;
	s24 =	spop (v2sf);
	s22 =	sand.u32 $0x1FFFFFF0, s23  }
0xad: {  	[tilespmem:s14], [sflag:$0x1] =	stream.linear.gather [hbm4b:s21+s2], $0x80, $0x38;
	[tilespmem:$0x10200] =	vst v63  }
0xae: {  	s28 =	sand.u32 $0x1FFFFFF0, s24;
	s30 =	spop (v2sf);
	s26 =	sadd.s32 s3, s22  }
0xaf: {  	[tilespmem:s25], [sflag:$0x1] =	stream.linear.gather [hbm4b:s26+s2], $0x80, $0x38;
	[tilespmem:$0x10200] =	vst v63  }
0xb0: {  	s22 =	sadd.s32 s3, s28;
	s0 =	spop (v2sf);
	s21 =	sand.u32 $0x1FFFFFF0, s30  }
0xb1: {  	[tilespmem:s29], [sflag:$0x1] =	stream.linear.gather [hbm4b:s22+s2], $0x80, $0x38;
	[tilespmem:$0x10200] =	vst v63  }
0xb2: {  	s1 =	spop (v2sf);
	s21 =	sadd.s32 s3, s21;
	s22 =	sand.u32 $0x1FFFFFF0, s0  }
0xb3: {  	[tilespmem:s19], [sflag:$0x1] =	stream.linear.gather [hbm4b:s21+s2], $0x80, $0x38;
	[tilespmem:$0x10200] =	vst v63  }
0xb4: {  	s10 =	sand.u32 $0x1FFFFFF0, s1;
	s9 =	sadd.s32 s3, s22;
	s11 =	spop (v2sf)  }
0xb5: {  	[tilespmem:s31], [sflag:$0x1] =	stream.linear.gather [hbm4b:s9+s2], $0x80, $0x38;
	[tilespmem:$0x10200] =	vst v63  }
0xb6: {  	s12 =	simm.s32 $0x1900;
	s13 =	sadd.s32 s3, s10;
	s14 =	sand.u32 $0x1FFFFFF0, s11  }
0xb7: {  	[tilespmem:s12], [sflag:$0x1] =	stream.linear.gather [hbm4b:s13+s2], $0x80, $0x38;
	[tilespmem:$0x10200] =	vst v63  }
0xb8: {  	s22 =	simm.s32 $0x1980;
	s23 =	sadd.s32 s3, s14  }
0xb9: {  	[tilespmem:s22], [sflag:$0x1] =	stream.linear.gather [hbm4b:s23+s2], $0x80, $0x38;
	[tilespmem:$0x10200] =	vst v63  }
0xba: {  	v63 =	vld [tilespmem:s18+$0x0];
	_ =	sdelay $0x4  }
0xbb: {  	v0 =	vshll.u32 v63, $0x4  }
0xbc: {  	(v2sf) =	vpush v0, $0x0  }
0xbd: {  	(v2sf) =	vpush v0, $0x1;
	_ =	sdelay $0x2  }
0xbe: {  	(v2sf) =	vpush v0, $0x2  }
0xbf: {  	(v2sf) =	vpush v0, $0x3  }
0xc0: {  	(v2sf) =	vpush v0, $0x4;
	_ =	sdelay $0x1  }
0xc1: {  	(v2sf) =	vpush v0, $0x5;
	_ =	sdelay $0x1  }
0xc2: {  	(v2sf) =	vpush v0, $0x6;
	_ =	sdelay $0x1  }
0xc3: {  	(v2sf) =	vpush v0, $0x7;
	_ =	sdelay $0x1  }
0xc4: {  	s20 =	simm.s32 $0x1E80;
	s28 =	simm.s32 $0x1A80  }
0xc5: {  	s25 =	simm.s32 $0x1A00;
	s10 =	simm.s32 $0x1B80;
	s24 =	spop (v2sf)  }
0xc6: {  	s0 =	simm.s32 $0x1B00;
	s19 =	sand.u32 $0x1FFFFFF0, s24;
	s26 =	spop (v2sf)  }
0xc7: {  	s12 =	simm.s32 $0x1C00;
	s19 =	sadd.s32 s3, s19;
	s29 =	sand.u32 $0x1FFFFFF0, s26  }
0xc8: {  	(v2sf) =	vpush v0, $0x8;
	[tilespmem:s25], [sflag:$0x1] =	stream.linear.gather [hbm4b:s19+s2], $0x80, $0x38;
	[tilespmem:$0x10200] =	vst v63  }
0xc9: {  	(v2sf) =	vpush v0, $0x9;
	s30 =	spop (v2sf);
	s26 =	simm.s32 $0x1D00;
	s21 =	sadd.s32 s3, s29  }
0xca: {  	s22 =	sand.u32 $0x1FFFFFF0, s30;
	s31 =	spop (v2sf);
	s29 =	simm.s32 $0x1D80  }
0xcb: {  	(v2sf) =	vpush v0, $0xA;
	s19 =	simm.s32 $0x4000;
	s1 =	sadd.s32 s3, s22;
	s11 =	spop (v2sf)  }
0xcc: {  	[tilespmem:s28], [sflag:$0x1] =	stream.linear.gather [hbm4b:s21+s2], $0x80, $0x38;
	[tilespmem:$0x10200] =	vst v63  }
0xcd: {  	(v2sf) =	vpush v0, $0xB;
	s9 =	sand.u32 $0x1FFFFFF0, s31;
	s21 =	sand.u32 $0x1FFFFFF0, s11;
	s13 =	spop (v2sf)  }
0xce: {  	[tilespmem:s0], [sflag:$0x1] =	stream.linear.gather [hbm4b:s1+s2], $0x80, $0x38;
	[tilespmem:$0x10200] =	vst v63  }
0xcf: {  	(v2sf) =	vpush v0, $0xC;
	s22 =	sadd.s32 s3, s9;
	s21 =	sadd.s32 s3, s21;
	s14 =	spop (v2sf)  }
0xd0: {  	[tilespmem:s10], [sflag:$0x1] =	stream.linear.gather [hbm4b:s22+s2], $0x80, $0x38;
	[tilespmem:$0x10200] =	vst v63  }
0xd1: {  	(v2sf) =	vpush v0, $0xD;
	s25 =	sand.u32 $0x1FFFFFF0, s14;
	s28 =	spop (v2sf);
	s22 =	sand.u32 $0x1FFFFFF0, s13  }
0xd2: {  	[tilespmem:s12], [sflag:$0x1] =	stream.linear.gather [hbm4b:s21+s2], $0x80, $0x38;
	[tilespmem:$0x10200] =	vst v63  }
0xd3: {  	s0 =	simm.s32 $0x1E00;
	s24 =	sadd.s32 s3, s22;
	s21 =	simm.s32 $0x1C80  }
0xd4: {  	[tilespmem:s21], [sflag:$0x1] =	stream.linear.gather [hbm4b:s24+s2], $0x80, $0x38;
	[tilespmem:$0x10200] =	vst v63  }
0xd5: {  	(v2sf) =	vpush v0, $0xE;
	s10 =	simm.s32 $0x1F00;
	s22 =	sadd.s32 s3, s25;
	s25 =	simm.s32 $0x2000  }
0xd6: {  	[tilespmem:s26], [sflag:$0x1] =	stream.linear.gather [hbm4b:s22+s2], $0x80, $0x38;
	[tilespmem:$0x10200] =	vst v63  }
0xd7: {  	s12 =	simm.s32 $0x1F80;
	s21 =	sand.u32 $0x1FFFFFF0, s28;
	s30 =	spop (v2sf);
	(v2sf) =	vpush v0, $0xF  }
0xd8: {  	s21 =	sadd.s32 s3, s21;
	s22 =	sand.u32 $0x1FFFFFF0, s30;
	s31 =	spop (v2sf)  }
0xd9: {  	[tilespmem:s29], [sflag:$0x1] =	stream.linear.gather [hbm4b:s21+s2], $0x80, $0x38;
	[tilespmem:$0x10200] =	vst v63  }
0xda: {  	s1 =	sadd.s32 s3, s22;
	s9 =	sand.u32 $0x1FFFFFF0, s31;
	s11 =	spop (v2sf)  }
0xdb: {  	[tilespmem:s0], [sflag:$0x1] =	stream.linear.gather [hbm4b:s1+s2], $0x80, $0x38;
	[tilespmem:$0x10200] =	vst v63  }
0xdc: {  	s22 =	sadd.s32 s3, s9;
	s21 =	sand.u32 $0x1FFFFFF0, s11;
	s13 =	spop (v2sf)  }
0xdd: {  	[tilespmem:s20], [sflag:$0x1] =	stream.linear.gather [hbm4b:s22+s2], $0x80, $0x38;
	[tilespmem:$0x10200] =	vst v63  }
0xde: {  	s21 =	sadd.s32 s3, s21;
	s14 =	spop (v2sf);
	s22 =	sand.u32 $0x1FFFFFF0, s13  }
0xdf: {  	[tilespmem:s10], [sflag:$0x1] =	stream.linear.gather [hbm4b:s21+s2], $0x80, $0x38;
	[tilespmem:$0x10200] =	vst v63  }
0xe0: {  	s23 =	sand.u32 $0x1FFFFFF0, s14;
	s24 =	spop (v2sf);
	s22 =	sadd.s32 s3, s22  }
0xe1: {  	[tilespmem:s12], [sflag:$0x1] =	stream.linear.gather [hbm4b:s22+s2], $0x80, $0x38;
	[tilespmem:$0x10200] =	vst v63  }
0xe2: {  	s29 =	simm.s32 $0x2080;
	s26 =	sadd.s32 s3, s23;
	s28 =	sand.u32 $0x1FFFFFF0, s24  }
0xe3: {  	[tilespmem:s25], [sflag:$0x1] =	stream.linear.gather [hbm4b:s26+s2], $0x80, $0x38;
	[tilespmem:$0x10200] =	vst v63  }
0xe4: {  	s20 =	simm.s32 $0x0;
	s30 =	sadd.s32 s3, s28;
	s31 =	spop (v2sf)  }
0xe5: {  	[tilespmem:s29], [sflag:$0x1] =	stream.linear.gather [hbm4b:s30+s2], $0x80, $0x38;
	[tilespmem:$0x10200] =	vst v63  }
0xe6: {  	s21 =	simm.s32 $0x2100;
	s23 =	sand.u32 $0x1FFFFFF0, s31;
	s24 =	spop (v2sf)  }
.LBB2_2:
0xe7: {  	s22 =	sadd.s32 s3, s23;
	s23 =	sand.u32 $0x1FFFFFF0, s24;
	s18 =	sadd.s32 $0x20, s18  }
0xe8: {  	[tilespmem:s21], [sflag:$0x1] =	stream.linear.gather [hbm4b:s22+s2], $0x80, $0x38;
	[tilespmem:$0x10200] =	vst v63  }
0xe9: {  	p0 =	sne.s32 s19, $0x38000;
	s20 =	sadd.s32 $0x2180, s20;
	s21 =	sadd.s32 s3, s23  }
0xea: {  	[tilespmem:s20], [sflag:$0x1] =	stream.linear.gather [hbm4b:s21+s2], $0x80, $0x38;
	[tilespmem:$0x10200] =	vst v63  }
0xeb: {  	s20 =	smov.u32 s19;
	s19 =	sadd.s32 $0x4000, s19;
	_ =	swait.ge [sflag:s16], $0x1000  }
0xec: {  	[sflag:s16] =	ssyncset.done $0x0  }
0xed: {  	[sflag:s16] =	ssyncadd.s32 $0xFFFFF000  }
0xee: {  	v0 =	vld [tilespmem:s18+$0xFFFFFFF0];
	_ =	sdelay $0x4  }
0xef: {  	v0 =	vshll.u32 v0, $0x4  }
0xf0: {  	(v2sf) =	vpush v0, $0x1  }
0xf1: {  	(v2sf) =	vpush v0, $0x0  }
0xf2: {  	(v2sf) =	vpush v0, $0x2  }
0xf3: {  	(v2sf) =	vpush v0, $0x3  }
0xf4: {  	(v2sf) =	vpush v0, $0x4;
	_ =	sdelay $0x1  }
0xf5: {  	(v2sf) =	vpush v0, $0x5;
	_ =	sdelay $0x3  }
0xf6: {  	(v2sf) =	vpush v0, $0x6;
	_ =	sdelay $0x1  }
0xf7: {  	s20 =	sshra.s32 s20, $0x2  }
0xf8: {  	s23 =	sadd.s32 $0x1800, s20;
	s22 =	sadd.s32 $0x1880, s20;
	s21 =	sadd.s32 $0x2100, s20  }
0xf9: {  	s29 =	sadd.s32 $0x1200, s20;
	s30 =	sadd.s32 $0x1280, s20;
	s24 =	sadd.s32 $0x1780, s20;
	(v2sf) =	vpush v0, $0x7  }
0xfa: {  	s26 =	sadd.s32 $0x1680, s20;
	s25 =	sadd.s32 $0x1700, s20;
	s28 =	spop (v2sf)  }
0xfb: {  	s0 =	sadd.s32 $0x1300, s20;
	s31 =	sand.u32 $0x1FFFFFF0, s28;
	s28 =	spop (v2sf);
	(v2sf) =	vpush v0, $0x8  }
0xfc: {  	s1 =	sand.u32 $0x1FFFFFF0, s28;
	s28 =	sadd.s32 $0x1600, s20;
	s9 =	spop (v2sf)  }
0xfd: {  	s1 =	sadd.s32 s3, s1;
	s9 =	sand.u32 $0x1FFFFFF0, s9;
	s10 =	spop (v2sf);
	(v2sf) =	vpush v0, $0x9  }
0xfe: {  	s11 =	sadd.s32 $0x1580, s20;
	s10 =	sand.u32 $0x1FFFFFF0, s10;
	s12 =	spop (v2sf)  }
0xff: {  	[tilespmem:s29], [sflag:$0x1] =	stream.linear.gather [hbm4b:s1+s2], $0x80, $0x38;
	(v2sf) =	vpush v0, $0xA;
	[tilespmem:$0x10200] =	vst v63  }
0x100: {  	s1 =	sadd.s32 s3, s31;
	s12 =	sand.u32 $0x1FFFFFF0, s12;
	s29 =	spop (v2sf)  }
0x101: {  	[tilespmem:s30], [sflag:$0x1] =	stream.linear.gather [hbm4b:s1+s2], $0x80, $0x38;
	(v2sf) =	vpush v0, $0xB;
	[tilespmem:$0x10200] =	vst v63  }
0x102: {  	s1 =	sadd.s32 s3, s9;
	s9 =	sadd.s32 $0x1380, s20;
	s29 =	sand.u32 $0x1FFFFFF0, s29  }
0x103: {  	[tilespmem:s0], [sflag:$0x1] =	stream.linear.gather [hbm4b:s1+s2], $0x80, $0x38;
	(v2sf) =	vpush v0, $0xC;
	[tilespmem:$0x10200] =	vst v63  }
0x104: {  	s0 =	sadd.s32 s3, s10;
	s1 =	sadd.s32 $0x1400, s20;
	s10 =	spop (v2sf)  }
0x105: {  	[tilespmem:s9], [sflag:$0x1] =	stream.linear.gather [hbm4b:s0+s2], $0x80, $0x38;
	(v2sf) =	vpush v0, $0xD;
	[tilespmem:$0x10200] =	vst v63  }
0x106: {  	s0 =	sadd.s32 s3, s12;
	s9 =	sadd.s32 $0x1480, s20;
	s10 =	sand.u32 $0x1FFFFFF0, s10  }
0x107: {  	[tilespmem:s1], [sflag:$0x1] =	stream.linear.gather [hbm4b:s0+s2], $0x80, $0x38;
	(v2sf) =	vpush v0, $0xE;
	[tilespmem:$0x10200] =	vst v63  }
0x108: {  	s0 =	sadd.s32 s3, s29;
	s1 =	sadd.s32 $0x1500, s20;
	s12 =	spop (v2sf)  }
0x109: {  	[tilespmem:s9], [sflag:$0x1] =	stream.linear.gather [hbm4b:s0+s2], $0x80, $0x38;
	(v2sf) =	vpush v0, $0xF;
	[tilespmem:$0x10200] =	vst v63  }
0x10a: {  	s0 =	sadd.s32 s3, s10;
	s9 =	sand.u32 $0x1FFFFFF0, s12;
	s10 =	spop (v2sf)  }
0x10b: {  	[tilespmem:s1], [sflag:$0x1] =	stream.linear.gather [hbm4b:s0+s2], $0x80, $0x38;
	[tilespmem:$0x10200] =	vst v63  }
0x10c: {  	s0 =	sadd.s32 s3, s9;
	s1 =	sand.u32 $0x1FFFFFF0, s10;
	s9 =	spop (v2sf)  }
0x10d: {  	[tilespmem:s11], [sflag:$0x1] =	stream.linear.gather [hbm4b:s0+s2], $0x80, $0x38;
	[tilespmem:$0x10200] =	vst v63  }
0x10e: {  	s0 =	sadd.s32 s3, s1;
	s1 =	sand.u32 $0x1FFFFFF0, s9;
	s9 =	spop (v2sf)  }
0x10f: {  	[tilespmem:s28], [sflag:$0x1] =	stream.linear.gather [hbm4b:s0+s2], $0x80, $0x38;
	[tilespmem:$0x10200] =	vst v63  }
0x110: {  	s0 =	sadd.s32 s3, s1;
	s1 =	sand.u32 $0x1FFFFFF0, s9;
	s9 =	spop (v2sf)  }
0x111: {  	[tilespmem:s26], [sflag:$0x1] =	stream.linear.gather [hbm4b:s0+s2], $0x80, $0x38;
	[tilespmem:$0x10200] =	vst v63  }
0x112: {  	s0 =	sadd.s32 s3, s1;
	s1 =	sand.u32 $0x1FFFFFF0, s9;
	s9 =	spop (v2sf)  }
0x113: {  	[tilespmem:s25], [sflag:$0x1] =	stream.linear.gather [hbm4b:s0+s2], $0x80, $0x38;
	[tilespmem:$0x10200] =	vst v63  }
0x114: {  	s0 =	sadd.s32 s3, s1;
	s1 =	sand.u32 $0x1FFFFFF0, s9;
	s9 =	spop (v2sf)  }
0x115: {  	[tilespmem:s24], [sflag:$0x1] =	stream.linear.gather [hbm4b:s0+s2], $0x80, $0x38;
	[tilespmem:$0x10200] =	vst v63  }
0x116: {  	s0 =	sadd.s32 s3, s1;
	s1 =	sand.u32 $0x1FFFFFF0, s9;
	s9 =	spop (v2sf)  }
0x117: {  	[tilespmem:s23], [sflag:$0x1] =	stream.linear.gather [hbm4b:s0+s2], $0x80, $0x38;
	[tilespmem:$0x10200] =	vst v63  }
0x118: {  	s0 =	sadd.s32 s3, s1;
	s1 =	sand.u32 $0x1FFFFFF0, s9;
	s9 =	spop (v2sf)  }
0x119: {  	[tilespmem:s22], [sflag:$0x1] =	stream.linear.gather [hbm4b:s0+s2], $0x80, $0x38;
	[tilespmem:$0x10200] =	vst v63  }
0x11a: {  	s1 =	sadd.s32 s3, s1;
	s0 =	sadd.s32 $0x1900, s20;
	s9 =	sand.u32 $0x1FFFFFF0, s9  }
0x11b: {  	[tilespmem:s0], [sflag:$0x1] =	stream.linear.gather [hbm4b:s1+s2], $0x80, $0x38;
	[tilespmem:$0x10200] =	vst v63  }
0x11c: {  	s0 =	sadd.s32 $0x1980, s20;
	s1 =	sadd.s32 s3, s9  }
0x11d: {  	[tilespmem:s0], [sflag:$0x1] =	stream.linear.gather [hbm4b:s1+s2], $0x80, $0x38;
	[tilespmem:$0x10200] =	vst v63  }
0x11e: {  	v0 =	vld [tilespmem:s18+$0x0];
	_ =	sdelay $0x4  }
0x11f: {  	v0 =	vshll.u32 v0, $0x4  }
0x120: {  	(v2sf) =	vpush v0, $0x0  }
0x121: {  	(v2sf) =	vpush v0, $0x1  }
0x122: {  	(v2sf) =	vpush v0, $0x2;
	_ =	sdelay $0x1  }
0x123: {  	(v2sf) =	vpush v0, $0x3;
	_ =	sdelay $0x1  }
0x124: {  	(v2sf) =	vpush v0, $0x4;
	_ =	sdelay $0x1  }
0x125: {  	(v2sf) =	vpush v0, $0x5;
	_ =	sdelay $0x1  }
0x126: {  	(v2sf) =	vpush v0, $0x6  }
0x127: {  	s23 =	sadd.s32 $0x2000, s20;
	s22 =	sadd.s32 $0x2080, s20  }
0x128: {  	s26 =	sadd.s32 $0x1E80, s20;
	s25 =	sadd.s32 $0x1F00, s20;
	s24 =	sadd.s32 $0x1F80, s20;
	(v2sf) =	vpush v0, $0x7  }
0x129: {  	s30 =	sadd.s32 $0x1D00, s20;
	s29 =	sadd.s32 $0x1D80, s20;
	s28 =	sadd.s32 $0x1E00, s20  }
0x12a: {  	s9 =	sadd.s32 $0x1C80, s20;
	s0 =	sadd.s32 $0x1B80, s20;
	s1 =	sadd.s32 $0x1C00, s20;
	(v2sf) =	vpush v0, $0x8  }
0x12b: {  	s10 =	sadd.s32 $0x1A80, s20;
	s11 =	sadd.s32 $0x1B00, s20;
	s12 =	spop (v2sf)  }
0x12c: {  	s31 =	sadd.s32 $0x1A00, s20;
	s12 =	sand.u32 $0x1FFFFFF0, s12;
	s13 =	spop (v2sf);
	(v2sf) =	vpush v0, $0x9  }
0x12d: {  	s12 =	sadd.s32 s3, s12;
	s13 =	sand.u32 $0x1FFFFFF0, s13;
	s14 =	spop (v2sf)  }
0x12e: {  	[tilespmem:s31], [sflag:$0x1] =	stream.linear.gather [hbm4b:s12+s2], $0x80, $0x38;
	(v2sf) =	vpush v0, $0xA;
	[tilespmem:$0x10200] =	vst v63  }
0x12f: {  	s12 =	sadd.s32 s3, s13;
	s13 =	sand.u32 $0x1FFFFFF0, s14;
	s14 =	spop (v2sf)  }
0x130: {  	[tilespmem:s10], [sflag:$0x1] =	stream.linear.gather [hbm4b:s12+s2], $0x80, $0x38;
	(v2sf) =	vpush v0, $0xB;
	[tilespmem:$0x10200] =	vst v63  }
0x131: {  	s10 =	sadd.s32 s3, s13;
	s12 =	sand.u32 $0x1FFFFFF0, s14;
	s13 =	spop (v2sf)  }
0x132: {  	[tilespmem:s11], [sflag:$0x1] =	stream.linear.gather [hbm4b:s10+s2], $0x80, $0x38;
	(v2sf) =	vpush v0, $0xC;
	[tilespmem:$0x10200] =	vst v63  }
0x133: {  	s10 =	sadd.s32 s3, s12;
	s11 =	sand.u32 $0x1FFFFFF0, s13;
	s12 =	spop (v2sf)  }
0x134: {  	[tilespmem:s0], [sflag:$0x1] =	stream.linear.gather [hbm4b:s10+s2], $0x80, $0x38;
	(v2sf) =	vpush v0, $0xD;
	[tilespmem:$0x10200] =	vst v63  }
0x135: {  	s0 =	sadd.s32 s3, s11;
	s10 =	sand.u32 $0x1FFFFFF0, s12;
	s11 =	spop (v2sf)  }
0x136: {  	[tilespmem:s1], [sflag:$0x1] =	stream.linear.gather [hbm4b:s0+s2], $0x80, $0x38;
	(v2sf) =	vpush v0, $0xE;
	[tilespmem:$0x10200] =	vst v63  }
0x137: {  	s0 =	sadd.s32 s3, s10;
	s1 =	sand.u32 $0x1FFFFFF0, s11;
	s10 =	spop (v2sf)  }
0x138: {  	[tilespmem:s9], [sflag:$0x1] =	stream.linear.gather [hbm4b:s0+s2], $0x80, $0x38;
	(v2sf) =	vpush v0, $0xF;
	[tilespmem:$0x10200] =	vst v63  }
0x139: {  	s0 =	sadd.s32 s3, s1;
	s1 =	sand.u32 $0x1FFFFFF0, s10;
	s9 =	spop (v2sf)  }
0x13a: {  	[tilespmem:s30], [sflag:$0x1] =	stream.linear.gather [hbm4b:s0+s2], $0x80, $0x38;
	[tilespmem:$0x10200] =	vst v63  }
0x13b: {  	s0 =	sadd.s32 s3, s1;
	s1 =	sand.u32 $0x1FFFFFF0, s9;
	s9 =	spop (v2sf)  }
0x13c: {  	[tilespmem:s29], [sflag:$0x1] =	stream.linear.gather [hbm4b:s0+s2], $0x80, $0x38;
	[tilespmem:$0x10200] =	vst v63  }
0x13d: {  	s0 =	sadd.s32 s3, s1;
	s1 =	sand.u32 $0x1FFFFFF0, s9;
	s9 =	spop (v2sf)  }
0x13e: {  	[tilespmem:s28], [sflag:$0x1] =	stream.linear.gather [hbm4b:s0+s2], $0x80, $0x38;
	[tilespmem:$0x10200] =	vst v63  }
0x13f: {  	s0 =	sadd.s32 s3, s1;
	s1 =	sand.u32 $0x1FFFFFF0, s9;
	s9 =	spop (v2sf)  }
0x140: {  	[tilespmem:s26], [sflag:$0x1] =	stream.linear.gather [hbm4b:s0+s2], $0x80, $0x38;
	[tilespmem:$0x10200] =	vst v63  }
0x141: {  	s0 =	sadd.s32 s3, s1;
	s1 =	sand.u32 $0x1FFFFFF0, s9;
	s9 =	spop (v2sf)  }
0x142: {  	[tilespmem:s25], [sflag:$0x1] =	stream.linear.gather [hbm4b:s0+s2], $0x80, $0x38;
	[tilespmem:$0x10200] =	vst v63  }
0x143: {  	s0 =	sadd.s32 s3, s1;
	s1 =	sand.u32 $0x1FFFFFF0, s9;
	s9 =	spop (v2sf)  }
0x144: {  	[tilespmem:s24], [sflag:$0x1] =	stream.linear.gather [hbm4b:s0+s2], $0x80, $0x38;
	[tilespmem:$0x10200] =	vst v63  }
.Ltmp0:
0x145: {  	_ = 	snop;
	(pc) =	sbr.rel @p0 .LBB2_2-.Ltmp0, $4  }
0x146: {  	s0 =	sadd.s32 s3, s1;
	s1 =	sand.u32 $0x1FFFFFF0, s9;
	s9 =	spop (v2sf)  }
0x147: {  	[tilespmem:s23], [sflag:$0x1] =	stream.linear.gather [hbm4b:s0+s2], $0x80, $0x38;
	[tilespmem:$0x10200] =	vst v63  }
0x148: {  	s0 =	sadd.s32 s3, s1;
	s23 =	sand.u32 $0x1FFFFFF0, s9;
	s24 =	spop (v2sf)  }
0x149: {  	[tilespmem:s22], [sflag:$0x1] =	stream.linear.gather [hbm4b:s0+s2], $0x80, $0x38;
	[tilespmem:$0x10200] =	vst v63  }
0x14a: {  	s0 =	sadd.s32 s3, s23;
	s1 =	sand.u32 $0x1FFFFFF0, s24  }
0x14b: {  	[tilespmem:s21], [sflag:$0x1] =	stream.linear.gather [hbm4b:s0+s2], $0x80, $0x38;
	[tilespmem:$0x10200] =	vst v63  }
0x14c: {  	s31 =	sadd.s32 $0x2180, s20;
	s1 =	sadd.s32 s3, s1  }
0x14d: {  	[tilespmem:s31], [sflag:$0x1] =	stream.linear.gather [hbm4b:s1+s2], $0x80, $0x38;
	[tilespmem:$0x10200] =	vst v63  }
0x14e: {  	_ =	swait.ge [sflag:s16], $0x1000  }
0x14f: {  	[sflag:s16] =	ssyncset.done $0x0  }
0x150: {  	[sflag:s16] =	ssyncadd.s32 $0xFFFFF000  }
0x151: {  	s17 =	sadd.s32 $0x1, s17;
	_ =	swait.ge [sflag:s16], $0x1000  }
0x152: {  	p0 =	sne.s32 s17, s6;
	[sflag:s16] =	ssyncset.done $0x0  }
.Ltmp1:
0x153: {  	[sflag:s16] =	ssyncadd.s32 $0xFFFFF000;
	(pc) =	sbr.rel @p0 .LBB2_1-.Ltmp1, $4  }
0x154: {  	[hbm4b:s5+s2] =	stream.linear.scatter [tilespmem:s8], [sflag:$0x2], $0x10000, $0x38;
	[tilespmem:$0x10200] =	vst v63  }
0x155: {  	_ =	swait.ge [sflag:s7], $0x10000  }
0x156: {  	[sflag:s7] =	ssyncset.done $0x0  }
0x157: {  	[sflag:s7] =	ssyncadd.s32 $0xFFFF0000  }
0x158: {  	_ =	sfence.sel $0x180000  }
0x159: {  	[bflag:$0x0] =	sbarrier.arrive $0xFFFF  }
0x15a: {  	_ =	strace $0x90000047  }
0x15b: {  	s0 =	stileid.u32;
	[bflag:$0x2] =	sbarrier.arrive $0xFFFF  }
0x15c: {  	p0 =	sne.s32 s0, $0x0;
	s0 =	rddreg [dreg:$0x2]  }
0x15d: {  	s0 =	sadd.s32 @!p0 $0x100000, s0  }
0x15e: {  	[sflag:s0] =	ssyncadd.tile.s32 @!p0 $0x1;
	_ =	shalt  }
.Lfunc_end2:
_tile_overlayer_lowered:
.L_overlay_start_2:
0x15f: {  	(tag) =	ssettag $0x2  }
0x160: {  	s0 =	rddreg [dreg:$0x0];
	s2 =	stileid.u32  }
0x161: {  	s1 =	rddreg [dreg:$0x1];
	p0 =	sne.s32 s2, $0x0  }
0x162: {  	s3 =	rddreg [dreg:$0x2];
	[bflag:$0x3] =	sbarrier.arrive $0xFFFF;
	s2 =	simm.s32 @!p0 $0x1C02  }
0x163: {  	[timem:s3], [sflag:s2] =	dma.local @!p0 [hbm:s0], s1  }
0x164: {  	s0 =	simm.s32 @!p0 $0x2  }
0x165: {  	_ =	swait.ge @!p0 [sflag:s0], s1  }
0x166: {  	s1 =	ssub.s32 @!p0 $0x0, s1;
	[sflag:s0] =	ssyncset.done @!p0 $0x0  }
0x167: {  	[sflag:s0] =	ssyncadd.s32 @!p0 s1  }
0x168: {  	[bflag:$0x3] =	sbarrier.arrive $0xFFFF  }
0x169: {  	_ =	shalt  }

</sc_bundles>
